<compile_context>
chip_gen: v7x
topology: tpu7x:2x2x1
jax: 0.10.2.dev20260603
libtpu: 0.0.44.dev20260713+nightly
codegen_flags: <defaults>
</compile_context>

<pallas_src>
import jax
import jax.numpy as jnp
import numpy as np
from jax import lax
from jax.experimental import pallas as pl
from jax.experimental.pallas import tpu as pltpu
from jax.experimental.pallas import tpu_sc as plsc

N = 800000
S = 50000

_T = np.float32(0.1)
_ALPHA2 = np.clip((np.float32(1.0) - _T * _T) ** np.float32(2.0), np.float32(1e-5), np.float32(1.0))
_ALPHA = np.sqrt(_ALPHA2).astype(np.float32)
_SIGMA = np.sqrt(np.float32(1.0) - _ALPHA2).astype(np.float32)

_NC, _NS = 2, 16
_NW = _NC * _NS
_RPW = N // _NW
_CHUNK = 1000
_NCH = _RPW // _CHUNK
_CHUNKA = 5000
_NCHA = _RPW // _CHUNKA

_SPAD = 50176
_TS = _SPAD // _NS
_TW = _SPAD // _NW

_BLK = 16384
_NBLK = -(-N // _BLK)
_NPAD = _NBLK * _BLK
_RPWC = _NPAD // _NW
_CHUNKC = 1568
_NCHC = _RPWC // _CHUNKC

_MESH = plsc.VectorSubcoreMesh(core_axis_name="c", subcore_axis_name="s")
_SC_PARAMS = pltpu.CompilerParams(needs_layout_passes=False,
                                  use_tc_tiling_on_sc=False)


def _stats_body(x0_hbm, x1_hbm, x2_hbm, e0_hbm, e1_hbm, e2_hbm, idx_hbm,
                out_hbm, cbufs, ibuf, onebuf, tbuf, table, sem):
    cidx = lax.axis_index("c")
    sidx = lax.axis_index("s")
    w = sidx * _NC + cidx
    t0 = sidx * _TS * 7
    iota = lax.iota(jnp.int32, 16)
    ones16 = jnp.full((16,), 1.0, jnp.float32)
    zer16 = jnp.full((16,), 0.0, jnp.float32)

    def fill_ones(j, carry):
        onebuf[pl.ds(j * 16, 16)] = ones16
        return carry

    lax.fori_loop(0, _CHUNKA // 16 + 1, fill_ones, 0)

    def fill_zeros(j, carry):
        tbuf[pl.ds(j * 16, 16)] = zer16
        return carry

    lax.fori_loop(0, _TS * 7 // 16, fill_zeros, 0)
    pltpu.sync_copy(tbuf, table.at[pl.ds(t0, _TS * 7)])
    plsc.subcore_barrier()
    cols = (x0_hbm, x1_hbm, x2_hbm, e0_hbm, e1_hbm, e2_hbm)

    def chunk_body(k, carry):
        r0 = w * _RPW + k * _CHUNKA
        descs = [pltpu.async_copy(cols[c].at[pl.ds(r0, _CHUNKA)],
                                  cbufs.at[pl.ds(c * _CHUNKA, _CHUNKA)], sem)
                 for c in range(6)]
        pltpu.sync_copy(idx_hbm.at[pl.ds(r0, _CHUNKA)], ibuf)
        for d in descs:
            d.wait()
        adds = [pltpu.async_copy(cbufs.at[pl.ds(c * _CHUNKA, _CHUNKA)],
                                 table.at[pl.ds(c * _SPAD, _SPAD)].at[ibuf.at[...]],
                                 sem, add=True)
                for c in range(6)]
        adds.append(pltpu.async_copy(
            onebuf, table.at[pl.ds(6 * _SPAD, _SPAD)].at[ibuf.at[...]],
            sem, add=True))
        for d in adds:
            d.wait()
        return carry

    lax.fori_loop(0, _NCHA, chunk_body, 0)
    plsc.subcore_barrier()
    pltpu.sync_copy(table.at[pl.ds(t0, _TS * 7)], tbuf)
    pltpu.sync_copy(tbuf, out_hbm.at[pl.ds(cidx * _SPAD * 7 + t0, _TS * 7)])


_stats = pl.kernel(
    _stats_body,
    out_type=jax.ShapeDtypeStruct((2 * _SPAD * 7,), jnp.float32),
    mesh=_MESH,
    compiler_params=_SC_PARAMS,
    scratch_types=[
        pltpu.VMEM((6 * _CHUNKA,), jnp.float32),
        pltpu.VMEM((_CHUNKA,), jnp.int32),
        pltpu.VMEM((_CHUNKA,), jnp.float32),
        pltpu.VMEM((_TS * 7,), jnp.float32),
        pltpu.VMEM_SHARED((_SPAD * 7,), jnp.float32),
        pltpu.SemaphoreType.DMA,
    ],
)


def _gather_body(parts_hbm, idx_hbm, o0_hbm, o1_hbm, o2_hbm, o3_hbm, o4_hbm,
                 o5_hbm, o6_hbm, pa, pb, cbuf, ibuf, gbuf, table, sem):
    cidx = lax.axis_index("c")
    sidx = lax.axis_index("s")
    w = sidx * _NC + cidx
    t0 = sidx * _TS
    for c in range(7):
        pltpu.sync_copy(parts_hbm.at[pl.ds(c * _SPAD + t0, _TS)],
                        pa.at[pl.ds(c * _TS, _TS)])
        pltpu.sync_copy(parts_hbm.at[pl.ds(_SPAD * 7 + c * _SPAD + t0, _TS)],
                        pb.at[pl.ds(c * _TS, _TS)])

    def comb_body(j, carry):
        st = j * 16
        cnt = pa[pl.ds(6 * _TS + st, 16)] + pb[pl.ds(6 * _TS + st, 16)]
        inv = jnp.float32(1.0) / jnp.maximum(cnt, 1.0)
        for col in range(3):
            cbuf[pl.ds(col * _TS + st, 16)] = (
                pa[pl.ds(col * _TS + st, 16)]
                + pb[pl.ds(col * _TS + st, 16)]) * inv
        for col in range(3, 6):
            cbuf[pl.ds(col * _TS + st, 16)] = (
                pa[pl.ds(col * _TS + st, 16)]
                + pb[pl.ds(col * _TS + st, 16)]) * (inv * _SIGMA)
        cbuf[pl.ds(6 * _TS + st, 16)] = inv
        return carry

    lax.fori_loop(0, _TS // 16, comb_body, 0)
    for c in range(7):
        pltpu.sync_copy(cbuf.at[pl.ds(c * _TS, _TS)],
                        table.at[pl.ds(c * _SPAD + t0, _TS)])
    plsc.subcore_barrier()

    outs = (o0_hbm, o1_hbm, o2_hbm, o3_hbm, o4_hbm, o5_hbm, o6_hbm)

    def chunk_body(k, carry):
        r0 = w * _RPW + k * _CHUNKA
        pltpu.sync_copy(idx_hbm.at[pl.ds(r0, _CHUNKA)], ibuf)
        gets = [pltpu.async_copy(
            table.at[pl.ds(c * _SPAD, _SPAD)].at[ibuf.at[...]],
            gbuf.at[pl.ds(c * _CHUNKA, _CHUNKA)], sem) for c in range(7)]
        for d in gets:
            d.wait()
        puts = [pltpu.async_copy(gbuf.at[pl.ds(c * _CHUNKA, _CHUNKA)],
                                 outs[c].at[pl.ds(r0, _CHUNKA)], sem)
                for c in range(7)]
        for d in puts:
            d.wait()
        return carry

    lax.fori_loop(0, _RPW // _CHUNKA, chunk_body, 0)


_gather = pl.kernel(
    _gather_body,
    out_type=[jax.ShapeDtypeStruct((N,), jnp.float32)] * 7,
    mesh=_MESH,
    compiler_params=_SC_PARAMS,
    scratch_types=[
        pltpu.VMEM((7 * _TS,), jnp.float32),
        pltpu.VMEM((7 * _TS,), jnp.float32),
        pltpu.VMEM((7 * _TS,), jnp.float32),
        pltpu.VMEM((_CHUNKA,), jnp.int32),
        pltpu.VMEM((7 * _CHUNKA,), jnp.float32),
        pltpu.VMEM_SHARED((_SPAD * 7,), jnp.float32),
        pltpu.SemaphoreType.DMA,
    ],
)


def _dense_body(mol_ref, ex_ref, eh_ref, g0, g1, g2, g3, g4, g5, g6,
                w1t_ref, w2t_ref, r_ref, loss_ref):
    x3 = mol_ref[0:3, :]
    xh = mol_ref[3:19, :]
    com = jnp.stack([g0[...], g1[...], g2[...]], axis=0)
    m2 = jnp.stack([g3[...], g4[...], g5[...]], axis=0)
    invc = g6[...]
    ex = ex_ref[...]
    tx = x3 - com
    zx = _ALPHA * tx + _SIGMA * ex - m2
    zh = (_ALPHA * np.float32(0.25)) * xh + _SIGMA * eh_ref[...]
    z = jnp.concatenate([zx, zh], axis=0)
    h = jnp.maximum(jnp.dot(w1t_ref[...], z, preferred_element_type=jnp.float32), 0.0)
    e3 = jnp.dot(w2t_ref[...], h, preferred_element_type=jnp.float32)
    zhat = (np.float32(1.0) / _ALPHA) * zx - (_SIGMA / _ALPHA) * e3
    dr = tx - zhat
    r = jnp.sum(dr * dr, axis=0) * (invc * np.float32(1.0 / 3.0))
    dl = ex - e3
    l = jnp.sum(dl * dl, axis=0) * invc
    i = pl.program_id(0)
    valid = i * _BLK + lax.iota(jnp.int32, _BLK) < N
    r_ref[...] = jnp.where(valid, r, 0.0)
    l = jnp.where(valid, l, 0.0)

    @pl.when(i == 0)
    def _init():
        loss_ref[...] = jnp.zeros((1, 1), jnp.float32)

    loss_ref[...] += jnp.sum(l)[None, None]


def _dense_pass(mol_t, ex_t, eh_t, g, W1t, W2t):
    gspecs = [pl.BlockSpec((_BLK,), lambda i: (i,)) for _ in range(7)]
    return pl.pallas_call(
        _dense_body,
        grid=(_NBLK,),
        in_specs=[
            pl.BlockSpec((19, _BLK), lambda i: (0, i)),
            pl.BlockSpec((3, _BLK), lambda i: (0, i)),
            pl.BlockSpec((16, _BLK), lambda i: (0, i)),
            *gspecs,
            pl.BlockSpec((64, 19), lambda i: (0, 0)),
            pl.BlockSpec((3, 64), lambda i: (0, 0)),
        ],
        out_specs=[
            pl.BlockSpec((_BLK,), lambda i: (i,)),
            pl.BlockSpec((1, 1), lambda i: (0, 0)),
        ],
        out_shape=[
            jax.ShapeDtypeStruct((_NPAD,), jnp.float32),
            jax.ShapeDtypeStruct((1, 1), jnp.float32),
        ],
    )(mol_t, ex_t, eh_t, *g, W1t, W2t)


def _rscatter_body(r_hbm, idxp_hbm, out_hbm, rbuf, ibuf, zbuf, table):
    cidx = lax.axis_index("c")
    sidx = lax.axis_index("s")
    w = sidx * _NC + cidx
    t0 = sidx * _TS
    zer16 = jnp.full((16,), 0.0, jnp.float32)

    def fill_zeros(j, carry):
        zbuf[pl.ds(j * 16, 16)] = zer16
        return carry

    lax.fori_loop(0, _TS // 16, fill_zeros, 0)
    pltpu.sync_copy(zbuf, table.at[pl.ds(t0, _TS)])
    plsc.subcore_barrier()

    def chunk_body(k, carry):
        r0 = w * _RPWC + k * _CHUNKC
        pltpu.sync_copy(r_hbm.at[pl.ds(r0, _CHUNKC)], rbuf)
        pltpu.sync_copy(idxp_hbm.at[pl.ds(r0, _CHUNKC)], ibuf)
        pltpu.sync_copy(rbuf, table.at[ibuf.at[...]], add=True)
        return carry

    lax.fori_loop(0, _NCHC, chunk_body, 0)
    plsc.subcore_barrier()
    pltpu.sync_copy(table.at[pl.ds(t0, _TS)], zbuf)
    pltpu.sync_copy(zbuf, out_hbm.at[pl.ds(cidx * _SPAD + t0, _TS)])


_rscatter = pl.kernel(
    _rscatter_body,
    out_type=jax.ShapeDtypeStruct((2 * _SPAD,), jnp.float32),
    mesh=_MESH,
    compiler_params=_SC_PARAMS,
    scratch_types=[
        pltpu.VMEM((_CHUNKC,), jnp.float32),
        pltpu.VMEM((_CHUNKC,), jnp.int32),
        pltpu.VMEM((_TS,), jnp.float32),
        pltpu.VMEM_SHARED((_SPAD,), jnp.float32),
    ],
)


def _final_body(rp_ref, loss_ref, lo_ref, ro_ref):
    rsum = rp_ref[pl.ds(0, _SPAD)] + rp_ref[pl.ds(_SPAD, _SPAD)]
    ro_ref[...] = (jnp.sum(jnp.sqrt(rsum)) * np.float32(1.0 / S))[None, None]
    lo_ref[...] = loss_ref[...] * np.float32(1.0 / (6.0 * S))


def _final(rparts, loss_acc):
    return pl.pallas_call(
        _final_body,
        out_shape=[
            jax.ShapeDtypeStruct((1, 1), jnp.float32),
            jax.ShapeDtypeStruct((1, 1), jnp.float32),
        ],
    )(rparts, loss_acc)


def kernel(mol_x, mol_idx, pro_x, pro_idx, eps_x_mol, eps_h_mol, eps_h_pro, W1m, W2m, W1p, W2p):
    idx = mol_idx.astype(jnp.int32)
    idx_pad = jnp.concatenate([idx, jnp.zeros((_NPAD - N,), jnp.int32)])
    parts = _stats(mol_x[:, 0], mol_x[:, 1], mol_x[:, 2],
                   eps_x_mol[:, 0], eps_x_mol[:, 1], eps_x_mol[:, 2], idx)
    g = _gather(parts, idx)
    r, loss_acc = _dense_pass(mol_x.T, eps_x_mol.T, eps_h_mol.T,
                              g, W1m.T, W2m.T[:3])
    rparts = _rscatter(r, idx_pad)
    lo, ro = _final(rparts, loss_acc)
    return (lo[0, 0], ro[0, 0])

# --- scband reference (transcript-rebuilt; emitter-appended) ---
"""Pipeline reference for scband-conditional-diffusion-model-56212531970583 (READ-ONLY COPY).

The authoritative reference and input builder live on the scoring server;
editing this copy changes nothing except your own understanding.
"""

import jax, jax.numpy as jnp
import numpy as np

S = 50000
T = 1000
NORM = (1.0, 4.0)

def scatter_mean(src, idx, num_segments):
    s = jax.ops.segment_sum(src, idx, num_segments=num_segments)
    cnt = jax.ops.segment_sum(jnp.ones((src.shape[0], 1), src.dtype), idx, num_segments=num_segments)
    return s / jnp.clip(cnt, 1.0)

def setup_inputs(seed: int = 0):
    key = jax.random.key(seed)
    ks = jax.random.split(key, 11)
    N_mol = 800000
    N_pro = 800000
    mol_x = jax.random.normal(ks[0], (N_mol, 19), jnp.float32)
    mol_idx = jnp.sort(jax.random.randint(ks[1], (N_mol,), 0, S))
    pro_x = jax.random.normal(ks[2], (N_pro, 24), jnp.float32)
    pro_idx = jnp.sort(jax.random.randint(ks[3], (N_pro,), 0, S))
    eps_x_mol = jax.random.normal(ks[4], (N_mol, 3), jnp.float32)
    eps_h_mol = jax.random.normal(ks[5], (N_mol, 16), jnp.float32)
    eps_h_pro = jax.random.normal(ks[6], (N_pro, 21), jnp.float32)
    W1m = jax.random.normal(ks[7], (19, 64), jnp.float32) * 0.05
    W2m = jax.random.normal(ks[8], (64, 19), jnp.float32) * 0.05
    W1p = jax.random.normal(ks[9], (24, 64), jnp.float32) * 0.05
    W2p = jax.random.normal(ks[10], (64, 24), jnp.float32) * 0.05
    return {"mol_x": mol_x, "mol_idx": mol_idx, "pro_x": pro_x, "pro_idx": pro_idx, "eps_x_mol": eps_x_mol, "eps_h_mol": eps_h_mol, "eps_h_pro": eps_h_pro, "W1m": W1m, "W2m": W2m, "W1p": W1p, "W2p": W2p}

def reference(mol_x, mol_idx, pro_x, pro_idx, eps_x_mol, eps_h_mol, eps_h_pro, W1m, W2m, W1p, W2p):
    mol_size = jnp.clip(jnp.bincount(mol_idx, length=S), 1).astype(jnp.float32)
    # mol_target centering (scatter_mean + gather)
    com = scatter_mean(mol_x[:, :3], mol_idx, S)
    mol_target_x = mol_x[:, :3] - com[mol_idx]
    # noise_process: normalize
    mx = mol_x[:, :3] / NORM[0]
    mh = mol_x[:, 3:] / NORM[1]
    px = pro_x[:, :3] / NORM[0]
    ph = pro_x[:, 3:] / NORM[1]
    # torch code forces t[:, :] = 100 then t = t / T -> constant 0.1
    t = jnp.full((S, 1), 100.0 / T, dtype=jnp.float32)
    # polynomial noise schedule stand-in for Noise_Schedule
    alpha2 = jnp.clip((1.0 - t ** 2) ** 2, 1e-5, 1.0)
    alpha_t = jnp.sqrt(alpha2)
    sigma_t = jnp.sqrt(1.0 - alpha2)
    xh_mol = jnp.concatenate([mx, mh], axis=1)
    xh_pro = jnp.concatenate([px, ph], axis=1)
    # joint COM removal (com_old=False branch)
    mean = scatter_mean(xh_mol[:, :3], mol_idx, S)
    xh_mol = xh_mol.at[:, :3].set(xh_mol[:, :3] - mean[mol_idx])
    xh_pro = xh_pro.at[:, :3].set(xh_pro[:, :3] - mean[pro_idx])
    epsilon_mol = jnp.concatenate([eps_x_mol, eps_h_mol], axis=1)
    epsilon_pro = jnp.concatenate([jnp.zeros((pro_x.shape[0], 3), jnp.float32), eps_h_pro], axis=1)
    z_t_mol = alpha_t[mol_idx] * xh_mol + sigma_t[mol_idx] * epsilon_mol
    z_t_pro = xh_pro
    mean2 = scatter_mean(z_t_mol[:, :3], mol_idx, S)
    z_t_mol = z_t_mol.at[:, :3].set(z_t_mol[:, :3] - mean2[mol_idx])
    z_t_pro = z_t_pro.at[:, :3].set(z_t_pro[:, :3] - mean2[pro_idx])
    # neural_net stand-in: per-token 2-layer MLP
    eh_mol = jax.nn.relu(z_t_mol @ W1m) @ W2m
    eh_pro = jax.nn.relu(z_t_pro @ W1p) @ W2p
    # denoised estimate + rmse (scatter_add segment reduction)
    z_hat = (1.0 / alpha_t)[mol_idx] * z_t_mol - (sigma_t / alpha_t)[mol_idx] * eh_mol
    err_rmse = jax.ops.segment_sum(jnp.sum((mol_target_x - z_hat[:, :3]) ** 2, axis=-1), mol_idx, num_segments=S)
    rmse = jnp.sqrt(err_rmse / (3.0 * mol_size))
    # train_loss core (protein_pocket_fixed -> error_pro = 0, t != 0 -> no t0 terms)
    error_mol = jax.ops.segment_sum(jnp.sum((epsilon_mol[:, :3] - eh_mol[:, :3]) ** 2, axis=-1), mol_idx, num_segments=S)
    error_mol = error_mol / (3.0 * mol_size)
    loss_t = 0.5 * error_mol
    return (loss_t.mean(0), rmse.mean(0))

if __name__ == "__main__":
    import jax
    _d = setup_inputs()
    print(jax.jit(kernel)(*tuple(_d.values())))

</pallas_src>

<mosaic_0001>
#map = affine_map<(d0, d1) -> (0)>
module attributes {stable_mosaic.version = 14 : i64} {
  func.func @_stats_body(%arg0: i32, %arg1: i32, %arg2: memref<800000xf32, #tpu.memory_space<hbm>>, %arg3: memref<800000xf32, #tpu.memory_space<hbm>>, %arg4: memref<800000xf32, #tpu.memory_space<hbm>>, %arg5: memref<800000xf32, #tpu.memory_space<hbm>>, %arg6: memref<800000xf32, #tpu.memory_space<hbm>>, %arg7: memref<800000xf32, #tpu.memory_space<hbm>>, %arg8: memref<800000xi32, #tpu.memory_space<hbm>>, %arg9: memref<702464xf32, #tpu.memory_space<hbm>>, %arg10: memref<30000xf32, #tpu.memory_space<vmem>>, %arg11: memref<5000xi32, #tpu.memory_space<vmem>>, %arg12: memref<5000xf32, #tpu.memory_space<vmem>>, %arg13: memref<21952xf32, #tpu.memory_space<vmem>>, %arg14: memref<351232xf32, #tpu.memory_space<vmem_shared>>, %arg15: memref<!tpu.dma_semaphore, #tpu.memory_space<semaphore_mem>>) attributes {dimension_semantics = [#tpu.dimension_semantics<core_parallel>, #tpu.dimension_semantics<subcore_parallel>], iteration_bounds = array<i64: 2, 16>, scalar_prefetch = 0 : i64, scratch_operands = 6 : i64, tpu.core_type = #tpu.core_type<sc_vector_subcore>, window_params = [{transform_indices = #map}, {transform_indices = #map}, {transform_indices = #map}, {transform_indices = #map}, {transform_indices = #map}, {transform_indices = #map}, {transform_indices = #map}, {transform_indices = #map}]} {
    %mul3A = arith.constant 2 : i32
    %mul3A_0 = arith.muli %arg1, %mul3A : i32
    %add3A = arith.addi %mul3A_0, %arg0 : i32
    %mul3A_1 = arith.constant 3136 : i32
    %mul3A_2 = arith.muli %arg1, %mul3A_1 : i32
    %mul3A_3 = arith.constant 7 : i32
    %mul3A_4 = arith.muli %mul3A_2, %mul3A_3 : i32
    %iota3A = tpu.iota {dimensions = array<i32: 0>} : vector<16xi32>
    %broadcast_in_dim3A = arith.constant 1.000000e+00 : f32
    %broadcast_in_dim3A_5 = vector.broadcast %broadcast_in_dim3A : f32 to vector<16xf32>
    %broadcast_in_dim3A_6 = arith.constant 0.000000e+00 : f32
    %broadcast_in_dim3A_7 = vector.broadcast %broadcast_in_dim3A_6 : f32 to vector<16xf32>
    %scan3A = arith.constant 0 : i32
    %scan3A_8 = arith.constant 0 : i32
    %scan3A_9 = arith.constant 313 : i32
    %scan3A_10 = arith.addi %scan3A_8, %scan3A_9 : i32
    %scan3A_11 = arith.constant 1 : i32
    scf.for %scan3A_31 = %scan3A_8 to %scan3A_10 step %scan3A_11  : i32 {
      %mul3A_32 = arith.constant 16 : i32
      %mul3A_33 = arith.muli %scan3A_31, %mul3A_32 : i32
      %swap3A = arith.index_cast %mul3A_33 : i32 to index
      %swap3A_34 = tpu.vector_load %arg12[%swap3A] {strides = array<i32>} : memref<5000xf32, #tpu.memory_space<vmem>>, vector<16xf32>,
      tpu.vector_store %arg12[%swap3A], %broadcast_in_dim3A_5 {strides = array<i32>} : memref<5000xf32, #tpu.memory_space<vmem>>, vector<16xf32>,
    }
    %scan3A_12 = arith.constant 313 : i32
    %scan3A_13 = arith.constant 0 : i32
    %scan3A_14 = arith.constant 0 : i32
    %scan3A_15 = arith.constant 1372 : i32
    %scan3A_16 = arith.addi %scan3A_14, %scan3A_15 : i32
    %scan3A_17 = arith.constant 1 : i32
    scf.for %scan3A_31 = %scan3A_14 to %scan3A_16 step %scan3A_17  : i32 {
      %mul3A_32 = arith.constant 16 : i32
      %mul3A_33 = arith.muli %scan3A_31, %mul3A_32 : i32
      %swap3A = arith.index_cast %mul3A_33 : i32 to index
      %swap3A_34 = tpu.vector_load %arg13[%swap3A] {strides = array<i32>} : memref<21952xf32, #tpu.memory_space<vmem>>, vector<16xf32>,
      tpu.vector_store %arg13[%swap3A], %broadcast_in_dim3A_7 {strides = array<i32>} : memref<21952xf32, #tpu.memory_space<vmem>>, vector<16xf32>,
    }
    %scan3A_18 = arith.constant 1372 : i32
    "tpu.region"() ({
      %run_scoped3A = tpu.sem_alloc : memref<!tpu.dma_semaphore, #tpu.memory_space<semaphore_mem>>
      %dma_start3A = tpu.memref_slice %arg14[%mul3A_4] : memref<351232xf32, #tpu.memory_space<vmem_shared>> -> memref<21952xf32, #tpu.memory_space<vmem_shared>>
      %dma_start3A_31 = tpu.memref_slice %arg14[%mul3A_4] : memref<351232xf32, #tpu.memory_space<vmem_shared>> -> memref<21952xf32, #tpu.memory_space<vmem_shared>>
      tpu.enqueue_dma source(%arg13 : memref<21952xf32, #tpu.memory_space<vmem>>) target(%dma_start3A_31 : memref<21952xf32, #tpu.memory_space<vmem_shared>>) target_semaphore(%run_scoped3A : memref<!tpu.dma_semaphore, #tpu.memory_space<semaphore_mem>>)
      %dma_wait3A = tpu.memref_slice %arg14[%mul3A_4] : memref<351232xf32, #tpu.memory_space<vmem_shared>> -> memref<21952xf32, #tpu.memory_space<vmem_shared>>
      %dma_wait3A_32 = tpu.memref_slice %arg14[%mul3A_4] : memref<351232xf32, #tpu.memory_space<vmem_shared>> -> memref<21952xf32, #tpu.memory_space<vmem_shared>>
      tpu.wait_dma2 semaphore(%run_scoped3A : memref<!tpu.dma_semaphore, #tpu.memory_space<semaphore_mem>>) src(%arg13 : memref<21952xf32, #tpu.memory_space<vmem>>) dst(%dma_wait3A_32 : memref<21952xf32, #tpu.memory_space<vmem_shared>>)
      tpu.yield
    }) : () -> ()
    %barrier3A = arith.constant 0 : index
    tpu.barrier barrier_id(%barrier3A)
    %scan3A_19 = arith.constant 0 : i32
    %scan3A_20 = arith.constant 0 : i32
    %scan3A_21 = arith.constant 5 : i32
    %scan3A_22 = arith.addi %scan3A_20, %scan3A_21 : i32
    %scan3A_23 = arith.constant 1 : i32
    scf.for %scan3A_31 = %scan3A_20 to %scan3A_22 step %scan3A_23  : i32 {
      %mul3A_32 = arith.constant 25000 : i32
      %mul3A_33 = arith.muli %add3A, %mul3A_32 : i32
      %mul3A_34 = arith.constant 5000 : i32
      %mul3A_35 = arith.muli %scan3A_31, %mul3A_34 : i32
      %add3A_36 = arith.addi %mul3A_33, %mul3A_35 : i32
      %dma_start3A = arith.constant 0 : i32
      %dma_start3A_37 = tpu.memref_slice %arg10[%dma_start3A] : memref<30000xf32, #tpu.memory_space<vmem>> -> memref<5000xf32, #tpu.memory_space<vmem>>
      %dma_start3A_38 = tpu.memref_slice %arg2[%add3A_36] : memref<800000xf32, #tpu.memory_space<hbm>> -> memref<5000xf32, #tpu.memory_space<hbm>>
      %dma_start3A_39 = arith.constant 0 : i32
      %dma_start3A_40 = tpu.memref_slice %arg10[%dma_start3A_39] : memref<30000xf32, #tpu.memory_space<vmem>> -> memref<5000xf32, #tpu.memory_space<vmem>>
      %dma_start3A_41 = tpu.memref_slice %arg2[%add3A_36] : memref<800000xf32, #tpu.memory_space<hbm>> -> memref<5000xf32, #tpu.memory_space<hbm>>
      tpu.enqueue_dma source(%dma_start3A_41 : memref<5000xf32, #tpu.memory_space<hbm>>) target(%dma_start3A_40 : memref<5000xf32, #tpu.memory_space<vmem>>) target_semaphore(%arg15 : memref<!tpu.dma_semaphore, #tpu.memory_space<semaphore_mem>>)
      %dma_start3A_42 = arith.constant 5000 : i32
      %dma_start3A_43 = tpu.memref_slice %arg10[%dma_start3A_42] : memref<30000xf32, #tpu.memory_space<vmem>> -> memref<5000xf32, #tpu.memory_space<vmem>>
      %dma_start3A_44 = tpu.memref_slice %arg3[%add3A_36] : memref<800000xf32, #tpu.memory_space<hbm>> -> memref<5000xf32, #tpu.memory_space<hbm>>
      %dma_start3A_45 = arith.constant 5000 : i32
      %dma_start3A_46 = tpu.memref_slice %arg10[%dma_start3A_45] : memref<30000xf32, #tpu.memory_space<vmem>> -> memref<5000xf32, #tpu.memory_space<vmem>>
      %dma_start3A_47 = tpu.memref_slice %arg3[%add3A_36] : memref<800000xf32, #tpu.memory_space<hbm>> -> memref<5000xf32, #tpu.memory_space<hbm>>
      tpu.enqueue_dma source(%dma_start3A_47 : memref<5000xf32, #tpu.memory_space<hbm>>) target(%dma_start3A_46 : memref<5000xf32, #tpu.memory_space<vmem>>) target_semaphore(%arg15 : memref<!tpu.dma_semaphore, #tpu.memory_space<semaphore_mem>>)
      %dma_start3A_48 = arith.constant 10000 : i32
      %dma_start3A_49 = tpu.memref_slice %arg10[%dma_start3A_48] : memref<30000xf32, #tpu.memory_space<vmem>> -> memref<5000xf32, #tpu.memory_space<vmem>>
      %dma_start3A_50 = tpu.memref_slice %arg4[%add3A_36] : memref<800000xf32, #tpu.memory_space<hbm>> -> memref<5000xf32, #tpu.memory_space<hbm>>
      %dma_start3A_51 = arith.constant 10000 : i32
      %dma_start3A_52 = tpu.memref_slice %arg10[%dma_start3A_51] : memref<30000xf32, #tpu.memory_space<vmem>> -> memref<5000xf32, #tpu.memory_space<vmem>>
      %dma_start3A_53 = tpu.memref_slice %arg4[%add3A_36] : memref<800000xf32, #tpu.memory_space<hbm>> -> memref<5000xf32, #tpu.memory_space<hbm>>
      tpu.enqueue_dma source(%dma_start3A_53 : memref<5000xf32, #tpu.memory_space<hbm>>) target(%dma_start3A_52 : memref<5000xf32, #tpu.memory_space<vmem>>) target_semaphore(%arg15 : memref<!tpu.dma_semaphore, #tpu.memory_space<semaphore_mem>>)
      %dma_start3A_54 = arith.constant 15000 : i32
      %dma_start3A_55 = tpu.memref_slice %arg10[%dma_start3A_54] : memref<30000xf32, #tpu.memory_space<vmem>> -> memref<5000xf32, #tpu.memory_space<vmem>>
      %dma_start3A_56 = tpu.memref_slice %arg5[%add3A_36] : memref<800000xf32, #tpu.memory_space<hbm>> -> memref<5000xf32, #tpu.memory_space<hbm>>
      %dma_start3A_57 = arith.constant 15000 : i32
      %dma_start3A_58 = tpu.memref_slice %arg10[%dma_start3A_57] : memref<30000xf32, #tpu.memory_space<vmem>> -> memref<5000xf32, #tpu.memory_space<vmem>>
      %dma_start3A_59 = tpu.memref_slice %arg5[%add3A_36] : memref<800000xf32, #tpu.memory_space<hbm>> -> memref<5000xf32, #tpu.memory_space<hbm>>
      tpu.enqueue_dma source(%dma_start3A_59 : memref<5000xf32, #tpu.memory_space<hbm>>) target(%dma_start3A_58 : memref<5000xf32, #tpu.memory_space<vmem>>) target_semaphore(%arg15 : memref<!tpu.dma_semaphore, #tpu.memory_space<semaphore_mem>>)
      %dma_start3A_60 = arith.constant 20000 : i32
      %dma_start3A_61 = tpu.memref_slice %arg10[%dma_start3A_60] : memref<30000xf32, #tpu.memory_space<vmem>> -> memref<5000xf32, #tpu.memory_space<vmem>>
      %dma_start3A_62 = tpu.memref_slice %arg6[%add3A_36] : memref<800000xf32, #tpu.memory_space<hbm>> -> memref<5000xf32, #tpu.memory_space<hbm>>
      %dma_start3A_63 = arith.constant 20000 : i32
      %dma_start3A_64 = tpu.memref_slice %arg10[%dma_start3A_63] : memref<30000xf32, #tpu.memory_space<vmem>> -> memref<5000xf32, #tpu.memory_space<vmem>>
      %dma_start3A_65 = tpu.memref_slice %arg6[%add3A_36] : memref<800000xf32, #tpu.memory_space<hbm>> -> memref<5000xf32, #tpu.memory_space<hbm>>
      tpu.enqueue_dma source(%dma_start3A_65 : memref<5000xf32, #tpu.memory_space<hbm>>) target(%dma_start3A_64 : memref<5000xf32, #tpu.memory_space<vmem>>) target_semaphore(%arg15 : memref<!tpu.dma_semaphore, #tpu.memory_space<semaphore_mem>>)
      %dma_start3A_66 = arith.constant 25000 : i32
      %dma_start3A_67 = tpu.memref_slice %arg10[%dma_start3A_66] : memref<30000xf32, #tpu.memory_space<vmem>> -> memref<5000xf32, #tpu.memory_space<vmem>>
      %dma_start3A_68 = tpu.memref_slice %arg7[%add3A_36] : memref<800000xf32, #tpu.memory_space<hbm>> -> memref<5000xf32, #tpu.memory_space<hbm>>
      %dma_start3A_69 = arith.constant 25000 : i32
      %dma_start3A_70 = tpu.memref_slice %arg10[%dma_start3A_69] : memref<30000xf32, #tpu.memory_space<vmem>> -> memref<5000xf32, #tpu.memory_space<vmem>>
      %dma_start3A_71 = tpu.memref_slice %arg7[%add3A_36] : memref<800000xf32, #tpu.memory_space<hbm>> -> memref<5000xf32, #tpu.memory_space<hbm>>
      tpu.enqueue_dma source(%dma_start3A_71 : memref<5000xf32, #tpu.memory_space<hbm>>) target(%dma_start3A_70 : memref<5000xf32, #tpu.memory_space<vmem>>) target_semaphore(%arg15 : memref<!tpu.dma_semaphore, #tpu.memory_space<semaphore_mem>>)
      "tpu.region"() ({
        %run_scoped3A = tpu.sem_alloc : memref<!tpu.dma_semaphore, #tpu.memory_space<semaphore_mem>>
        %dma_start3A_215 = tpu.memref_slice %arg8[%add3A_36] : memref<800000xi32, #tpu.memory_space<hbm>> -> memref<5000xi32, #tpu.memory_space<hbm>>
        %dma_start3A_216 = tpu.memref_slice %arg8[%add3A_36] : memref<800000xi32, #tpu.memory_space<hbm>> -> memref<5000xi32, #tpu.memory_space<hbm>>
        tpu.enqueue_dma source(%dma_start3A_216 : memref<5000xi32, #tpu.memory_space<hbm>>) target(%arg11 : memref<5000xi32, #tpu.memory_space<vmem>>) target_semaphore(%run_scoped3A : memref<!tpu.dma_semaphore, #tpu.memory_space<semaphore_mem>>)
        %dma_wait3A_217 = tpu.memref_slice %arg8[%add3A_36] : memref<800000xi32, #tpu.memory_space<hbm>> -> memref<5000xi32, #tpu.memory_space<hbm>>
        %dma_wait3A_218 = tpu.memref_slice %arg8[%add3A_36] : memref<800000xi32, #tpu.memory_space<hbm>> -> memref<5000xi32, #tpu.memory_space<hbm>>
        tpu.wait_dma2 semaphore(%run_scoped3A : memref<!tpu.dma_semaphore, #tpu.memory_space<semaphore_mem>>) src(%dma_wait3A_218 : memref<5000xi32, #tpu.memory_space<hbm>>) dst(%arg11 : memref<5000xi32, #tpu.memory_space<vmem>>)
        tpu.yield
      }) : () -> ()
      %dma_wait3A = arith.constant 0 : i32
      %dma_wait3A_72 = tpu.memref_slice %arg10[%dma_wait3A] : memref<30000xf32, #tpu.memory_space<vmem>> -> memref<5000xf32, #tpu.memory_space<vmem>>
      %dma_wait3A_73 = tpu.memref_slice %arg2[%add3A_36] : memref<800000xf32, #tpu.memory_space<hbm>> -> memref<5000xf32, #tpu.memory_space<hbm>>
      %dma_wait3A_74 = arith.constant 0 : i32
      %dma_wait3A_75 = tpu.memref_slice %arg10[%dma_wait3A_74] : memref<30000xf32, #tpu.memory_space<vmem>> -> memref<5000xf32, #tpu.memory_space<vmem>>
      %dma_wait3A_76 = tpu.memref_slice %arg2[%add3A_36] : memref<800000xf32, #tpu.memory_space<hbm>> -> memref<5000xf32, #tpu.memory_space<hbm>>
      tpu.wait_dma2 semaphore(%arg15 : memref<!tpu.dma_semaphore, #tpu.memory_space<semaphore_mem>>) src(%dma_wait3A_76 : memref<5000xf32, #tpu.memory_space<hbm>>) dst(%dma_wait3A_75 : memref<5000xf32, #tpu.memory_space<vmem>>)
      %dma_wait3A_77 = arith.constant 5000 : i32
      %dma_wait3A_78 = tpu.memref_slice %arg10[%dma_wait3A_77] : memref<30000xf32, #tpu.memory_space<vmem>> -> memref<5000xf32, #tpu.memory_space<vmem>>
      %dma_wait3A_79 = tpu.memref_slice %arg3[%add3A_36] : memref<800000xf32, #tpu.memory_space<hbm>> -> memref<5000xf32, #tpu.memory_space<hbm>>
      %dma_wait3A_80 = arith.constant 5000 : i32
      %dma_wait3A_81 = tpu.memref_slice %arg10[%dma_wait3A_80] : memref<30000xf32, #tpu.memory_space<vmem>> -> memref<5000xf32, #tpu.memory_space<vmem>>
      %dma_wait3A_82 = tpu.memref_slice %arg3[%add3A_36] : memref<800000xf32, #tpu.memory_space<hbm>> -> memref<5000xf32, #tpu.memory_space<hbm>>
      tpu.wait_dma2 semaphore(%arg15 : memref<!tpu.dma_semaphore, #tpu.memory_space<semaphore_mem>>) src(%dma_wait3A_82 : memref<5000xf32, #tpu.memory_space<hbm>>) dst(%dma_wait3A_81 : memref<5000xf32, #tpu.memory_space<vmem>>)
      %dma_wait3A_83 = arith.constant 10000 : i32
      %dma_wait3A_84 = tpu.memref_slice %arg10[%dma_wait3A_83] : memref<30000xf32, #tpu.memory_space<vmem>> -> memref<5000xf32, #tpu.memory_space<vmem>>
      %dma_wait3A_85 = tpu.memref_slice %arg4[%add3A_36] : memref<800000xf32, #tpu.memory_space<hbm>> -> memref<5000xf32, #tpu.memory_space<hbm>>
      %dma_wait3A_86 = arith.constant 10000 : i32
      %dma_wait3A_87 = tpu.memref_slice %arg10[%dma_wait3A_86] : memref<30000xf32, #tpu.memory_space<vmem>> -> memref<5000xf32, #tpu.memory_space<vmem>>
      %dma_wait3A_88 = tpu.memref_slice %arg4[%add3A_36] : memref<800000xf32, #tpu.memory_space<hbm>> -> memref<5000xf32, #tpu.memory_space<hbm>>
      tpu.wait_dma2 semaphore(%arg15 : memref<!tpu.dma_semaphore, #tpu.memory_space<semaphore_mem>>) src(%dma_wait3A_88 : memref<5000xf32, #tpu.memory_space<hbm>>) dst(%dma_wait3A_87 : memref<5000xf32, #tpu.memory_space<vmem>>)
      %dma_wait3A_89 = arith.constant 15000 : i32
      %dma_wait3A_90 = tpu.memref_slice %arg10[%dma_wait3A_89] : memref<30000xf32, #tpu.memory_space<vmem>> -> memref<5000xf32, #tpu.memory_space<vmem>>
      %dma_wait3A_91 = tpu.memref_slice %arg5[%add3A_36] : memref<800000xf32, #tpu.memory_space<hbm>> -> memref<5000xf32, #tpu.memory_space<hbm>>
      %dma_wait3A_92 = arith.constant 15000 : i32
      %dma_wait3A_93 = tpu.memref_slice %arg10[%dma_wait3A_92] : memref<30000xf32, #tpu.memory_space<vmem>> -> memref<5000xf32, #tpu.memory_space<vmem>>
      %dma_wait3A_94 = tpu.memref_slice %arg5[%add3A_36] : memref<800000xf32, #tpu.memory_space<hbm>> -> memref<5000xf32, #tpu.memory_space<hbm>>
      tpu.wait_dma2 semaphore(%arg15 : memref<!tpu.dma_semaphore, #tpu.memory_space<semaphore_mem>>) src(%dma_wait3A_94 : memref<5000xf32, #tpu.memory_space<hbm>>) dst(%dma_wait3A_93 : memref<5000xf32, #tpu.memory_space<vmem>>)
      %dma_wait3A_95 = arith.constant 20000 : i32
      %dma_wait3A_96 = tpu.memref_slice %arg10[%dma_wait3A_95] : memref<30000xf32, #tpu.memory_space<vmem>> -> memref<5000xf32, #tpu.memory_space<vmem>>
      %dma_wait3A_97 = tpu.memref_slice %arg6[%add3A_36] : memref<800000xf32, #tpu.memory_space<hbm>> -> memref<5000xf32, #tpu.memory_space<hbm>>
      %dma_wait3A_98 = arith.constant 20000 : i32
      %dma_wait3A_99 = tpu.memref_slice %arg10[%dma_wait3A_98] : memref<30000xf32, #tpu.memory_space<vmem>> -> memref<5000xf32, #tpu.memory_space<vmem>>
      %dma_wait3A_100 = tpu.memref_slice %arg6[%add3A_36] : memref<800000xf32, #tpu.memory_space<hbm>> -> memref<5000xf32, #tpu.memory_space<hbm>>
      tpu.wait_dma2 semaphore(%arg15 : memref<!tpu.dma_semaphore, #tpu.memory_space<semaphore_mem>>) src(%dma_wait3A_100 : memref<5000xf32, #tpu.memory_space<hbm>>) dst(%dma_wait3A_99 : memref<5000xf32, #tpu.memory_space<vmem>>)
      %dma_wait3A_101 = arith.constant 25000 : i32
      %dma_wait3A_102 = tpu.memref_slice %arg10[%dma_wait3A_101] : memref<30000xf32, #tpu.memory_space<vmem>> -> memref<5000xf32, #tpu.memory_space<vmem>>
      %dma_wait3A_103 = tpu.memref_slice %arg7[%add3A_36] : memref<800000xf32, #tpu.memory_space<hbm>> -> memref<5000xf32, #tpu.memory_space<hbm>>
      %dma_wait3A_104 = arith.constant 25000 : i32
      %dma_wait3A_105 = tpu.memref_slice %arg10[%dma_wait3A_104] : memref<30000xf32, #tpu.memory_space<vmem>> -> memref<5000xf32, #tpu.memory_space<vmem>>
      %dma_wait3A_106 = tpu.memref_slice %arg7[%add3A_36] : memref<800000xf32, #tpu.memory_space<hbm>> -> memref<5000xf32, #tpu.memory_space<hbm>>
      tpu.wait_dma2 semaphore(%arg15 : memref<!tpu.dma_semaphore, #tpu.memory_space<semaphore_mem>>) src(%dma_wait3A_106 : memref<5000xf32, #tpu.memory_space<hbm>>) dst(%dma_wait3A_105 : memref<5000xf32, #tpu.memory_space<vmem>>)
      %dma_start3A_107 = arith.constant 0 : i32
      %dma_start3A_108 = tpu.memref_slice %arg10[%dma_start3A_107] : memref<30000xf32, #tpu.memory_space<vmem>> -> memref<5000xf32, #tpu.memory_space<vmem>>
      %dma_start3A_109 = arith.constant 0 : i32
      %dma_start3A_110 = tpu.memref_slice %arg11[%dma_start3A_109] : memref<5000xi32, #tpu.memory_space<vmem>> -> memref<5000xi32, #tpu.memory_space<vmem>>
      %dma_start3A_111 = arith.constant 0 : i32
      %dma_start3A_112 = tpu.memref_slice %arg14[%dma_start3A_111] : memref<351232xf32, #tpu.memory_space<vmem_shared>> -> memref<50176xf32, #tpu.memory_space<vmem_shared>>
      %dma_start3A_113 = arith.constant 0 : i32
      %dma_start3A_114 = tpu.memref_slice %dma_start3A_112[%dma_start3A_113] : memref<50176xf32, #tpu.memory_space<vmem_shared>> -> memref<50176xf32, #tpu.memory_space<vmem_shared>>
      tpu.enqueue_indirect_dma source(%dma_start3A_108 : memref<5000xf32, #tpu.memory_space<vmem>>) target(%dma_start3A_114 : memref<50176xf32, #tpu.memory_space<vmem_shared>>) offsets(%dma_start3A_110 : memref<5000xi32, #tpu.memory_space<vmem>>) semaphore(%arg15 : memref<!tpu.dma_semaphore, #tpu.memory_space<semaphore_mem>>) {add = true}
      %dma_start3A_115 = arith.constant 5000 : i32
      %dma_start3A_116 = tpu.memref_slice %arg10[%dma_start3A_115] : memref<30000xf32, #tpu.memory_space<vmem>> -> memref<5000xf32, #tpu.memory_space<vmem>>
      %dma_start3A_117 = arith.constant 0 : i32
      %dma_start3A_118 = tpu.memref_slice %arg11[%dma_start3A_117] : memref<5000xi32, #tpu.memory_space<vmem>> -> memref<5000xi32, #tpu.memory_space<vmem>>
      %dma_start3A_119 = arith.constant 50176 : i32
      %dma_start3A_120 = tpu.memref_slice %arg14[%dma_start3A_119] : memref<351232xf32, #tpu.memory_space<vmem_shared>> -> memref<50176xf32, #tpu.memory_space<vmem_shared>>
      %dma_start3A_121 = arith.constant 0 : i32
      %dma_start3A_122 = tpu.memref_slice %dma_start3A_120[%dma_start3A_121] : memref<50176xf32, #tpu.memory_space<vmem_shared>> -> memref<50176xf32, #tpu.memory_space<vmem_shared>>
      tpu.enqueue_indirect_dma source(%dma_start3A_116 : memref<5000xf32, #tpu.memory_space<vmem>>) target(%dma_start3A_122 : memref<50176xf32, #tpu.memory_space<vmem_shared>>) offsets(%dma_start3A_118 : memref<5000xi32, #tpu.memory_space<vmem>>) semaphore(%arg15 : memref<!tpu.dma_semaphore, #tpu.memory_space<semaphore_mem>>) {add = true}
      %dma_start3A_123 = arith.constant 10000 : i32
      %dma_start3A_124 = tpu.memref_slice %arg10[%dma_start3A_123] : memref<30000xf32, #tpu.memory_space<vmem>> -> memref<5000xf32, #tpu.memory_space<vmem>>
      %dma_start3A_125 = arith.constant 0 : i32
      %dma_start3A_126 = tpu.memref_slice %arg11[%dma_start3A_125] : memref<5000xi32, #tpu.memory_space<vmem>> -> memref<5000xi32, #tpu.memory_space<vmem>>
      %dma_start3A_127 = arith.constant 100352 : i32
      %dma_start3A_128 = tpu.memref_slice %arg14[%dma_start3A_127] : memref<351232xf32, #tpu.memory_space<vmem_shared>> -> memref<50176xf32, #tpu.memory_space<vmem_shared>>
      %dma_start3A_129 = arith.constant 0 : i32
      %dma_start3A_130 = tpu.memref_slice %dma_start3A_128[%dma_start3A_129] : memref<50176xf32, #tpu.memory_space<vmem_shared>> -> memref<50176xf32, #tpu.memory_space<vmem_shared>>
      tpu.enqueue_indirect_dma source(%dma_start3A_124 : memref<5000xf32, #tpu.memory_space<vmem>>) target(%dma_start3A_130 : memref<50176xf32, #tpu.memory_space<vmem_shared>>) offsets(%dma_start3A_126 : memref<5000xi32, #tpu.memory_space<vmem>>) semaphore(%arg15 : memref<!tpu.dma_semaphore, #tpu.memory_space<semaphore_mem>>) {add = true}
      %dma_start3A_131 = arith.constant 15000 : i32
      %dma_start3A_132 = tpu.memref_slice %arg10[%dma_start3A_131] : memref<30000xf32, #tpu.memory_space<vmem>> -> memref<5000xf32, #tpu.memory_space<vmem>>
      %dma_start3A_133 = arith.constant 0 : i32
      %dma_start3A_134 = tpu.memref_slice %arg11[%dma_start3A_133] : memref<5000xi32, #tpu.memory_space<vmem>> -> memref<5000xi32, #tpu.memory_space<vmem>>
      %dma_start3A_135 = arith.constant 150528 : i32
      %dma_start3A_136 = tpu.memref_slice %arg14[%dma_start3A_135] : memref<351232xf32, #tpu.memory_space<vmem_shared>> -> memref<50176xf32, #tpu.memory_space<vmem_shared>>
      %dma_start3A_137 = arith.constant 0 : i32
      %dma_start3A_138 = tpu.memref_slice %dma_start3A_136[%dma_start3A_137] : memref<50176xf32, #tpu.memory_space<vmem_shared>> -> memref<50176xf32, #tpu.memory_space<vmem_shared>>
      tpu.enqueue_indirect_dma source(%dma_start3A_132 : memref<5000xf32, #tpu.memory_space<vmem>>) target(%dma_start3A_138 : memref<50176xf32, #tpu.memory_space<vmem_shared>>) offsets(%dma_start3A_134 : memref<5000xi32, #tpu.memory_space<vmem>>) semaphore(%arg15 : memref<!tpu.dma_semaphore, #tpu.memory_space<semaphore_mem>>) {add = true}
      %dma_start3A_139 = arith.constant 20000 : i32
      %dma_start3A_140 = tpu.memref_slice %arg10[%dma_start3A_139] : memref<30000xf32, #tpu.memory_space<vmem>> -> memref<5000xf32, #tpu.memory_space<vmem>>
      %dma_start3A_141 = arith.constant 0 : i32
      %dma_start3A_142 = tpu.memref_slice %arg11[%dma_start3A_141] : memref<5000xi32, #tpu.memory_space<vmem>> -> memref<5000xi32, #tpu.memory_space<vmem>>
      %dma_start3A_143 = arith.constant 200704 : i32
      %dma_start3A_144 = tpu.memref_slice %arg14[%dma_start3A_143] : memref<351232xf32, #tpu.memory_space<vmem_shared>> -> memref<50176xf32, #tpu.memory_space<vmem_shared>>
      %dma_start3A_145 = arith.constant 0 : i32
      %dma_start3A_146 = tpu.memref_slice %dma_start3A_144[%dma_start3A_145] : memref<50176xf32, #tpu.memory_space<vmem_shared>> -> memref<50176xf32, #tpu.memory_space<vmem_shared>>
      tpu.enqueue_indirect_dma source(%dma_start3A_140 : memref<5000xf32, #tpu.memory_space<vmem>>) target(%dma_start3A_146 : memref<50176xf32, #tpu.memory_space<vmem_shared>>) offsets(%dma_start3A_142 : memref<5000xi32, #tpu.memory_space<vmem>>) semaphore(%arg15 : memref<!tpu.dma_semaphore, #tpu.memory_space<semaphore_mem>>) {add = true}
      %dma_start3A_147 = arith.constant 25000 : i32
      %dma_start3A_148 = tpu.memref_slice %arg10[%dma_start3A_147] : memref<30000xf32, #tpu.memory_space<vmem>> -> memref<5000xf32, #tpu.memory_space<vmem>>
      %dma_start3A_149 = arith.constant 0 : i32
      %dma_start3A_150 = tpu.memref_slice %arg11[%dma_start3A_149] : memref<5000xi32, #tpu.memory_space<vmem>> -> memref<5000xi32, #tpu.memory_space<vmem>>
      %dma_start3A_151 = arith.constant 250880 : i32
      %dma_start3A_152 = tpu.memref_slice %arg14[%dma_start3A_151] : memref<351232xf32, #tpu.memory_space<vmem_shared>> -> memref<50176xf32, #tpu.memory_space<vmem_shared>>
      %dma_start3A_153 = arith.constant 0 : i32
      %dma_start3A_154 = tpu.memref_slice %dma_start3A_152[%dma_start3A_153] : memref<50176xf32, #tpu.memory_space<vmem_shared>> -> memref<50176xf32, #tpu.memory_space<vmem_shared>>
      tpu.enqueue_indirect_dma source(%dma_start3A_148 : memref<5000xf32, #tpu.memory_space<vmem>>) target(%dma_start3A_154 : memref<50176xf32, #tpu.memory_space<vmem_shared>>) offsets(%dma_start3A_150 : memref<5000xi32, #tpu.memory_space<vmem>>) semaphore(%arg15 : memref<!tpu.dma_semaphore, #tpu.memory_space<semaphore_mem>>) {add = true}
      %dma_start3A_155 = arith.constant 0 : i32
      %dma_start3A_156 = tpu.memref_slice %arg11[%dma_start3A_155] : memref<5000xi32, #tpu.memory_space<vmem>> -> memref<5000xi32, #tpu.memory_space<vmem>>
      %dma_start3A_157 = arith.constant 301056 : i32
      %dma_start3A_158 = tpu.memref_slice %arg14[%dma_start3A_157] : memref<351232xf32, #tpu.memory_space<vmem_shared>> -> memref<50176xf32, #tpu.memory_space<vmem_shared>>
      %dma_start3A_159 = arith.constant 0 : i32
      %dma_start3A_160 = tpu.memref_slice %dma_start3A_158[%dma_start3A_159] : memref<50176xf32, #tpu.memory_space<vmem_shared>> -> memref<50176xf32, #tpu.memory_space<vmem_shared>>
      tpu.enqueue_indirect_dma source(%arg12 : memref<5000xf32, #tpu.memory_space<vmem>>) target(%dma_start3A_160 : memref<50176xf32, #tpu.memory_space<vmem_shared>>) offsets(%dma_start3A_156 : memref<5000xi32, #tpu.memory_space<vmem>>) semaphore(%arg15 : memref<!tpu.dma_semaphore, #tpu.memory_space<semaphore_mem>>) {add = true}
      %dma_wait3A_161 = arith.constant 0 : i32
      %dma_wait3A_162 = tpu.memref_slice %arg10[%dma_wait3A_161] : memref<30000xf32, #tpu.memory_space<vmem>> -> memref<5000xf32, #tpu.memory_space<vmem>>
      %dma_wait3A_163 = arith.constant 0 : i32
      %dma_wait3A_164 = tpu.memref_slice %arg11[%dma_wait3A_163] : memref<5000xi32, #tpu.memory_space<vmem>> -> memref<5000xi32, #tpu.memory_space<vmem>>
      %dma_wait3A_165 = arith.constant 0 : i32
      %dma_wait3A_166 = tpu.memref_slice %arg14[%dma_wait3A_165] : memref<351232xf32, #tpu.memory_space<vmem_shared>> -> memref<50176xf32, #tpu.memory_space<vmem_shared>>
      %dma_wait3A_167 = arith.constant 0 : i32
      %dma_wait3A_168 = tpu.memref_slice %dma_wait3A_166[%dma_wait3A_167] : memref<50176xf32, #tpu.memory_space<vmem_shared>> -> memref<50176xf32, #tpu.memory_space<vmem_shared>>
      tpu.wait_indirect_dma semaphore(%arg15 : memref<!tpu.dma_semaphore, #tpu.memory_space<semaphore_mem>>) src(%dma_wait3A_162 : memref<5000xf32, #tpu.memory_space<vmem>>) dst(%dma_wait3A_168 : memref<50176xf32, #tpu.memory_space<vmem_shared>>)
      %dma_wait3A_169 = arith.constant 5000 : i32
      %dma_wait3A_170 = tpu.memref_slice %arg10[%dma_wait3A_169] : memref<30000xf32, #tpu.memory_space<vmem>> -> memref<5000xf32, #tpu.memory_space<vmem>>
      %dma_wait3A_171 = arith.constant 0 : i32
      %dma_wait3A_172 = tpu.memref_slice %arg11[%dma_wait3A_171] : memref<5000xi32, #tpu.memory_space<vmem>> -> memref<5000xi32, #tpu.memory_space<vmem>>
      %dma_wait3A_173 = arith.constant 50176 : i32
      %dma_wait3A_174 = tpu.memref_slice %arg14[%dma_wait3A_173] : memref<351232xf32, #tpu.memory_space<vmem_shared>> -> memref<50176xf32, #tpu.memory_space<vmem_shared>>
      %dma_wait3A_175 = arith.constant 0 : i32
      %dma_wait3A_176 = tpu.memref_slice %dma_wait3A_174[%dma_wait3A_175] : memref<50176xf32, #tpu.memory_space<vmem_shared>> -> memref<50176xf32, #tpu.memory_space<vmem_shared>>
      tpu.wait_indirect_dma semaphore(%arg15 : memref<!tpu.dma_semaphore, #tpu.memory_space<semaphore_mem>>) src(%dma_wait3A_170 : memref<5000xf32, #tpu.memory_space<vmem>>) dst(%dma_wait3A_176 : memref<50176xf32, #tpu.memory_space<vmem_shared>>)
      %dma_wait3A_177 = arith.constant 10000 : i32
      %dma_wait3A_178 = tpu.memref_slice %arg10[%dma_wait3A_177] : memref<30000xf32, #tpu.memory_space<vmem>> -> memref<5000xf32, #tpu.memory_space<vmem>>
      %dma_wait3A_179 = arith.constant 0 : i32
      %dma_wait3A_180 = tpu.memref_slice %arg11[%dma_wait3A_179] : memref<5000xi32, #tpu.memory_space<vmem>> -> memref<5000xi32, #tpu.memory_space<vmem>>
      %dma_wait3A_181 = arith.constant 100352 : i32
      %dma_wait3A_182 = tpu.memref_slice %arg14[%dma_wait3A_181] : memref<351232xf32, #tpu.memory_space<vmem_shared>> -> memref<50176xf32, #tpu.memory_space<vmem_shared>>
      %dma_wait3A_183 = arith.constant 0 : i32
      %dma_wait3A_184 = tpu.memref_slice %dma_wait3A_182[%dma_wait3A_183] : memref<50176xf32, #tpu.memory_space<vmem_shared>> -> memref<50176xf32, #tpu.memory_space<vmem_shared>>
      tpu.wait_indirect_dma semaphore(%arg15 : memref<!tpu.dma_semaphore, #tpu.memory_space<semaphore_mem>>) src(%dma_wait3A_178 : memref<5000xf32, #tpu.memory_space<vmem>>) dst(%dma_wait3A_184 : memref<50176xf32, #tpu.memory_space<vmem_shared>>)
      %dma_wait3A_185 = arith.constant 15000 : i32
      %dma_wait3A_186 = tpu.memref_slice %arg10[%dma_wait3A_185] : memref<30000xf32, #tpu.memory_space<vmem>> -> memref<5000xf32, #tpu.memory_space<vmem>>
      %dma_wait3A_187 = arith.constant 0 : i32
      %dma_wait3A_188 = tpu.memref_slice %arg11[%dma_wait3A_187] : memref<5000xi32, #tpu.memory_space<vmem>> -> memref<5000xi32, #tpu.memory_space<vmem>>
      %dma_wait3A_189 = arith.constant 150528 : i32
      %dma_wait3A_190 = tpu.memref_slice %arg14[%dma_wait3A_189] : memref<351232xf32, #tpu.memory_space<vmem_shared>> -> memref<50176xf32, #tpu.memory_space<vmem_shared>>
      %dma_wait3A_191 = arith.constant 0 : i32
      %dma_wait3A_192 = tpu.memref_slice %dma_wait3A_190[%dma_wait3A_191] : memref<50176xf32, #tpu.memory_space<vmem_shared>> -> memref<50176xf32, #tpu.memory_space<vmem_shared>>
      tpu.wait_indirect_dma semaphore(%arg15 : memref<!tpu.dma_semaphore, #tpu.memory_space<semaphore_mem>>) src(%dma_wait3A_186 : memref<5000xf32, #tpu.memory_space<vmem>>) dst(%dma_wait3A_192 : memref<50176xf32, #tpu.memory_space<vmem_shared>>)
      %dma_wait3A_193 = arith.constant 20000 : i32
      %dma_wait3A_194 = tpu.memref_slice %arg10[%dma_wait3A_193] : memref<30000xf32, #tpu.memory_space<vmem>> -> memref<5000xf32, #tpu.memory_space<vmem>>
      %dma_wait3A_195 = arith.constant 0 : i32
      %dma_wait3A_196 = tpu.memref_slice %arg11[%dma_wait3A_195] : memref<5000xi32, #tpu.memory_space<vmem>> -> memref<5000xi32, #tpu.memory_space<vmem>>
      %dma_wait3A_197 = arith.constant 200704 : i32
      %dma_wait3A_198 = tpu.memref_slice %arg14[%dma_wait3A_197] : memref<351232xf32, #tpu.memory_space<vmem_shared>> -> memref<50176xf32, #tpu.memory_space<vmem_shared>>
      %dma_wait3A_199 = arith.constant 0 : i32
      %dma_wait3A_200 = tpu.memref_slice %dma_wait3A_198[%dma_wait3A_199] : memref<50176xf32, #tpu.memory_space<vmem_shared>> -> memref<50176xf32, #tpu.memory_space<vmem_shared>>
      tpu.wait_indirect_dma semaphore(%arg15 : memref<!tpu.dma_semaphore, #tpu.memory_space<semaphore_mem>>) src(%dma_wait3A_194 : memref<5000xf32, #tpu.memory_space<vmem>>) dst(%dma_wait3A_200 : memref<50176xf32, #tpu.memory_space<vmem_shared>>)
      %dma_wait3A_201 = arith.constant 25000 : i32
      %dma_wait3A_202 = tpu.memref_slice %arg10[%dma_wait3A_201] : memref<30000xf32, #tpu.memory_space<vmem>> -> memref<5000xf32, #tpu.memory_space<vmem>>
      %dma_wait3A_203 = arith.constant 0 : i32
      %dma_wait3A_204 = tpu.memref_slice %arg11[%dma_wait3A_203] : memref<5000xi32, #tpu.memory_space<vmem>> -> memref<5000xi32, #tpu.memory_space<vmem>>
      %dma_wait3A_205 = arith.constant 250880 : i32
      %dma_wait3A_206 = tpu.memref_slice %arg14[%dma_wait3A_205] : memref<351232xf32, #tpu.memory_space<vmem_shared>> -> memref<50176xf32, #tpu.memory_space<vmem_shared>>
      %dma_wait3A_207 = arith.constant 0 : i32
      %dma_wait3A_208 = tpu.memref_slice %dma_wait3A_206[%dma_wait3A_207] : memref<50176xf32, #tpu.memory_space<vmem_shared>> -> memref<50176xf32, #tpu.memory_space<vmem_shared>>
      tpu.wait_indirect_dma semaphore(%arg15 : memref<!tpu.dma_semaphore, #tpu.memory_space<semaphore_mem>>) src(%dma_wait3A_202 : memref<5000xf32, #tpu.memory_space<vmem>>) dst(%dma_wait3A_208 : memref<50176xf32, #tpu.memory_space<vmem_shared>>)
      %dma_wait3A_209 = arith.constant 0 : i32
      %dma_wait3A_210 = tpu.memref_slice %arg11[%dma_wait3A_209] : memref<5000xi32, #tpu.memory_space<vmem>> -> memref<5000xi32, #tpu.memory_space<vmem>>
      %dma_wait3A_211 = arith.constant 301056 : i32
      %dma_wait3A_212 = tpu.memref_slice %arg14[%dma_wait3A_211] : memref<351232xf32, #tpu.memory_space<vmem_shared>> -> memref<50176xf32, #tpu.memory_space<vmem_shared>>
      %dma_wait3A_213 = arith.constant 0 : i32
      %dma_wait3A_214 = tpu.memref_slice %dma_wait3A_212[%dma_wait3A_213] : memref<50176xf32, #tpu.memory_space<vmem_shared>> -> memref<50176xf32, #tpu.memory_space<vmem_shared>>
      tpu.wait_indirect_dma semaphore(%arg15 : memref<!tpu.dma_semaphore, #tpu.memory_space<semaphore_mem>>) src(%arg12 : memref<5000xf32, #tpu.memory_space<vmem>>) dst(%dma_wait3A_214 : memref<50176xf32, #tpu.memory_space<vmem_shared>>)
    }
    %scan3A_24 = arith.constant 5 : i32
    %barrier3A_25 = arith.constant 0 : index
    tpu.barrier barrier_id(%barrier3A_25)
    "tpu.region"() ({
      %run_scoped3A = tpu.sem_alloc : memref<!tpu.dma_semaphore, #tpu.memory_space<semaphore_mem>>
      %dma_start3A = tpu.memref_slice %arg14[%mul3A_4] : memref<351232xf32, #tpu.memory_space<vmem_shared>> -> memref<21952xf32, #tpu.memory_space<vmem_shared>>
      %dma_start3A_31 = tpu.memref_slice %arg14[%mul3A_4] : memref<351232xf32, #tpu.memory_space<vmem_shared>> -> memref<21952xf32, #tpu.memory_space<vmem_shared>>
      tpu.enqueue_dma source(%dma_start3A_31 : memref<21952xf32, #tpu.memory_space<vmem_shared>>) target(%arg13 : memref<21952xf32, #tpu.memory_space<vmem>>) target_semaphore(%run_scoped3A : memref<!tpu.dma_semaphore, #tpu.memory_space<semaphore_mem>>)
      %dma_wait3A = tpu.memref_slice %arg14[%mul3A_4] : memref<351232xf32, #tpu.memory_space<vmem_shared>> -> memref<21952xf32, #tpu.memory_space<vmem_shared>>
      %dma_wait3A_32 = tpu.memref_slice %arg14[%mul3A_4] : memref<351232xf32, #tpu.memory_space<vmem_shared>> -> memref<21952xf32, #tpu.memory_space<vmem_shared>>
      tpu.wait_dma2 semaphore(%run_scoped3A : memref<!tpu.dma_semaphore, #tpu.memory_space<semaphore_mem>>) src(%dma_wait3A_32 : memref<21952xf32, #tpu.memory_space<vmem_shared>>) dst(%arg13 : memref<21952xf32, #tpu.memory_space<vmem>>)
      tpu.yield
    }) : () -> ()
    %mul3A_26 = arith.constant 50176 : i32
    %mul3A_27 = arith.muli %arg0, %mul3A_26 : i32
    %mul3A_28 = arith.constant 7 : i32
    %mul3A_29 = arith.muli %mul3A_27, %mul3A_28 : i32
    %add3A_30 = arith.addi %mul3A_29, %mul3A_4 : i32
    "tpu.region"() ({
      %run_scoped3A = tpu.sem_alloc : memref<!tpu.dma_semaphore, #tpu.memory_space<semaphore_mem>>
      %dma_start3A = tpu.memref_slice %arg9[%add3A_30] : memref<702464xf32, #tpu.memory_space<hbm>> -> memref<21952xf32, #tpu.memory_space<hbm>>
      %dma_start3A_31 = tpu.memref_slice %arg9[%add3A_30] : memref<702464xf32, #tpu.memory_space<hbm>> -> memref<21952xf32, #tpu.memory_space<hbm>>
      tpu.enqueue_dma source(%arg13 : memref<21952xf32, #tpu.memory_space<vmem>>) target(%dma_start3A_31 : memref<21952xf32, #tpu.memory_space<hbm>>) target_semaphore(%run_scoped3A : memref<!tpu.dma_semaphore, #tpu.memory_space<semaphore_mem>>)
      %dma_wait3A = tpu.memref_slice %arg9[%add3A_30] : memref<702464xf32, #tpu.memory_space<hbm>> -> memref<21952xf32, #tpu.memory_space<hbm>>
      %dma_wait3A_32 = tpu.memref_slice %arg9[%add3A_30] : memref<702464xf32, #tpu.memory_space<hbm>> -> memref<21952xf32, #tpu.memory_space<hbm>>
      tpu.wait_dma2 semaphore(%run_scoped3A : memref<!tpu.dma_semaphore, #tpu.memory_space<semaphore_mem>>) src(%arg13 : memref<21952xf32, #tpu.memory_space<vmem>>) dst(%dma_wait3A_32 : memref<21952xf32, #tpu.memory_space<hbm>>)
      tpu.yield
    }) : () -> ()
    return
  }
}

#map = affine_map<(d0, d1) -> (0)>
module attributes {stable_mosaic.version = 14 : i64} {
  func.func @_rscatter_body(%arg0: i32, %arg1: i32, %arg2: memref<802816xf32, #tpu.memory_space<hbm>>, %arg3: memref<802816xi32, #tpu.memory_space<hbm>>, %arg4: memref<100352xf32, #tpu.memory_space<hbm>>, %arg5: memref<1568xf32, #tpu.memory_space<vmem>>, %arg6: memref<1568xi32, #tpu.memory_space<vmem>>, %arg7: memref<3136xf32, #tpu.memory_space<vmem>>, %arg8: memref<50176xf32, #tpu.memory_space<vmem_shared>>) attributes {dimension_semantics = [#tpu.dimension_semantics<core_parallel>, #tpu.dimension_semantics<subcore_parallel>], iteration_bounds = array<i64: 2, 16>, scalar_prefetch = 0 : i64, scratch_operands = 4 : i64, tpu.core_type = #tpu.core_type<sc_vector_subcore>, window_params = [{transform_indices = #map}, {transform_indices = #map}, {transform_indices = #map}]} {
    %mul3A = arith.constant 2 : i32
    %mul3A_0 = arith.muli %arg1, %mul3A : i32
    %add3A = arith.addi %mul3A_0, %arg0 : i32
    %mul3A_1 = arith.constant 3136 : i32
    %mul3A_2 = arith.muli %arg1, %mul3A_1 : i32
    %broadcast_in_dim3A = arith.constant 0.000000e+00 : f32
    %broadcast_in_dim3A_3 = vector.broadcast %broadcast_in_dim3A : f32 to vector<16xf32>
    %scan3A = arith.constant 0 : i32
    %scan3A_4 = arith.constant 0 : i32
    %scan3A_5 = arith.constant 196 : i32
    %scan3A_6 = arith.addi %scan3A_4, %scan3A_5 : i32
    %scan3A_7 = arith.constant 1 : i32
    scf.for %scan3A_19 = %scan3A_4 to %scan3A_6 step %scan3A_7  : i32 {
      %mul3A_20 = arith.constant 16 : i32
      %mul3A_21 = arith.muli %scan3A_19, %mul3A_20 : i32
      %swap3A = arith.index_cast %mul3A_21 : i32 to index
      %swap3A_22 = tpu.vector_load %arg7[%swap3A] {strides = array<i32>} : memref<3136xf32, #tpu.memory_space<vmem>>, vector<16xf32>,
      tpu.vector_store %arg7[%swap3A], %broadcast_in_dim3A_3 {strides = array<i32>} : memref<3136xf32, #tpu.memory_space<vmem>>, vector<16xf32>,
    }
    %scan3A_8 = arith.constant 196 : i32
    "tpu.region"() ({
      %run_scoped3A = tpu.sem_alloc : memref<!tpu.dma_semaphore, #tpu.memory_space<semaphore_mem>>
      %dma_start3A = tpu.memref_slice %arg8[%mul3A_2] : memref<50176xf32, #tpu.memory_space<vmem_shared>> -> memref<3136xf32, #tpu.memory_space<vmem_shared>>
      %dma_start3A_19 = tpu.memref_slice %arg8[%mul3A_2] : memref<50176xf32, #tpu.memory_space<vmem_shared>> -> memref<3136xf32, #tpu.memory_space<vmem_shared>>
      tpu.enqueue_dma source(%arg7 : memref<3136xf32, #tpu.memory_space<vmem>>) target(%dma_start3A_19 : memref<3136xf32, #tpu.memory_space<vmem_shared>>) target_semaphore(%run_scoped3A : memref<!tpu.dma_semaphore, #tpu.memory_space<semaphore_mem>>)
      %dma_wait3A = tpu.memref_slice %arg8[%mul3A_2] : memref<50176xf32, #tpu.memory_space<vmem_shared>> -> memref<3136xf32, #tpu.memory_space<vmem_shared>>
      %dma_wait3A_20 = tpu.memref_slice %arg8[%mul3A_2] : memref<50176xf32, #tpu.memory_space<vmem_shared>> -> memref<3136xf32, #tpu.memory_space<vmem_shared>>
      tpu.wait_dma2 semaphore(%run_scoped3A : memref<!tpu.dma_semaphore, #tpu.memory_space<semaphore_mem>>) src(%arg7 : memref<3136xf32, #tpu.memory_space<vmem>>) dst(%dma_wait3A_20 : memref<3136xf32, #tpu.memory_space<vmem_shared>>)
      tpu.yield
    }) : () -> ()
    %barrier3A = arith.constant 0 : index
    tpu.barrier barrier_id(%barrier3A)
    %scan3A_9 = arith.constant 0 : i32
    %scan3A_10 = arith.constant 0 : i32
    %scan3A_11 = arith.constant 16 : i32
    %scan3A_12 = arith.addi %scan3A_10, %scan3A_11 : i32
    %scan3A_13 = arith.constant 1 : i32
    scf.for %scan3A_19 = %scan3A_10 to %scan3A_12 step %scan3A_13  : i32 {
      %mul3A_20 = arith.constant 25088 : i32
      %mul3A_21 = arith.muli %add3A, %mul3A_20 : i32
      %mul3A_22 = arith.constant 1568 : i32
      %mul3A_23 = arith.muli %scan3A_19, %mul3A_22 : i32
      %add3A_24 = arith.addi %mul3A_21, %mul3A_23 : i32
      "tpu.region"() ({
        %run_scoped3A = tpu.sem_alloc : memref<!tpu.dma_semaphore, #tpu.memory_space<semaphore_mem>>
        %dma_start3A = tpu.memref_slice %arg2[%add3A_24] : memref<802816xf32, #tpu.memory_space<hbm>> -> memref<1568xf32, #tpu.memory_space<hbm>>
        %dma_start3A_25 = tpu.memref_slice %arg2[%add3A_24] : memref<802816xf32, #tpu.memory_space<hbm>> -> memref<1568xf32, #tpu.memory_space<hbm>>
        tpu.enqueue_dma source(%dma_start3A_25 : memref<1568xf32, #tpu.memory_space<hbm>>) target(%arg5 : memref<1568xf32, #tpu.memory_space<vmem>>) target_semaphore(%run_scoped3A : memref<!tpu.dma_semaphore, #tpu.memory_space<semaphore_mem>>)
        %dma_wait3A = tpu.memref_slice %arg2[%add3A_24] : memref<802816xf32, #tpu.memory_space<hbm>> -> memref<1568xf32, #tpu.memory_space<hbm>>
        %dma_wait3A_26 = tpu.memref_slice %arg2[%add3A_24] : memref<802816xf32, #tpu.memory_space<hbm>> -> memref<1568xf32, #tpu.memory_space<hbm>>
        tpu.wait_dma2 semaphore(%run_scoped3A : memref<!tpu.dma_semaphore, #tpu.memory_space<semaphore_mem>>) src(%dma_wait3A_26 : memref<1568xf32, #tpu.memory_space<hbm>>) dst(%arg5 : memref<1568xf32, #tpu.memory_space<vmem>>)
        tpu.yield
      }) : () -> ()
      "tpu.region"() ({
        %run_scoped3A = tpu.sem_alloc : memref<!tpu.dma_semaphore, #tpu.memory_space<semaphore_mem>>
        %dma_start3A = tpu.memref_slice %arg3[%add3A_24] : memref<802816xi32, #tpu.memory_space<hbm>> -> memref<1568xi32, #tpu.memory_space<hbm>>
        %dma_start3A_25 = tpu.memref_slice %arg3[%add3A_24] : memref<802816xi32, #tpu.memory_space<hbm>> -> memref<1568xi32, #tpu.memory_space<hbm>>
        tpu.enqueue_dma source(%dma_start3A_25 : memref<1568xi32, #tpu.memory_space<hbm>>) target(%arg6 : memref<1568xi32, #tpu.memory_space<vmem>>) target_semaphore(%run_scoped3A : memref<!tpu.dma_semaphore, #tpu.memory_space<semaphore_mem>>)
        %dma_wait3A = tpu.memref_slice %arg3[%add3A_24] : memref<802816xi32, #tpu.memory_space<hbm>> -> memref<1568xi32, #tpu.memory_space<hbm>>
        %dma_wait3A_26 = tpu.memref_slice %arg3[%add3A_24] : memref<802816xi32, #tpu.memory_space<hbm>> -> memref<1568xi32, #tpu.memory_space<hbm>>
        tpu.wait_dma2 semaphore(%run_scoped3A : memref<!tpu.dma_semaphore, #tpu.memory_space<semaphore_mem>>) src(%dma_wait3A_26 : memref<1568xi32, #tpu.memory_space<hbm>>) dst(%arg6 : memref<1568xi32, #tpu.memory_space<vmem>>)
        tpu.yield
      }) : () -> ()
      "tpu.region"() ({
        %run_scoped3A = tpu.sem_alloc : memref<!tpu.dma_semaphore, #tpu.memory_space<semaphore_mem>>
        %dma_start3A = arith.constant 0 : i32
        %dma_start3A_25 = tpu.memref_slice %arg6[%dma_start3A] : memref<1568xi32, #tpu.memory_space<vmem>> -> memref<1568xi32, #tpu.memory_space<vmem>>
        %dma_start3A_26 = arith.constant 0 : i32
        %dma_start3A_27 = tpu.memref_slice %arg8[%dma_start3A_26] : memref<50176xf32, #tpu.memory_space<vmem_shared>> -> memref<50176xf32, #tpu.memory_space<vmem_shared>>
        tpu.enqueue_indirect_dma source(%arg5 : memref<1568xf32, #tpu.memory_space<vmem>>) target(%dma_start3A_27 : memref<50176xf32, #tpu.memory_space<vmem_shared>>) offsets(%dma_start3A_25 : memref<1568xi32, #tpu.memory_space<vmem>>) semaphore(%run_scoped3A : memref<!tpu.dma_semaphore, #tpu.memory_space<semaphore_mem>>) {add = true}
        %dma_wait3A = arith.constant 0 : i32
        %dma_wait3A_28 = tpu.memref_slice %arg6[%dma_wait3A] : memref<1568xi32, #tpu.memory_space<vmem>> -> memref<1568xi32, #tpu.memory_space<vmem>>
        %dma_wait3A_29 = arith.constant 0 : i32
        %dma_wait3A_30 = tpu.memref_slice %arg8[%dma_wait3A_29] : memref<50176xf32, #tpu.memory_space<vmem_shared>> -> memref<50176xf32, #tpu.memory_space<vmem_shared>>
        tpu.wait_indirect_dma semaphore(%run_scoped3A : memref<!tpu.dma_semaphore, #tpu.memory_space<semaphore_mem>>) src(%arg5 : memref<1568xf32, #tpu.memory_space<vmem>>) dst(%dma_wait3A_30 : memref<50176xf32, #tpu.memory_space<vmem_shared>>)
        tpu.yield
      }) : () -> ()
    }
    %scan3A_14 = arith.constant 16 : i32
    %barrier3A_15 = arith.constant 0 : index
    tpu.barrier barrier_id(%barrier3A_15)
    "tpu.region"() ({
      %run_scoped3A = tpu.sem_alloc : memref<!tpu.dma_semaphore, #tpu.memory_space<semaphore_mem>>
      %dma_start3A = tpu.memref_slice %arg8[%mul3A_2] : memref<50176xf32, #tpu.memory_space<vmem_shared>> -> memref<3136xf32, #tpu.memory_space<vmem_shared>>
      %dma_start3A_19 = tpu.memref_slice %arg8[%mul3A_2] : memref<50176xf32, #tpu.memory_space<vmem_shared>> -> memref<3136xf32, #tpu.memory_space<vmem_shared>>
      tpu.enqueue_dma source(%dma_start3A_19 : memref<3136xf32, #tpu.memory_space<vmem_shared>>) target(%arg7 : memref<3136xf32, #tpu.memory_space<vmem>>) target_semaphore(%run_scoped3A : memref<!tpu.dma_semaphore, #tpu.memory_space<semaphore_mem>>)
      %dma_wait3A = tpu.memref_slice %arg8[%mul3A_2] : memref<50176xf32, #tpu.memory_space<vmem_shared>> -> memref<3136xf32, #tpu.memory_space<vmem_shared>>
      %dma_wait3A_20 = tpu.memref_slice %arg8[%mul3A_2] : memref<50176xf32, #tpu.memory_space<vmem_shared>> -> memref<3136xf32, #tpu.memory_space<vmem_shared>>
      tpu.wait_dma2 semaphore(%run_scoped3A : memref<!tpu.dma_semaphore, #tpu.memory_space<semaphore_mem>>) src(%dma_wait3A_20 : memref<3136xf32, #tpu.memory_space<vmem_shared>>) dst(%arg7 : memref<3136xf32, #tpu.memory_space<vmem>>)
      tpu.yield
    }) : () -> ()
    %mul3A_16 = arith.constant 50176 : i32
    %mul3A_17 = arith.muli %arg0, %mul3A_16 : i32
    %add3A_18 = arith.addi %mul3A_17, %mul3A_2 : i32
    "tpu.region"() ({
      %run_scoped3A = tpu.sem_alloc : memref<!tpu.dma_semaphore, #tpu.memory_space<semaphore_mem>>
      %dma_start3A = tpu.memref_slice %arg4[%add3A_18] : memref<100352xf32, #tpu.memory_space<hbm>> -> memref<3136xf32, #tpu.memory_space<hbm>>
      %dma_start3A_19 = tpu.memref_slice %arg4[%add3A_18] : memref<100352xf32, #tpu.memory_space<hbm>> -> memref<3136xf32, #tpu.memory_space<hbm>>
      tpu.enqueue_dma source(%arg7 : memref<3136xf32, #tpu.memory_space<vmem>>) target(%dma_start3A_19 : memref<3136xf32, #tpu.memory_space<hbm>>) target_semaphore(%run_scoped3A : memref<!tpu.dma_semaphore, #tpu.memory_space<semaphore_mem>>)
      %dma_wait3A = tpu.memref_slice %arg4[%add3A_18] : memref<100352xf32, #tpu.memory_space<hbm>> -> memref<3136xf32, #tpu.memory_space<hbm>>
      %dma_wait3A_20 = tpu.memref_slice %arg4[%add3A_18] : memref<100352xf32, #tpu.memory_space<hbm>> -> memref<3136xf32, #tpu.memory_space<hbm>>
      tpu.wait_dma2 semaphore(%run_scoped3A : memref<!tpu.dma_semaphore, #tpu.memory_space<semaphore_mem>>) src(%arg7 : memref<3136xf32, #tpu.memory_space<vmem>>) dst(%dma_wait3A_20 : memref<3136xf32, #tpu.memory_space<hbm>>)
      tpu.yield
    }) : () -> ()
    return
  }
}

#map = affine_map<(d0, d1) -> (0)>
module attributes {stable_mosaic.version = 14 : i64} {
  func.func @_gather_body(%arg0: i32, %arg1: i32, %arg2: memref<702464xf32, #tpu.memory_space<hbm>>, %arg3: memref<800000xi32, #tpu.memory_space<hbm>>, %arg4: memref<800000xf32, #tpu.memory_space<hbm>>, %arg5: memref<800000xf32, #tpu.memory_space<hbm>>, %arg6: memref<800000xf32, #tpu.memory_space<hbm>>, %arg7: memref<800000xf32, #tpu.memory_space<hbm>>, %arg8: memref<800000xf32, #tpu.memory_space<hbm>>, %arg9: memref<800000xf32, #tpu.memory_space<hbm>>, %arg10: memref<800000xf32, #tpu.memory_space<hbm>>, %arg11: memref<21952xf32, #tpu.memory_space<vmem>>, %arg12: memref<21952xf32, #tpu.memory_space<vmem>>, %arg13: memref<21952xf32, #tpu.memory_space<vmem>>, %arg14: memref<5000xi32, #tpu.memory_space<vmem>>, %arg15: memref<35000xf32, #tpu.memory_space<vmem>>, %arg16: memref<351232xf32, #tpu.memory_space<vmem_shared>>, %arg17: memref<!tpu.dma_semaphore, #tpu.memory_space<semaphore_mem>>) attributes {dimension_semantics = [#tpu.dimension_semantics<core_parallel>, #tpu.dimension_semantics<subcore_parallel>], iteration_bounds = array<i64: 2, 16>, scalar_prefetch = 0 : i64, scratch_operands = 7 : i64, tpu.core_type = #tpu.core_type<sc_vector_subcore>, window_params = [{transform_indices = #map}, {transform_indices = #map}, {transform_indices = #map}, {transform_indices = #map}, {transform_indices = #map}, {transform_indices = #map}, {transform_indices = #map}, {transform_indices = #map}, {transform_indices = #map}]} {
    %mul3A = arith.constant 2 : i32
    %mul3A_0 = arith.muli %arg1, %mul3A : i32
    %add3A = arith.addi %mul3A_0, %arg0 : i32
    %mul3A_1 = arith.constant 3136 : i32
    %mul3A_2 = arith.muli %arg1, %mul3A_1 : i32
    %add3A_3 = arith.constant 0 : i32
    %add3A_4 = arith.addi %add3A_3, %mul3A_2 : i32
    "tpu.region"() ({
      %run_scoped3A = tpu.sem_alloc : memref<!tpu.dma_semaphore, #tpu.memory_space<semaphore_mem>>
      %dma_start3A = arith.constant 0 : i32
      %dma_start3A_56 = tpu.memref_slice %arg11[%dma_start3A] : memref<21952xf32, #tpu.memory_space<vmem>> -> memref<3136xf32, #tpu.memory_space<vmem>>
      %dma_start3A_57 = tpu.memref_slice %arg2[%add3A_4] : memref<702464xf32, #tpu.memory_space<hbm>> -> memref<3136xf32, #tpu.memory_space<hbm>>
      %dma_start3A_58 = arith.constant 0 : i32
      %dma_start3A_59 = tpu.memref_slice %arg11[%dma_start3A_58] : memref<21952xf32, #tpu.memory_space<vmem>> -> memref<3136xf32, #tpu.memory_space<vmem>>
      %dma_start3A_60 = tpu.memref_slice %arg2[%add3A_4] : memref<702464xf32, #tpu.memory_space<hbm>> -> memref<3136xf32, #tpu.memory_space<hbm>>
      tpu.enqueue_dma source(%dma_start3A_60 : memref<3136xf32, #tpu.memory_space<hbm>>) target(%dma_start3A_59 : memref<3136xf32, #tpu.memory_space<vmem>>) target_semaphore(%run_scoped3A : memref<!tpu.dma_semaphore, #tpu.memory_space<semaphore_mem>>)
      %dma_wait3A = arith.constant 0 : i32
      %dma_wait3A_61 = tpu.memref_slice %arg11[%dma_wait3A] : memref<21952xf32, #tpu.memory_space<vmem>> -> memref<3136xf32, #tpu.memory_space<vmem>>
      %dma_wait3A_62 = tpu.memref_slice %arg2[%add3A_4] : memref<702464xf32, #tpu.memory_space<hbm>> -> memref<3136xf32, #tpu.memory_space<hbm>>
      %dma_wait3A_63 = arith.constant 0 : i32
      %dma_wait3A_64 = tpu.memref_slice %arg11[%dma_wait3A_63] : memref<21952xf32, #tpu.memory_space<vmem>> -> memref<3136xf32, #tpu.memory_space<vmem>>
      %dma_wait3A_65 = tpu.memref_slice %arg2[%add3A_4] : memref<702464xf32, #tpu.memory_space<hbm>> -> memref<3136xf32, #tpu.memory_space<hbm>>
      tpu.wait_dma2 semaphore(%run_scoped3A : memref<!tpu.dma_semaphore, #tpu.memory_space<semaphore_mem>>) src(%dma_wait3A_65 : memref<3136xf32, #tpu.memory_space<hbm>>) dst(%dma_wait3A_64 : memref<3136xf32, #tpu.memory_space<vmem>>)
      tpu.yield
    }) : () -> ()
    %add3A_5 = arith.constant 351232 : i32
    %add3A_6 = arith.addi %add3A_5, %mul3A_2 : i32
    "tpu.region"() ({
      %run_scoped3A = tpu.sem_alloc : memref<!tpu.dma_semaphore, #tpu.memory_space<semaphore_mem>>
      %dma_start3A = arith.constant 0 : i32
      %dma_start3A_56 = tpu.memref_slice %arg12[%dma_start3A] : memref<21952xf32, #tpu.memory_space<vmem>> -> memref<3136xf32, #tpu.memory_space<vmem>>
      %dma_start3A_57 = tpu.memref_slice %arg2[%add3A_6] : memref<702464xf32, #tpu.memory_space<hbm>> -> memref<3136xf32, #tpu.memory_space<hbm>>
      %dma_start3A_58 = arith.constant 0 : i32
      %dma_start3A_59 = tpu.memref_slice %arg12[%dma_start3A_58] : memref<21952xf32, #tpu.memory_space<vmem>> -> memref<3136xf32, #tpu.memory_space<vmem>>
      %dma_start3A_60 = tpu.memref_slice %arg2[%add3A_6] : memref<702464xf32, #tpu.memory_space<hbm>> -> memref<3136xf32, #tpu.memory_space<hbm>>
      tpu.enqueue_dma source(%dma_start3A_60 : memref<3136xf32, #tpu.memory_space<hbm>>) target(%dma_start3A_59 : memref<3136xf32, #tpu.memory_space<vmem>>) target_semaphore(%run_scoped3A : memref<!tpu.dma_semaphore, #tpu.memory_space<semaphore_mem>>)
      %dma_wait3A = arith.constant 0 : i32
      %dma_wait3A_61 = tpu.memref_slice %arg12[%dma_wait3A] : memref<21952xf32, #tpu.memory_space<vmem>> -> memref<3136xf32, #tpu.memory_space<vmem>>
      %dma_wait3A_62 = tpu.memref_slice %arg2[%add3A_6] : memref<702464xf32, #tpu.memory_space<hbm>> -> memref<3136xf32, #tpu.memory_space<hbm>>
      %dma_wait3A_63 = arith.constant 0 : i32
      %dma_wait3A_64 = tpu.memref_slice %arg12[%dma_wait3A_63] : memref<21952xf32, #tpu.memory_space<vmem>> -> memref<3136xf32, #tpu.memory_space<vmem>>
      %dma_wait3A_65 = tpu.memref_slice %arg2[%add3A_6] : memref<702464xf32, #tpu.memory_space<hbm>> -> memref<3136xf32, #tpu.memory_space<hbm>>
      tpu.wait_dma2 semaphore(%run_scoped3A : memref<!tpu.dma_semaphore, #tpu.memory_space<semaphore_mem>>) src(%dma_wait3A_65 : memref<3136xf32, #tpu.memory_space<hbm>>) dst(%dma_wait3A_64 : memref<3136xf32, #tpu.memory_space<vmem>>)
      tpu.yield
    }) : () -> ()
    %add3A_7 = arith.constant 50176 : i32
    %add3A_8 = arith.addi %add3A_7, %mul3A_2 : i32
    "tpu.region"() ({
      %run_scoped3A = tpu.sem_alloc : memref<!tpu.dma_semaphore, #tpu.memory_space<semaphore_mem>>
      %dma_start3A = arith.constant 3136 : i32
      %dma_start3A_56 = tpu.memref_slice %arg11[%dma_start3A] : memref<21952xf32, #tpu.memory_space<vmem>> -> memref<3136xf32, #tpu.memory_space<vmem>>
      %dma_start3A_57 = tpu.memref_slice %arg2[%add3A_8] : memref<702464xf32, #tpu.memory_space<hbm>> -> memref<3136xf32, #tpu.memory_space<hbm>>
      %dma_start3A_58 = arith.constant 3136 : i32
      %dma_start3A_59 = tpu.memref_slice %arg11[%dma_start3A_58] : memref<21952xf32, #tpu.memory_space<vmem>> -> memref<3136xf32, #tpu.memory_space<vmem>>
      %dma_start3A_60 = tpu.memref_slice %arg2[%add3A_8] : memref<702464xf32, #tpu.memory_space<hbm>> -> memref<3136xf32, #tpu.memory_space<hbm>>
      tpu.enqueue_dma source(%dma_start3A_60 : memref<3136xf32, #tpu.memory_space<hbm>>) target(%dma_start3A_59 : memref<3136xf32, #tpu.memory_space<vmem>>) target_semaphore(%run_scoped3A : memref<!tpu.dma_semaphore, #tpu.memory_space<semaphore_mem>>)
      %dma_wait3A = arith.constant 3136 : i32
      %dma_wait3A_61 = tpu.memref_slice %arg11[%dma_wait3A] : memref<21952xf32, #tpu.memory_space<vmem>> -> memref<3136xf32, #tpu.memory_space<vmem>>
      %dma_wait3A_62 = tpu.memref_slice %arg2[%add3A_8] : memref<702464xf32, #tpu.memory_space<hbm>> -> memref<3136xf32, #tpu.memory_space<hbm>>
      %dma_wait3A_63 = arith.constant 3136 : i32
      %dma_wait3A_64 = tpu.memref_slice %arg11[%dma_wait3A_63] : memref<21952xf32, #tpu.memory_space<vmem>> -> memref<3136xf32, #tpu.memory_space<vmem>>
      %dma_wait3A_65 = tpu.memref_slice %arg2[%add3A_8] : memref<702464xf32, #tpu.memory_space<hbm>> -> memref<3136xf32, #tpu.memory_space<hbm>>
      tpu.wait_dma2 semaphore(%run_scoped3A : memref<!tpu.dma_semaphore, #tpu.memory_space<semaphore_mem>>) src(%dma_wait3A_65 : memref<3136xf32, #tpu.memory_space<hbm>>) dst(%dma_wait3A_64 : memref<3136xf32, #tpu.memory_space<vmem>>)
      tpu.yield
    }) : () -> ()
    %add3A_9 = arith.constant 401408 : i32
    %add3A_10 = arith.addi %add3A_9, %mul3A_2 : i32
    "tpu.region"() ({
      %run_scoped3A = tpu.sem_alloc : memref<!tpu.dma_semaphore, #tpu.memory_space<semaphore_mem>>
      %dma_start3A = arith.constant 3136 : i32
      %dma_start3A_56 = tpu.memref_slice %arg12[%dma_start3A] : memref<21952xf32, #tpu.memory_space<vmem>> -> memref<3136xf32, #tpu.memory_space<vmem>>
      %dma_start3A_57 = tpu.memref_slice %arg2[%add3A_10] : memref<702464xf32, #tpu.memory_space<hbm>> -> memref<3136xf32, #tpu.memory_space<hbm>>
      %dma_start3A_58 = arith.constant 3136 : i32
      %dma_start3A_59 = tpu.memref_slice %arg12[%dma_start3A_58] : memref<21952xf32, #tpu.memory_space<vmem>> -> memref<3136xf32, #tpu.memory_space<vmem>>
      %dma_start3A_60 = tpu.memref_slice %arg2[%add3A_10] : memref<702464xf32, #tpu.memory_space<hbm>> -> memref<3136xf32, #tpu.memory_space<hbm>>
      tpu.enqueue_dma source(%dma_start3A_60 : memref<3136xf32, #tpu.memory_space<hbm>>) target(%dma_start3A_59 : memref<3136xf32, #tpu.memory_space<vmem>>) target_semaphore(%run_scoped3A : memref<!tpu.dma_semaphore, #tpu.memory_space<semaphore_mem>>)
      %dma_wait3A = arith.constant 3136 : i32
      %dma_wait3A_61 = tpu.memref_slice %arg12[%dma_wait3A] : memref<21952xf32, #tpu.memory_space<vmem>> -> memref<3136xf32, #tpu.memory_space<vmem>>
      %dma_wait3A_62 = tpu.memref_slice %arg2[%add3A_10] : memref<702464xf32, #tpu.memory_space<hbm>> -> memref<3136xf32, #tpu.memory_space<hbm>>
      %dma_wait3A_63 = arith.constant 3136 : i32
      %dma_wait3A_64 = tpu.memref_slice %arg12[%dma_wait3A_63] : memref<21952xf32, #tpu.memory_space<vmem>> -> memref<3136xf32, #tpu.memory_space<vmem>>
      %dma_wait3A_65 = tpu.memref_slice %arg2[%add3A_10] : memref<702464xf32, #tpu.memory_space<hbm>> -> memref<3136xf32, #tpu.memory_space<hbm>>
      tpu.wait_dma2 semaphore(%run_scoped3A : memref<!tpu.dma_semaphore, #tpu.memory_space<semaphore_mem>>) src(%dma_wait3A_65 : memref<3136xf32, #tpu.memory_space<hbm>>) dst(%dma_wait3A_64 : memref<3136xf32, #tpu.memory_space<vmem>>)
      tpu.yield
    }) : () -> ()
    %add3A_11 = arith.constant 100352 : i32
    %add3A_12 = arith.addi %add3A_11, %mul3A_2 : i32
    "tpu.region"() ({
      %run_scoped3A = tpu.sem_alloc : memref<!tpu.dma_semaphore, #tpu.memory_space<semaphore_mem>>
      %dma_start3A = arith.constant 6272 : i32
      %dma_start3A_56 = tpu.memref_slice %arg11[%dma_start3A] : memref<21952xf32, #tpu.memory_space<vmem>> -> memref<3136xf32, #tpu.memory_space<vmem>>
      %dma_start3A_57 = tpu.memref_slice %arg2[%add3A_12] : memref<702464xf32, #tpu.memory_space<hbm>> -> memref<3136xf32, #tpu.memory_space<hbm>>
      %dma_start3A_58 = arith.constant 6272 : i32
      %dma_start3A_59 = tpu.memref_slice %arg11[%dma_start3A_58] : memref<21952xf32, #tpu.memory_space<vmem>> -> memref<3136xf32, #tpu.memory_space<vmem>>
      %dma_start3A_60 = tpu.memref_slice %arg2[%add3A_12] : memref<702464xf32, #tpu.memory_space<hbm>> -> memref<3136xf32, #tpu.memory_space<hbm>>
      tpu.enqueue_dma source(%dma_start3A_60 : memref<3136xf32, #tpu.memory_space<hbm>>) target(%dma_start3A_59 : memref<3136xf32, #tpu.memory_space<vmem>>) target_semaphore(%run_scoped3A : memref<!tpu.dma_semaphore, #tpu.memory_space<semaphore_mem>>)
      %dma_wait3A = arith.constant 6272 : i32
      %dma_wait3A_61 = tpu.memref_slice %arg11[%dma_wait3A] : memref<21952xf32, #tpu.memory_space<vmem>> -> memref<3136xf32, #tpu.memory_space<vmem>>
      %dma_wait3A_62 = tpu.memref_slice %arg2[%add3A_12] : memref<702464xf32, #tpu.memory_space<hbm>> -> memref<3136xf32, #tpu.memory_space<hbm>>
      %dma_wait3A_63 = arith.constant 6272 : i32
      %dma_wait3A_64 = tpu.memref_slice %arg11[%dma_wait3A_63] : memref<21952xf32, #tpu.memory_space<vmem>> -> memref<3136xf32, #tpu.memory_space<vmem>>
      %dma_wait3A_65 = tpu.memref_slice %arg2[%add3A_12] : memref<702464xf32, #tpu.memory_space<hbm>> -> memref<3136xf32, #tpu.memory_space<hbm>>
      tpu.wait_dma2 semaphore(%run_scoped3A : memref<!tpu.dma_semaphore, #tpu.memory_space<semaphore_mem>>) src(%dma_wait3A_65 : memref<3136xf32, #tpu.memory_space<hbm>>) dst(%dma_wait3A_64 : memref<3136xf32, #tpu.memory_space<vmem>>)
      tpu.yield
    }) : () -> ()
    %add3A_13 = arith.constant 451584 : i32
    %add3A_14 = arith.addi %add3A_13, %mul3A_2 : i32
    "tpu.region"() ({
      %run_scoped3A = tpu.sem_alloc : memref<!tpu.dma_semaphore, #tpu.memory_space<semaphore_mem>>
      %dma_start3A = arith.constant 6272 : i32
      %dma_start3A_56 = tpu.memref_slice %arg12[%dma_start3A] : memref<21952xf32, #tpu.memory_space<vmem>> -> memref<3136xf32, #tpu.memory_space<vmem>>
      %dma_start3A_57 = tpu.memref_slice %arg2[%add3A_14] : memref<702464xf32, #tpu.memory_space<hbm>> -> memref<3136xf32, #tpu.memory_space<hbm>>
      %dma_start3A_58 = arith.constant 6272 : i32
      %dma_start3A_59 = tpu.memref_slice %arg12[%dma_start3A_58] : memref<21952xf32, #tpu.memory_space<vmem>> -> memref<3136xf32, #tpu.memory_space<vmem>>
      %dma_start3A_60 = tpu.memref_slice %arg2[%add3A_14] : memref<702464xf32, #tpu.memory_space<hbm>> -> memref<3136xf32, #tpu.memory_space<hbm>>
      tpu.enqueue_dma source(%dma_start3A_60 : memref<3136xf32, #tpu.memory_space<hbm>>) target(%dma_start3A_59 : memref<3136xf32, #tpu.memory_space<vmem>>) target_semaphore(%run_scoped3A : memref<!tpu.dma_semaphore, #tpu.memory_space<semaphore_mem>>)
      %dma_wait3A = arith.constant 6272 : i32
      %dma_wait3A_61 = tpu.memref_slice %arg12[%dma_wait3A] : memref<21952xf32, #tpu.memory_space<vmem>> -> memref<3136xf32, #tpu.memory_space<vmem>>
      %dma_wait3A_62 = tpu.memref_slice %arg2[%add3A_14] : memref<702464xf32, #tpu.memory_space<hbm>> -> memref<3136xf32, #tpu.memory_space<hbm>>
      %dma_wait3A_63 = arith.constant 6272 : i32
      %dma_wait3A_64 = tpu.memref_slice %arg12[%dma_wait3A_63] : memref<21952xf32, #tpu.memory_space<vmem>> -> memref<3136xf32, #tpu.memory_space<vmem>>
      %dma_wait3A_65 = tpu.memref_slice %arg2[%add3A_14] : memref<702464xf32, #tpu.memory_space<hbm>> -> memref<3136xf32, #tpu.memory_space<hbm>>
      tpu.wait_dma2 semaphore(%run_scoped3A : memref<!tpu.dma_semaphore, #tpu.memory_space<semaphore_mem>>) src(%dma_wait3A_65 : memref<3136xf32, #tpu.memory_space<hbm>>) dst(%dma_wait3A_64 : memref<3136xf32, #tpu.memory_space<vmem>>)
      tpu.yield
    }) : () -> ()
    %add3A_15 = arith.constant 150528 : i32
    %add3A_16 = arith.addi %add3A_15, %mul3A_2 : i32
    "tpu.region"() ({
      %run_scoped3A = tpu.sem_alloc : memref<!tpu.dma_semaphore, #tpu.memory_space<semaphore_mem>>
      %dma_start3A = arith.constant 9408 : i32
      %dma_start3A_56 = tpu.memref_slice %arg11[%dma_start3A] : memref<21952xf32, #tpu.memory_space<vmem>> -> memref<3136xf32, #tpu.memory_space<vmem>>
      %dma_start3A_57 = tpu.memref_slice %arg2[%add3A_16] : memref<702464xf32, #tpu.memory_space<hbm>> -> memref<3136xf32, #tpu.memory_space<hbm>>
      %dma_start3A_58 = arith.constant 9408 : i32
      %dma_start3A_59 = tpu.memref_slice %arg11[%dma_start3A_58] : memref<21952xf32, #tpu.memory_space<vmem>> -> memref<3136xf32, #tpu.memory_space<vmem>>
      %dma_start3A_60 = tpu.memref_slice %arg2[%add3A_16] : memref<702464xf32, #tpu.memory_space<hbm>> -> memref<3136xf32, #tpu.memory_space<hbm>>
      tpu.enqueue_dma source(%dma_start3A_60 : memref<3136xf32, #tpu.memory_space<hbm>>) target(%dma_start3A_59 : memref<3136xf32, #tpu.memory_space<vmem>>) target_semaphore(%run_scoped3A : memref<!tpu.dma_semaphore, #tpu.memory_space<semaphore_mem>>)
      %dma_wait3A = arith.constant 9408 : i32
      %dma_wait3A_61 = tpu.memref_slice %arg11[%dma_wait3A] : memref<21952xf32, #tpu.memory_space<vmem>> -> memref<3136xf32, #tpu.memory_space<vmem>>
      %dma_wait3A_62 = tpu.memref_slice %arg2[%add3A_16] : memref<702464xf32, #tpu.memory_space<hbm>> -> memref<3136xf32, #tpu.memory_space<hbm>>
      %dma_wait3A_63 = arith.constant 9408 : i32
      %dma_wait3A_64 = tpu.memref_slice %arg11[%dma_wait3A_63] : memref<21952xf32, #tpu.memory_space<vmem>> -> memref<3136xf32, #tpu.memory_space<vmem>>
      %dma_wait3A_65 = tpu.memref_slice %arg2[%add3A_16] : memref<702464xf32, #tpu.memory_space<hbm>> -> memref<3136xf32, #tpu.memory_space<hbm>>
      tpu.wait_dma2 semaphore(%run_scoped3A : memref<!tpu.dma_semaphore, #tpu.memory_space<semaphore_mem>>) src(%dma_wait3A_65 : memref<3136xf32, #tpu.memory_space<hbm>>) dst(%dma_wait3A_64 : memref<3136xf32, #tpu.memory_space<vmem>>)
      tpu.yield
    }) : () -> ()
    %add3A_17 = arith.constant 501760 : i32
    %add3A_18 = arith.addi %add3A_17, %mul3A_2 : i32
    "tpu.region"() ({
      %run_scoped3A = tpu.sem_alloc : memref<!tpu.dma_semaphore, #tpu.memory_space<semaphore_mem>>
      %dma_start3A = arith.constant 9408 : i32
      %dma_start3A_56 = tpu.memref_slice %arg12[%dma_start3A] : memref<21952xf32, #tpu.memory_space<vmem>> -> memref<3136xf32, #tpu.memory_space<vmem>>
      %dma_start3A_57 = tpu.memref_slice %arg2[%add3A_18] : memref<702464xf32, #tpu.memory_space<hbm>> -> memref<3136xf32, #tpu.memory_space<hbm>>
      %dma_start3A_58 = arith.constant 9408 : i32
      %dma_start3A_59 = tpu.memref_slice %arg12[%dma_start3A_58] : memref<21952xf32, #tpu.memory_space<vmem>> -> memref<3136xf32, #tpu.memory_space<vmem>>
      %dma_start3A_60 = tpu.memref_slice %arg2[%add3A_18] : memref<702464xf32, #tpu.memory_space<hbm>> -> memref<3136xf32, #tpu.memory_space<hbm>>
      tpu.enqueue_dma source(%dma_start3A_60 : memref<3136xf32, #tpu.memory_space<hbm>>) target(%dma_start3A_59 : memref<3136xf32, #tpu.memory_space<vmem>>) target_semaphore(%run_scoped3A : memref<!tpu.dma_semaphore, #tpu.memory_space<semaphore_mem>>)
      %dma_wait3A = arith.constant 9408 : i32
      %dma_wait3A_61 = tpu.memref_slice %arg12[%dma_wait3A] : memref<21952xf32, #tpu.memory_space<vmem>> -> memref<3136xf32, #tpu.memory_space<vmem>>
      %dma_wait3A_62 = tpu.memref_slice %arg2[%add3A_18] : memref<702464xf32, #tpu.memory_space<hbm>> -> memref<3136xf32, #tpu.memory_space<hbm>>
      %dma_wait3A_63 = arith.constant 9408 : i32
      %dma_wait3A_64 = tpu.memref_slice %arg12[%dma_wait3A_63] : memref<21952xf32, #tpu.memory_space<vmem>> -> memref<3136xf32, #tpu.memory_space<vmem>>
      %dma_wait3A_65 = tpu.memref_slice %arg2[%add3A_18] : memref<702464xf32, #tpu.memory_space<hbm>> -> memref<3136xf32, #tpu.memory_space<hbm>>
      tpu.wait_dma2 semaphore(%run_scoped3A : memref<!tpu.dma_semaphore, #tpu.memory_space<semaphore_mem>>) src(%dma_wait3A_65 : memref<3136xf32, #tpu.memory_space<hbm>>) dst(%dma_wait3A_64 : memref<3136xf32, #tpu.memory_space<vmem>>)
      tpu.yield
    }) : () -> ()
    %add3A_19 = arith.constant 200704 : i32
    %add3A_20 = arith.addi %add3A_19, %mul3A_2 : i32
    "tpu.region"() ({
      %run_scoped3A = tpu.sem_alloc : memref<!tpu.dma_semaphore, #tpu.memory_space<semaphore_mem>>
      %dma_start3A = arith.constant 12544 : i32
      %dma_start3A_56 = tpu.memref_slice %arg11[%dma_start3A] : memref<21952xf32, #tpu.memory_space<vmem>> -> memref<3136xf32, #tpu.memory_space<vmem>>
      %dma_start3A_57 = tpu.memref_slice %arg2[%add3A_20] : memref<702464xf32, #tpu.memory_space<hbm>> -> memref<3136xf32, #tpu.memory_space<hbm>>
      %dma_start3A_58 = arith.constant 12544 : i32
      %dma_start3A_59 = tpu.memref_slice %arg11[%dma_start3A_58] : memref<21952xf32, #tpu.memory_space<vmem>> -> memref<3136xf32, #tpu.memory_space<vmem>>
      %dma_start3A_60 = tpu.memref_slice %arg2[%add3A_20] : memref<702464xf32, #tpu.memory_space<hbm>> -> memref<3136xf32, #tpu.memory_space<hbm>>
      tpu.enqueue_dma source(%dma_start3A_60 : memref<3136xf32, #tpu.memory_space<hbm>>) target(%dma_start3A_59 : memref<3136xf32, #tpu.memory_space<vmem>>) target_semaphore(%run_scoped3A : memref<!tpu.dma_semaphore, #tpu.memory_space<semaphore_mem>>)
      %dma_wait3A = arith.constant 12544 : i32
      %dma_wait3A_61 = tpu.memref_slice %arg11[%dma_wait3A] : memref<21952xf32, #tpu.memory_space<vmem>> -> memref<3136xf32, #tpu.memory_space<vmem>>
      %dma_wait3A_62 = tpu.memref_slice %arg2[%add3A_20] : memref<702464xf32, #tpu.memory_space<hbm>> -> memref<3136xf32, #tpu.memory_space<hbm>>
      %dma_wait3A_63 = arith.constant 12544 : i32
      %dma_wait3A_64 = tpu.memref_slice %arg11[%dma_wait3A_63] : memref<21952xf32, #tpu.memory_space<vmem>> -> memref<3136xf32, #tpu.memory_space<vmem>>
      %dma_wait3A_65 = tpu.memref_slice %arg2[%add3A_20] : memref<702464xf32, #tpu.memory_space<hbm>> -> memref<3136xf32, #tpu.memory_space<hbm>>
      tpu.wait_dma2 semaphore(%run_scoped3A : memref<!tpu.dma_semaphore, #tpu.memory_space<semaphore_mem>>) src(%dma_wait3A_65 : memref<3136xf32, #tpu.memory_space<hbm>>) dst(%dma_wait3A_64 : memref<3136xf32, #tpu.memory_space<vmem>>)
      tpu.yield
    }) : () -> ()
    %add3A_21 = arith.constant 551936 : i32
    %add3A_22 = arith.addi %add3A_21, %mul3A_2 : i32
    "tpu.region"() ({
      %run_scoped3A = tpu.sem_alloc : memref<!tpu.dma_semaphore, #tpu.memory_space<semaphore_mem>>
      %dma_start3A = arith.constant 12544 : i32
      %dma_start3A_56 = tpu.memref_slice %arg12[%dma_start3A] : memref<21952xf32, #tpu.memory_space<vmem>> -> memref<3136xf32, #tpu.memory_space<vmem>>
      %dma_start3A_57 = tpu.memref_slice %arg2[%add3A_22] : memref<702464xf32, #tpu.memory_space<hbm>> -> memref<3136xf32, #tpu.memory_space<hbm>>
      %dma_start3A_58 = arith.constant 12544 : i32
      %dma_start3A_59 = tpu.memref_slice %arg12[%dma_start3A_58] : memref<21952xf32, #tpu.memory_space<vmem>> -> memref<3136xf32, #tpu.memory_space<vmem>>
      %dma_start3A_60 = tpu.memref_slice %arg2[%add3A_22] : memref<702464xf32, #tpu.memory_space<hbm>> -> memref<3136xf32, #tpu.memory_space<hbm>>
      tpu.enqueue_dma source(%dma_start3A_60 : memref<3136xf32, #tpu.memory_space<hbm>>) target(%dma_start3A_59 : memref<3136xf32, #tpu.memory_space<vmem>>) target_semaphore(%run_scoped3A : memref<!tpu.dma_semaphore, #tpu.memory_space<semaphore_mem>>)
      %dma_wait3A = arith.constant 12544 : i32
      %dma_wait3A_61 = tpu.memref_slice %arg12[%dma_wait3A] : memref<21952xf32, #tpu.memory_space<vmem>> -> memref<3136xf32, #tpu.memory_space<vmem>>
      %dma_wait3A_62 = tpu.memref_slice %arg2[%add3A_22] : memref<702464xf32, #tpu.memory_space<hbm>> -> memref<3136xf32, #tpu.memory_space<hbm>>
      %dma_wait3A_63 = arith.constant 12544 : i32
      %dma_wait3A_64 = tpu.memref_slice %arg12[%dma_wait3A_63] : memref<21952xf32, #tpu.memory_space<vmem>> -> memref<3136xf32, #tpu.memory_space<vmem>>
      %dma_wait3A_65 = tpu.memref_slice %arg2[%add3A_22] : memref<702464xf32, #tpu.memory_space<hbm>> -> memref<3136xf32, #tpu.memory_space<hbm>>
      tpu.wait_dma2 semaphore(%run_scoped3A : memref<!tpu.dma_semaphore, #tpu.memory_space<semaphore_mem>>) src(%dma_wait3A_65 : memref<3136xf32, #tpu.memory_space<hbm>>) dst(%dma_wait3A_64 : memref<3136xf32, #tpu.memory_space<vmem>>)
      tpu.yield
    }) : () -> ()
    %add3A_23 = arith.constant 250880 : i32
    %add3A_24 = arith.addi %add3A_23, %mul3A_2 : i32
    "tpu.region"() ({
      %run_scoped3A = tpu.sem_alloc : memref<!tpu.dma_semaphore, #tpu.memory_space<semaphore_mem>>
      %dma_start3A = arith.constant 15680 : i32
      %dma_start3A_56 = tpu.memref_slice %arg11[%dma_start3A] : memref<21952xf32, #tpu.memory_space<vmem>> -> memref<3136xf32, #tpu.memory_space<vmem>>
      %dma_start3A_57 = tpu.memref_slice %arg2[%add3A_24] : memref<702464xf32, #tpu.memory_space<hbm>> -> memref<3136xf32, #tpu.memory_space<hbm>>
      %dma_start3A_58 = arith.constant 15680 : i32
      %dma_start3A_59 = tpu.memref_slice %arg11[%dma_start3A_58] : memref<21952xf32, #tpu.memory_space<vmem>> -> memref<3136xf32, #tpu.memory_space<vmem>>
      %dma_start3A_60 = tpu.memref_slice %arg2[%add3A_24] : memref<702464xf32, #tpu.memory_space<hbm>> -> memref<3136xf32, #tpu.memory_space<hbm>>
      tpu.enqueue_dma source(%dma_start3A_60 : memref<3136xf32, #tpu.memory_space<hbm>>) target(%dma_start3A_59 : memref<3136xf32, #tpu.memory_space<vmem>>) target_semaphore(%run_scoped3A : memref<!tpu.dma_semaphore, #tpu.memory_space<semaphore_mem>>)
      %dma_wait3A = arith.constant 15680 : i32
      %dma_wait3A_61 = tpu.memref_slice %arg11[%dma_wait3A] : memref<21952xf32, #tpu.memory_space<vmem>> -> memref<3136xf32, #tpu.memory_space<vmem>>
      %dma_wait3A_62 = tpu.memref_slice %arg2[%add3A_24] : memref<702464xf32, #tpu.memory_space<hbm>> -> memref<3136xf32, #tpu.memory_space<hbm>>
      %dma_wait3A_63 = arith.constant 15680 : i32
      %dma_wait3A_64 = tpu.memref_slice %arg11[%dma_wait3A_63] : memref<21952xf32, #tpu.memory_space<vmem>> -> memref<3136xf32, #tpu.memory_space<vmem>>
      %dma_wait3A_65 = tpu.memref_slice %arg2[%add3A_24] : memref<702464xf32, #tpu.memory_space<hbm>> -> memref<3136xf32, #tpu.memory_space<hbm>>
      tpu.wait_dma2 semaphore(%run_scoped3A : memref<!tpu.dma_semaphore, #tpu.memory_space<semaphore_mem>>) src(%dma_wait3A_65 : memref<3136xf32, #tpu.memory_space<hbm>>) dst(%dma_wait3A_64 : memref<3136xf32, #tpu.memory_space<vmem>>)
      tpu.yield
    }) : () -> ()
    %add3A_25 = arith.constant 602112 : i32
    %add3A_26 = arith.addi %add3A_25, %mul3A_2 : i32
    "tpu.region"() ({
      %run_scoped3A = tpu.sem_alloc : memref<!tpu.dma_semaphore, #tpu.memory_space<semaphore_mem>>
      %dma_start3A = arith.constant 15680 : i32
      %dma_start3A_56 = tpu.memref_slice %arg12[%dma_start3A] : memref<21952xf32, #tpu.memory_space<vmem>> -> memref<3136xf32, #tpu.memory_space<vmem>>
      %dma_start3A_57 = tpu.memref_slice %arg2[%add3A_26] : memref<702464xf32, #tpu.memory_space<hbm>> -> memref<3136xf32, #tpu.memory_space<hbm>>
      %dma_start3A_58 = arith.constant 15680 : i32
      %dma_start3A_59 = tpu.memref_slice %arg12[%dma_start3A_58] : memref<21952xf32, #tpu.memory_space<vmem>> -> memref<3136xf32, #tpu.memory_space<vmem>>
      %dma_start3A_60 = tpu.memref_slice %arg2[%add3A_26] : memref<702464xf32, #tpu.memory_space<hbm>> -> memref<3136xf32, #tpu.memory_space<hbm>>
      tpu.enqueue_dma source(%dma_start3A_60 : memref<3136xf32, #tpu.memory_space<hbm>>) target(%dma_start3A_59 : memref<3136xf32, #tpu.memory_space<vmem>>) target_semaphore(%run_scoped3A : memref<!tpu.dma_semaphore, #tpu.memory_space<semaphore_mem>>)
      %dma_wait3A = arith.constant 15680 : i32
      %dma_wait3A_61 = tpu.memref_slice %arg12[%dma_wait3A] : memref<21952xf32, #tpu.memory_space<vmem>> -> memref<3136xf32, #tpu.memory_space<vmem>>
      %dma_wait3A_62 = tpu.memref_slice %arg2[%add3A_26] : memref<702464xf32, #tpu.memory_space<hbm>> -> memref<3136xf32, #tpu.memory_space<hbm>>
      %dma_wait3A_63 = arith.constant 15680 : i32
      %dma_wait3A_64 = tpu.memref_slice %arg12[%dma_wait3A_63] : memref<21952xf32, #tpu.memory_space<vmem>> -> memref<3136xf32, #tpu.memory_space<vmem>>
      %dma_wait3A_65 = tpu.memref_slice %arg2[%add3A_26] : memref<702464xf32, #tpu.memory_space<hbm>> -> memref<3136xf32, #tpu.memory_space<hbm>>
      tpu.wait_dma2 semaphore(%run_scoped3A : memref<!tpu.dma_semaphore, #tpu.memory_space<semaphore_mem>>) src(%dma_wait3A_65 : memref<3136xf32, #tpu.memory_space<hbm>>) dst(%dma_wait3A_64 : memref<3136xf32, #tpu.memory_space<vmem>>)
      tpu.yield
    }) : () -> ()
    %add3A_27 = arith.constant 301056 : i32
    %add3A_28 = arith.addi %add3A_27, %mul3A_2 : i32
    "tpu.region"() ({
      %run_scoped3A = tpu.sem_alloc : memref<!tpu.dma_semaphore, #tpu.memory_space<semaphore_mem>>
      %dma_start3A = arith.constant 18816 : i32
      %dma_start3A_56 = tpu.memref_slice %arg11[%dma_start3A] : memref<21952xf32, #tpu.memory_space<vmem>> -> memref<3136xf32, #tpu.memory_space<vmem>>
      %dma_start3A_57 = tpu.memref_slice %arg2[%add3A_28] : memref<702464xf32, #tpu.memory_space<hbm>> -> memref<3136xf32, #tpu.memory_space<hbm>>
      %dma_start3A_58 = arith.constant 18816 : i32
      %dma_start3A_59 = tpu.memref_slice %arg11[%dma_start3A_58] : memref<21952xf32, #tpu.memory_space<vmem>> -> memref<3136xf32, #tpu.memory_space<vmem>>
      %dma_start3A_60 = tpu.memref_slice %arg2[%add3A_28] : memref<702464xf32, #tpu.memory_space<hbm>> -> memref<3136xf32, #tpu.memory_space<hbm>>
      tpu.enqueue_dma source(%dma_start3A_60 : memref<3136xf32, #tpu.memory_space<hbm>>) target(%dma_start3A_59 : memref<3136xf32, #tpu.memory_space<vmem>>) target_semaphore(%run_scoped3A : memref<!tpu.dma_semaphore, #tpu.memory_space<semaphore_mem>>)
      %dma_wait3A = arith.constant 18816 : i32
      %dma_wait3A_61 = tpu.memref_slice %arg11[%dma_wait3A] : memref<21952xf32, #tpu.memory_space<vmem>> -> memref<3136xf32, #tpu.memory_space<vmem>>
      %dma_wait3A_62 = tpu.memref_slice %arg2[%add3A_28] : memref<702464xf32, #tpu.memory_space<hbm>> -> memref<3136xf32, #tpu.memory_space<hbm>>
      %dma_wait3A_63 = arith.constant 18816 : i32
      %dma_wait3A_64 = tpu.memref_slice %arg11[%dma_wait3A_63] : memref<21952xf32, #tpu.memory_space<vmem>> -> memref<3136xf32, #tpu.memory_space<vmem>>
      %dma_wait3A_65 = tpu.memref_slice %arg2[%add3A_28] : memref<702464xf32, #tpu.memory_space<hbm>> -> memref<3136xf32, #tpu.memory_space<hbm>>
      tpu.wait_dma2 semaphore(%run_scoped3A : memref<!tpu.dma_semaphore, #tpu.memory_space<semaphore_mem>>) src(%dma_wait3A_65 : memref<3136xf32, #tpu.memory_space<hbm>>) dst(%dma_wait3A_64 : memref<3136xf32, #tpu.memory_space<vmem>>)
      tpu.yield
    }) : () -> ()
    %add3A_29 = arith.constant 652288 : i32
    %add3A_30 = arith.addi %add3A_29, %mul3A_2 : i32
    "tpu.region"() ({
      %run_scoped3A = tpu.sem_alloc : memref<!tpu.dma_semaphore, #tpu.memory_space<semaphore_mem>>
      %dma_start3A = arith.constant 18816 : i32
      %dma_start3A_56 = tpu.memref_slice %arg12[%dma_start3A] : memref<21952xf32, #tpu.memory_space<vmem>> -> memref<3136xf32, #tpu.memory_space<vmem>>
      %dma_start3A_57 = tpu.memref_slice %arg2[%add3A_30] : memref<702464xf32, #tpu.memory_space<hbm>> -> memref<3136xf32, #tpu.memory_space<hbm>>
      %dma_start3A_58 = arith.constant 18816 : i32
      %dma_start3A_59 = tpu.memref_slice %arg12[%dma_start3A_58] : memref<21952xf32, #tpu.memory_space<vmem>> -> memref<3136xf32, #tpu.memory_space<vmem>>
      %dma_start3A_60 = tpu.memref_slice %arg2[%add3A_30] : memref<702464xf32, #tpu.memory_space<hbm>> -> memref<3136xf32, #tpu.memory_space<hbm>>
      tpu.enqueue_dma source(%dma_start3A_60 : memref<3136xf32, #tpu.memory_space<hbm>>) target(%dma_start3A_59 : memref<3136xf32, #tpu.memory_space<vmem>>) target_semaphore(%run_scoped3A : memref<!tpu.dma_semaphore, #tpu.memory_space<semaphore_mem>>)
      %dma_wait3A = arith.constant 18816 : i32
      %dma_wait3A_61 = tpu.memref_slice %arg12[%dma_wait3A] : memref<21952xf32, #tpu.memory_space<vmem>> -> memref<3136xf32, #tpu.memory_space<vmem>>
      %dma_wait3A_62 = tpu.memref_slice %arg2[%add3A_30] : memref<702464xf32, #tpu.memory_space<hbm>> -> memref<3136xf32, #tpu.memory_space<hbm>>
      %dma_wait3A_63 = arith.constant 18816 : i32
      %dma_wait3A_64 = tpu.memref_slice %arg12[%dma_wait3A_63] : memref<21952xf32, #tpu.memory_space<vmem>> -> memref<3136xf32, #tpu.memory_space<vmem>>
      %dma_wait3A_65 = tpu.memref_slice %arg2[%add3A_30] : memref<702464xf32, #tpu.memory_space<hbm>> -> memref<3136xf32, #tpu.memory_space<hbm>>
      tpu.wait_dma2 semaphore(%run_scoped3A : memref<!tpu.dma_semaphore, #tpu.memory_space<semaphore_mem>>) src(%dma_wait3A_65 : memref<3136xf32, #tpu.memory_space<hbm>>) dst(%dma_wait3A_64 : memref<3136xf32, #tpu.memory_space<vmem>>)
      tpu.yield
    }) : () -> ()
    %scan3A = arith.constant 0 : i32
    %scan3A_31 = arith.constant 0 : i32
    %scan3A_32 = arith.constant 196 : i32
    %scan3A_33 = arith.addi %scan3A_31, %scan3A_32 : i32
    %scan3A_34 = arith.constant 1 : i32
    scf.for %scan3A_56 = %scan3A_31 to %scan3A_33 step %scan3A_34  : i32 {
      %mul3A_57 = arith.constant 16 : i32
      %mul3A_58 = arith.muli %scan3A_56, %mul3A_57 : i32
      %add3A_59 = arith.constant 18816 : i32
      %add3A_60 = arith.addi %add3A_59, %mul3A_58 : i32
      %get3A = arith.index_cast %add3A_60 : i32 to index
      %get3A_61 = tpu.vector_load %arg11[%get3A] {strides = array<i32>} : memref<21952xf32, #tpu.memory_space<vmem>>, vector<16xf32>,
      %add3A_62 = arith.constant 18816 : i32
      %add3A_63 = arith.addi %add3A_62, %mul3A_58 : i32
      %get3A_64 = arith.index_cast %add3A_63 : i32 to index
      %get3A_65 = tpu.vector_load %arg12[%get3A_64] {strides = array<i32>} : memref<21952xf32, #tpu.memory_space<vmem>>, vector<16xf32>,
      %add3A_66 = arith.addf %get3A_61, %get3A_65 : vector<16xf32>
      %max3A = arith.constant 1.000000e+00 : f32
      %max3A_67 = vector.broadcast %max3A : f32 to vector<16xf32>
      %max3A_68 = arith.maximumf %add3A_66, %max3A_67 : vector<16xf32>
      %div3A = arith.constant 1.000000e+00 : f32
      %div3A_69 = vector.broadcast %div3A : f32 to vector<16xf32>
      %div3A_70 = arith.divf %div3A_69, %max3A_68 : vector<16xf32>
      %add3A_71 = arith.constant 0 : i32
      %add3A_72 = arith.addi %add3A_71, %mul3A_58 : i32
      %get3A_73 = arith.index_cast %add3A_72 : i32 to index
      %get3A_74 = tpu.vector_load %arg11[%get3A_73] {strides = array<i32>} : memref<21952xf32, #tpu.memory_space<vmem>>, vector<16xf32>,
      %add3A_75 = arith.constant 0 : i32
      %add3A_76 = arith.addi %add3A_75, %mul3A_58 : i32
      %get3A_77 = arith.index_cast %add3A_76 : i32 to index
      %get3A_78 = tpu.vector_load %arg12[%get3A_77] {strides = array<i32>} : memref<21952xf32, #tpu.memory_space<vmem>>, vector<16xf32>,
      %add3A_79 = arith.addf %get3A_74, %get3A_78 : vector<16xf32>
      %mul3A_80 = arith.mulf %add3A_79, %div3A_70 : vector<16xf32>
      %add3A_81 = arith.constant 0 : i32
      %add3A_82 = arith.addi %add3A_81, %mul3A_58 : i32
      %swap3A = arith.index_cast %add3A_82 : i32 to index
      %swap3A_83 = tpu.vector_load %arg13[%swap3A] {strides = array<i32>} : memref<21952xf32, #tpu.memory_space<vmem>>, vector<16xf32>,
      tpu.vector_store %arg13[%swap3A], %mul3A_80 {strides = array<i32>} : memref<21952xf32, #tpu.memory_space<vmem>>, vector<16xf32>,
      %add3A_84 = arith.constant 3136 : i32
      %add3A_85 = arith.addi %add3A_84, %mul3A_58 : i32
      %get3A_86 = arith.index_cast %add3A_85 : i32 to index
      %get3A_87 = tpu.vector_load %arg11[%get3A_86] {strides = array<i32>} : memref<21952xf32, #tpu.memory_space<vmem>>, vector<16xf32>,
      %add3A_88 = arith.constant 3136 : i32
      %add3A_89 = arith.addi %add3A_88, %mul3A_58 : i32
      %get3A_90 = arith.index_cast %add3A_89 : i32 to index
      %get3A_91 = tpu.vector_load %arg12[%get3A_90] {strides = array<i32>} : memref<21952xf32, #tpu.memory_space<vmem>>, vector<16xf32>,
      %add3A_92 = arith.addf %get3A_87, %get3A_91 : vector<16xf32>
      %mul3A_93 = arith.mulf %add3A_92, %div3A_70 : vector<16xf32>
      %add3A_94 = arith.constant 3136 : i32
      %add3A_95 = arith.addi %add3A_94, %mul3A_58 : i32
      %swap3A_96 = arith.index_cast %add3A_95 : i32 to index
      %swap3A_97 = tpu.vector_load %arg13[%swap3A_96] {strides = array<i32>} : memref<21952xf32, #tpu.memory_space<vmem>>, vector<16xf32>,
      tpu.vector_store %arg13[%swap3A_96], %mul3A_93 {strides = array<i32>} : memref<21952xf32, #tpu.memory_space<vmem>>, vector<16xf32>,
      %add3A_98 = arith.constant 6272 : i32
      %add3A_99 = arith.addi %add3A_98, %mul3A_58 : i32
      %get3A_100 = arith.index_cast %add3A_99 : i32 to index
      %get3A_101 = tpu.vector_load %arg11[%get3A_100] {strides = array<i32>} : memref<21952xf32, #tpu.memory_space<vmem>>, vector<16xf32>,
      %add3A_102 = arith.constant 6272 : i32
      %add3A_103 = arith.addi %add3A_102, %mul3A_58 : i32
      %get3A_104 = arith.index_cast %add3A_103 : i32 to index
      %get3A_105 = tpu.vector_load %arg12[%get3A_104] {strides = array<i32>} : memref<21952xf32, #tpu.memory_space<vmem>>, vector<16xf32>,
      %add3A_106 = arith.addf %get3A_101, %get3A_105 : vector<16xf32>
      %mul3A_107 = arith.mulf %add3A_106, %div3A_70 : vector<16xf32>
      %add3A_108 = arith.constant 6272 : i32
      %add3A_109 = arith.addi %add3A_108, %mul3A_58 : i32
      %swap3A_110 = arith.index_cast %add3A_109 : i32 to index
      %swap3A_111 = tpu.vector_load %arg13[%swap3A_110] {strides = array<i32>} : memref<21952xf32, #tpu.memory_space<vmem>>, vector<16xf32>,
      tpu.vector_store %arg13[%swap3A_110], %mul3A_107 {strides = array<i32>} : memref<21952xf32, #tpu.memory_space<vmem>>, vector<16xf32>,
      %add3A_112 = arith.constant 9408 : i32
      %add3A_113 = arith.addi %add3A_112, %mul3A_58 : i32
      %get3A_114 = arith.index_cast %add3A_113 : i32 to index
      %get3A_115 = tpu.vector_load %arg11[%get3A_114] {strides = array<i32>} : memref<21952xf32, #tpu.memory_space<vmem>>, vector<16xf32>,
      %add3A_116 = arith.constant 9408 : i32
      %add3A_117 = arith.addi %add3A_116, %mul3A_58 : i32
      %get3A_118 = arith.index_cast %add3A_117 : i32 to index
      %get3A_119 = tpu.vector_load %arg12[%get3A_118] {strides = array<i32>} : memref<21952xf32, #tpu.memory_space<vmem>>, vector<16xf32>,
      %add3A_120 = arith.addf %get3A_115, %get3A_119 : vector<16xf32>
      %mul3A_121 = arith.constant 0.141067237 : f32
      %mul3A_122 = vector.broadcast %mul3A_121 : f32 to vector<16xf32>
      %mul3A_123 = arith.mulf %div3A_70, %mul3A_122 : vector<16xf32>
      %mul3A_124 = arith.mulf %add3A_120, %mul3A_123 : vector<16xf32>
      %add3A_125 = arith.constant 9408 : i32
      %add3A_126 = arith.addi %add3A_125, %mul3A_58 : i32
      %swap3A_127 = arith.index_cast %add3A_126 : i32 to index
      %swap3A_128 = tpu.vector_load %arg13[%swap3A_127] {strides = array<i32>} : memref<21952xf32, #tpu.memory_space<vmem>>, vector<16xf32>,
      tpu.vector_store %arg13[%swap3A_127], %mul3A_124 {strides = array<i32>} : memref<21952xf32, #tpu.memory_space<vmem>>, vector<16xf32>,
      %add3A_129 = arith.constant 12544 : i32
      %add3A_130 = arith.addi %add3A_129, %mul3A_58 : i32
      %get3A_131 = arith.index_cast %add3A_130 : i32 to index
      %get3A_132 = tpu.vector_load %arg11[%get3A_131] {strides = array<i32>} : memref<21952xf32, #tpu.memory_space<vmem>>, vector<16xf32>,
      %add3A_133 = arith.constant 12544 : i32
      %add3A_134 = arith.addi %add3A_133, %mul3A_58 : i32
      %get3A_135 = arith.index_cast %add3A_134 : i32 to index
      %get3A_136 = tpu.vector_load %arg12[%get3A_135] {strides = array<i32>} : memref<21952xf32, #tpu.memory_space<vmem>>, vector<16xf32>,
      %add3A_137 = arith.addf %get3A_132, %get3A_136 : vector<16xf32>
      %mul3A_138 = arith.constant 0.141067237 : f32
      %mul3A_139 = vector.broadcast %mul3A_138 : f32 to vector<16xf32>
      %mul3A_140 = arith.mulf %div3A_70, %mul3A_139 : vector<16xf32>
      %mul3A_141 = arith.mulf %add3A_137, %mul3A_140 : vector<16xf32>
      %add3A_142 = arith.constant 12544 : i32
      %add3A_143 = arith.addi %add3A_142, %mul3A_58 : i32
      %swap3A_144 = arith.index_cast %add3A_143 : i32 to index
      %swap3A_145 = tpu.vector_load %arg13[%swap3A_144] {strides = array<i32>} : memref<21952xf32, #tpu.memory_space<vmem>>, vector<16xf32>,
      tpu.vector_store %arg13[%swap3A_144], %mul3A_141 {strides = array<i32>} : memref<21952xf32, #tpu.memory_space<vmem>>, vector<16xf32>,
      %add3A_146 = arith.constant 15680 : i32
      %add3A_147 = arith.addi %add3A_146, %mul3A_58 : i32
      %get3A_148 = arith.index_cast %add3A_147 : i32 to index
      %get3A_149 = tpu.vector_load %arg11[%get3A_148] {strides = array<i32>} : memref<21952xf32, #tpu.memory_space<vmem>>, vector<16xf32>,
      %add3A_150 = arith.constant 15680 : i32
      %add3A_151 = arith.addi %add3A_150, %mul3A_58 : i32
      %get3A_152 = arith.index_cast %add3A_151 : i32 to index
      %get3A_153 = tpu.vector_load %arg12[%get3A_152] {strides = array<i32>} : memref<21952xf32, #tpu.memory_space<vmem>>, vector<16xf32>,
      %add3A_154 = arith.addf %get3A_149, %get3A_153 : vector<16xf32>
      %mul3A_155 = arith.constant 0.141067237 : f32
      %mul3A_156 = vector.broadcast %mul3A_155 : f32 to vector<16xf32>
      %mul3A_157 = arith.mulf %div3A_70, %mul3A_156 : vector<16xf32>
      %mul3A_158 = arith.mulf %add3A_154, %mul3A_157 : vector<16xf32>
      %add3A_159 = arith.constant 15680 : i32
      %add3A_160 = arith.addi %add3A_159, %mul3A_58 : i32
      %swap3A_161 = arith.index_cast %add3A_160 : i32 to index
      %swap3A_162 = tpu.vector_load %arg13[%swap3A_161] {strides = array<i32>} : memref<21952xf32, #tpu.memory_space<vmem>>, vector<16xf32>,
      tpu.vector_store %arg13[%swap3A_161], %mul3A_158 {strides = array<i32>} : memref<21952xf32, #tpu.memory_space<vmem>>, vector<16xf32>,
      %add3A_163 = arith.constant 18816 : i32
      %add3A_164 = arith.addi %add3A_163, %mul3A_58 : i32
      %swap3A_165 = arith.index_cast %add3A_164 : i32 to index
      %swap3A_166 = tpu.vector_load %arg13[%swap3A_165] {strides = array<i32>} : memref<21952xf32, #tpu.memory_space<vmem>>, vector<16xf32>,
      tpu.vector_store %arg13[%swap3A_165], %div3A_70 {strides = array<i32>} : memref<21952xf32, #tpu.memory_space<vmem>>, vector<16xf32>,
    }
    %scan3A_35 = arith.constant 196 : i32
    %add3A_36 = arith.constant 0 : i32
    %add3A_37 = arith.addi %add3A_36, %mul3A_2 : i32
    "tpu.region"() ({
      %run_scoped3A = tpu.sem_alloc : memref<!tpu.dma_semaphore, #tpu.memory_space<semaphore_mem>>
      %dma_start3A = arith.constant 0 : i32
      %dma_start3A_56 = tpu.memref_slice %arg13[%dma_start3A] : memref<21952xf32, #tpu.memory_space<vmem>> -> memref<3136xf32, #tpu.memory_space<vmem>>
      %dma_start3A_57 = tpu.memref_slice %arg16[%add3A_37] : memref<351232xf32, #tpu.memory_space<vmem_shared>> -> memref<3136xf32, #tpu.memory_space<vmem_shared>>
      %dma_start3A_58 = tpu.memref_slice %arg16[%add3A_37] : memref<351232xf32, #tpu.memory_space<vmem_shared>> -> memref<3136xf32, #tpu.memory_space<vmem_shared>>
      %dma_start3A_59 = arith.constant 0 : i32
      %dma_start3A_60 = tpu.memref_slice %arg13[%dma_start3A_59] : memref<21952xf32, #tpu.memory_space<vmem>> -> memref<3136xf32, #tpu.memory_space<vmem>>
      tpu.enqueue_dma source(%dma_start3A_60 : memref<3136xf32, #tpu.memory_space<vmem>>) target(%dma_start3A_58 : memref<3136xf32, #tpu.memory_space<vmem_shared>>) target_semaphore(%run_scoped3A : memref<!tpu.dma_semaphore, #tpu.memory_space<semaphore_mem>>)
      %dma_wait3A = arith.constant 0 : i32
      %dma_wait3A_61 = tpu.memref_slice %arg13[%dma_wait3A] : memref<21952xf32, #tpu.memory_space<vmem>> -> memref<3136xf32, #tpu.memory_space<vmem>>
      %dma_wait3A_62 = tpu.memref_slice %arg16[%add3A_37] : memref<351232xf32, #tpu.memory_space<vmem_shared>> -> memref<3136xf32, #tpu.memory_space<vmem_shared>>
      %dma_wait3A_63 = tpu.memref_slice %arg16[%add3A_37] : memref<351232xf32, #tpu.memory_space<vmem_shared>> -> memref<3136xf32, #tpu.memory_space<vmem_shared>>
      %dma_wait3A_64 = arith.constant 0 : i32
      %dma_wait3A_65 = tpu.memref_slice %arg13[%dma_wait3A_64] : memref<21952xf32, #tpu.memory_space<vmem>> -> memref<3136xf32, #tpu.memory_space<vmem>>
      tpu.wait_dma2 semaphore(%run_scoped3A : memref<!tpu.dma_semaphore, #tpu.memory_space<semaphore_mem>>) src(%dma_wait3A_65 : memref<3136xf32, #tpu.memory_space<vmem>>) dst(%dma_wait3A_63 : memref<3136xf32, #tpu.memory_space<vmem_shared>>)
      tpu.yield
    }) : () -> ()
    %add3A_38 = arith.constant 50176 : i32
    %add3A_39 = arith.addi %add3A_38, %mul3A_2 : i32
    "tpu.region"() ({
      %run_scoped3A = tpu.sem_alloc : memref<!tpu.dma_semaphore, #tpu.memory_space<semaphore_mem>>
      %dma_start3A = arith.constant 3136 : i32
      %dma_start3A_56 = tpu.memref_slice %arg13[%dma_start3A] : memref<21952xf32, #tpu.memory_space<vmem>> -> memref<3136xf32, #tpu.memory_space<vmem>>
      %dma_start3A_57 = tpu.memref_slice %arg16[%add3A_39] : memref<351232xf32, #tpu.memory_space<vmem_shared>> -> memref<3136xf32, #tpu.memory_space<vmem_shared>>
      %dma_start3A_58 = tpu.memref_slice %arg16[%add3A_39] : memref<351232xf32, #tpu.memory_space<vmem_shared>> -> memref<3136xf32, #tpu.memory_space<vmem_shared>>
      %dma_start3A_59 = arith.constant 3136 : i32
      %dma_start3A_60 = tpu.memref_slice %arg13[%dma_start3A_59] : memref<21952xf32, #tpu.memory_space<vmem>> -> memref<3136xf32, #tpu.memory_space<vmem>>
      tpu.enqueue_dma source(%dma_start3A_60 : memref<3136xf32, #tpu.memory_space<vmem>>) target(%dma_start3A_58 : memref<3136xf32, #tpu.memory_space<vmem_shared>>) target_semaphore(%run_scoped3A : memref<!tpu.dma_semaphore, #tpu.memory_space<semaphore_mem>>)
      %dma_wait3A = arith.constant 3136 : i32
      %dma_wait3A_61 = tpu.memref_slice %arg13[%dma_wait3A] : memref<21952xf32, #tpu.memory_space<vmem>> -> memref<3136xf32, #tpu.memory_space<vmem>>
      %dma_wait3A_62 = tpu.memref_slice %arg16[%add3A_39] : memref<351232xf32, #tpu.memory_space<vmem_shared>> -> memref<3136xf32, #tpu.memory_space<vmem_shared>>
      %dma_wait3A_63 = tpu.memref_slice %arg16[%add3A_39] : memref<351232xf32, #tpu.memory_space<vmem_shared>> -> memref<3136xf32, #tpu.memory_space<vmem_shared>>
      %dma_wait3A_64 = arith.constant 3136 : i32
      %dma_wait3A_65 = tpu.memref_slice %arg13[%dma_wait3A_64] : memref<21952xf32, #tpu.memory_space<vmem>> -> memref<3136xf32, #tpu.memory_space<vmem>>
      tpu.wait_dma2 semaphore(%run_scoped3A : memref<!tpu.dma_semaphore, #tpu.memory_space<semaphore_mem>>) src(%dma_wait3A_65 : memref<3136xf32, #tpu.memory_space<vmem>>) dst(%dma_wait3A_63 : memref<3136xf32, #tpu.memory_space<vmem_shared>>)
      tpu.yield
    }) : () -> ()
    %add3A_40 = arith.constant 100352 : i32
    %add3A_41 = arith.addi %add3A_40, %mul3A_2 : i32
    "tpu.region"() ({
      %run_scoped3A = tpu.sem_alloc : memref<!tpu.dma_semaphore, #tpu.memory_space<semaphore_mem>>
      %dma_start3A = arith.constant 6272 : i32
      %dma_start3A_56 = tpu.memref_slice %arg13[%dma_start3A] : memref<21952xf32, #tpu.memory_space<vmem>> -> memref<3136xf32, #tpu.memory_space<vmem>>
      %dma_start3A_57 = tpu.memref_slice %arg16[%add3A_41] : memref<351232xf32, #tpu.memory_space<vmem_shared>> -> memref<3136xf32, #tpu.memory_space<vmem_shared>>
      %dma_start3A_58 = tpu.memref_slice %arg16[%add3A_41] : memref<351232xf32, #tpu.memory_space<vmem_shared>> -> memref<3136xf32, #tpu.memory_space<vmem_shared>>
      %dma_start3A_59 = arith.constant 6272 : i32
      %dma_start3A_60 = tpu.memref_slice %arg13[%dma_start3A_59] : memref<21952xf32, #tpu.memory_space<vmem>> -> memref<3136xf32, #tpu.memory_space<vmem>>
      tpu.enqueue_dma source(%dma_start3A_60 : memref<3136xf32, #tpu.memory_space<vmem>>) target(%dma_start3A_58 : memref<3136xf32, #tpu.memory_space<vmem_shared>>) target_semaphore(%run_scoped3A : memref<!tpu.dma_semaphore, #tpu.memory_space<semaphore_mem>>)
      %dma_wait3A = arith.constant 6272 : i32
      %dma_wait3A_61 = tpu.memref_slice %arg13[%dma_wait3A] : memref<21952xf32, #tpu.memory_space<vmem>> -> memref<3136xf32, #tpu.memory_space<vmem>>
      %dma_wait3A_62 = tpu.memref_slice %arg16[%add3A_41] : memref<351232xf32, #tpu.memory_space<vmem_shared>> -> memref<3136xf32, #tpu.memory_space<vmem_shared>>
      %dma_wait3A_63 = tpu.memref_slice %arg16[%add3A_41] : memref<351232xf32, #tpu.memory_space<vmem_shared>> -> memref<3136xf32, #tpu.memory_space<vmem_shared>>
      %dma_wait3A_64 = arith.constant 6272 : i32
      %dma_wait3A_65 = tpu.memref_slice %arg13[%dma_wait3A_64] : memref<21952xf32, #tpu.memory_space<vmem>> -> memref<3136xf32, #tpu.memory_space<vmem>>
      tpu.wait_dma2 semaphore(%run_scoped3A : memref<!tpu.dma_semaphore, #tpu.memory_space<semaphore_mem>>) src(%dma_wait3A_65 : memref<3136xf32, #tpu.memory_space<vmem>>) dst(%dma_wait3A_63 : memref<3136xf32, #tpu.memory_space<vmem_shared>>)
      tpu.yield
    }) : () -> ()
    %add3A_42 = arith.constant 150528 : i32
    %add3A_43 = arith.addi %add3A_42, %mul3A_2 : i32
    "tpu.region"() ({
      %run_scoped3A = tpu.sem_alloc : memref<!tpu.dma_semaphore, #tpu.memory_space<semaphore_mem>>
      %dma_start3A = arith.constant 9408 : i32
      %dma_start3A_56 = tpu.memref_slice %arg13[%dma_start3A] : memref<21952xf32, #tpu.memory_space<vmem>> -> memref<3136xf32, #tpu.memory_space<vmem>>
      %dma_start3A_57 = tpu.memref_slice %arg16[%add3A_43] : memref<351232xf32, #tpu.memory_space<vmem_shared>> -> memref<3136xf32, #tpu.memory_space<vmem_shared>>
      %dma_start3A_58 = tpu.memref_slice %arg16[%add3A_43] : memref<351232xf32, #tpu.memory_space<vmem_shared>> -> memref<3136xf32, #tpu.memory_space<vmem_shared>>
      %dma_start3A_59 = arith.constant 9408 : i32
      %dma_start3A_60 = tpu.memref_slice %arg13[%dma_start3A_59] : memref<21952xf32, #tpu.memory_space<vmem>> -> memref<3136xf32, #tpu.memory_space<vmem>>
      tpu.enqueue_dma source(%dma_start3A_60 : memref<3136xf32, #tpu.memory_space<vmem>>) target(%dma_start3A_58 : memref<3136xf32, #tpu.memory_space<vmem_shared>>) target_semaphore(%run_scoped3A : memref<!tpu.dma_semaphore, #tpu.memory_space<semaphore_mem>>)
      %dma_wait3A = arith.constant 9408 : i32
      %dma_wait3A_61 = tpu.memref_slice %arg13[%dma_wait3A] : memref<21952xf32, #tpu.memory_space<vmem>> -> memref<3136xf32, #tpu.memory_space<vmem>>
      %dma_wait3A_62 = tpu.memref_slice %arg16[%add3A_43] : memref<351232xf32, #tpu.memory_space<vmem_shared>> -> memref<3136xf32, #tpu.memory_space<vmem_shared>>
      %dma_wait3A_63 = tpu.memref_slice %arg16[%add3A_43] : memref<351232xf32, #tpu.memory_space<vmem_shared>> -> memref<3136xf32, #tpu.memory_space<vmem_shared>>
      %dma_wait3A_64 = arith.constant 9408 : i32
      %dma_wait3A_65 = tpu.memref_slice %arg13[%dma_wait3A_64] : memref<21952xf32, #tpu.memory_space<vmem>> -> memref<3136xf32, #tpu.memory_space<vmem>>
      tpu.wait_dma2 semaphore(%run_scoped3A : memref<!tpu.dma_semaphore, #tpu.memory_space<semaphore_mem>>) src(%dma_wait3A_65 : memref<3136xf32, #tpu.memory_space<vmem>>) dst(%dma_wait3A_63 : memref<3136xf32, #tpu.memory_space<vmem_shared>>)
      tpu.yield
    }) : () -> ()
    %add3A_44 = arith.constant 200704 : i32
    %add3A_45 = arith.addi %add3A_44, %mul3A_2 : i32
    "tpu.region"() ({
      %run_scoped3A = tpu.sem_alloc : memref<!tpu.dma_semaphore, #tpu.memory_space<semaphore_mem>>
      %dma_start3A = arith.constant 12544 : i32
      %dma_start3A_56 = tpu.memref_slice %arg13[%dma_start3A] : memref<21952xf32, #tpu.memory_space<vmem>> -> memref<3136xf32, #tpu.memory_space<vmem>>
      %dma_start3A_57 = tpu.memref_slice %arg16[%add3A_45] : memref<351232xf32, #tpu.memory_space<vmem_shared>> -> memref<3136xf32, #tpu.memory_space<vmem_shared>>
      %dma_start3A_58 = tpu.memref_slice %arg16[%add3A_45] : memref<351232xf32, #tpu.memory_space<vmem_shared>> -> memref<3136xf32, #tpu.memory_space<vmem_shared>>
      %dma_start3A_59 = arith.constant 12544 : i32
      %dma_start3A_60 = tpu.memref_slice %arg13[%dma_start3A_59] : memref<21952xf32, #tpu.memory_space<vmem>> -> memref<3136xf32, #tpu.memory_space<vmem>>
      tpu.enqueue_dma source(%dma_start3A_60 : memref<3136xf32, #tpu.memory_space<vmem>>) target(%dma_start3A_58 : memref<3136xf32, #tpu.memory_space<vmem_shared>>) target_semaphore(%run_scoped3A : memref<!tpu.dma_semaphore, #tpu.memory_space<semaphore_mem>>)
      %dma_wait3A = arith.constant 12544 : i32
      %dma_wait3A_61 = tpu.memref_slice %arg13[%dma_wait3A] : memref<21952xf32, #tpu.memory_space<vmem>> -> memref<3136xf32, #tpu.memory_space<vmem>>
      %dma_wait3A_62 = tpu.memref_slice %arg16[%add3A_45] : memref<351232xf32, #tpu.memory_space<vmem_shared>> -> memref<3136xf32, #tpu.memory_space<vmem_shared>>
      %dma_wait3A_63 = tpu.memref_slice %arg16[%add3A_45] : memref<351232xf32, #tpu.memory_space<vmem_shared>> -> memref<3136xf32, #tpu.memory_space<vmem_shared>>
      %dma_wait3A_64 = arith.constant 12544 : i32
      %dma_wait3A_65 = tpu.memref_slice %arg13[%dma_wait3A_64] : memref<21952xf32, #tpu.memory_space<vmem>> -> memref<3136xf32, #tpu.memory_space<vmem>>
      tpu.wait_dma2 semaphore(%run_scoped3A : memref<!tpu.dma_semaphore, #tpu.memory_space<semaphore_mem>>) src(%dma_wait3A_65 : memref<3136xf32, #tpu.memory_space<vmem>>) dst(%dma_wait3A_63 : memref<3136xf32, #tpu.memory_space<vmem_shared>>)
      tpu.yield
    }) : () -> ()
    %add3A_46 = arith.constant 250880 : i32
    %add3A_47 = arith.addi %add3A_46, %mul3A_2 : i32
    "tpu.region"() ({
      %run_scoped3A = tpu.sem_alloc : memref<!tpu.dma_semaphore, #tpu.memory_space<semaphore_mem>>
      %dma_start3A = arith.constant 15680 : i32
      %dma_start3A_56 = tpu.memref_slice %arg13[%dma_start3A] : memref<21952xf32, #tpu.memory_space<vmem>> -> memref<3136xf32, #tpu.memory_space<vmem>>
      %dma_start3A_57 = tpu.memref_slice %arg16[%add3A_47] : memref<351232xf32, #tpu.memory_space<vmem_shared>> -> memref<3136xf32, #tpu.memory_space<vmem_shared>>
      %dma_start3A_58 = tpu.memref_slice %arg16[%add3A_47] : memref<351232xf32, #tpu.memory_space<vmem_shared>> -> memref<3136xf32, #tpu.memory_space<vmem_shared>>
      %dma_start3A_59 = arith.constant 15680 : i32
      %dma_start3A_60 = tpu.memref_slice %arg13[%dma_start3A_59] : memref<21952xf32, #tpu.memory_space<vmem>> -> memref<3136xf32, #tpu.memory_space<vmem>>
      tpu.enqueue_dma source(%dma_start3A_60 : memref<3136xf32, #tpu.memory_space<vmem>>) target(%dma_start3A_58 : memref<3136xf32, #tpu.memory_space<vmem_shared>>) target_semaphore(%run_scoped3A : memref<!tpu.dma_semaphore, #tpu.memory_space<semaphore_mem>>)
      %dma_wait3A = arith.constant 15680 : i32
      %dma_wait3A_61 = tpu.memref_slice %arg13[%dma_wait3A] : memref<21952xf32, #tpu.memory_space<vmem>> -> memref<3136xf32, #tpu.memory_space<vmem>>
      %dma_wait3A_62 = tpu.memref_slice %arg16[%add3A_47] : memref<351232xf32, #tpu.memory_space<vmem_shared>> -> memref<3136xf32, #tpu.memory_space<vmem_shared>>
      %dma_wait3A_63 = tpu.memref_slice %arg16[%add3A_47] : memref<351232xf32, #tpu.memory_space<vmem_shared>> -> memref<3136xf32, #tpu.memory_space<vmem_shared>>
      %dma_wait3A_64 = arith.constant 15680 : i32
      %dma_wait3A_65 = tpu.memref_slice %arg13[%dma_wait3A_64] : memref<21952xf32, #tpu.memory_space<vmem>> -> memref<3136xf32, #tpu.memory_space<vmem>>
      tpu.wait_dma2 semaphore(%run_scoped3A : memref<!tpu.dma_semaphore, #tpu.memory_space<semaphore_mem>>) src(%dma_wait3A_65 : memref<3136xf32, #tpu.memory_space<vmem>>) dst(%dma_wait3A_63 : memref<3136xf32, #tpu.memory_space<vmem_shared>>)
      tpu.yield
    }) : () -> ()
    %add3A_48 = arith.constant 301056 : i32
    %add3A_49 = arith.addi %add3A_48, %mul3A_2 : i32
    "tpu.region"() ({
      %run_scoped3A = tpu.sem_alloc : memref<!tpu.dma_semaphore, #tpu.memory_space<semaphore_mem>>
      %dma_start3A = arith.constant 18816 : i32
      %dma_start3A_56 = tpu.memref_slice %arg13[%dma_start3A] : memref<21952xf32, #tpu.memory_space<vmem>> -> memref<3136xf32, #tpu.memory_space<vmem>>
      %dma_start3A_57 = tpu.memref_slice %arg16[%add3A_49] : memref<351232xf32, #tpu.memory_space<vmem_shared>> -> memref<3136xf32, #tpu.memory_space<vmem_shared>>
      %dma_start3A_58 = tpu.memref_slice %arg16[%add3A_49] : memref<351232xf32, #tpu.memory_space<vmem_shared>> -> memref<3136xf32, #tpu.memory_space<vmem_shared>>
      %dma_start3A_59 = arith.constant 18816 : i32
      %dma_start3A_60 = tpu.memref_slice %arg13[%dma_start3A_59] : memref<21952xf32, #tpu.memory_space<vmem>> -> memref<3136xf32, #tpu.memory_space<vmem>>
      tpu.enqueue_dma source(%dma_start3A_60 : memref<3136xf32, #tpu.memory_space<vmem>>) target(%dma_start3A_58 : memref<3136xf32, #tpu.memory_space<vmem_shared>>) target_semaphore(%run_scoped3A : memref<!tpu.dma_semaphore, #tpu.memory_space<semaphore_mem>>)
      %dma_wait3A = arith.constant 18816 : i32
      %dma_wait3A_61 = tpu.memref_slice %arg13[%dma_wait3A] : memref<21952xf32, #tpu.memory_space<vmem>> -> memref<3136xf32, #tpu.memory_space<vmem>>
      %dma_wait3A_62 = tpu.memref_slice %arg16[%add3A_49] : memref<351232xf32, #tpu.memory_space<vmem_shared>> -> memref<3136xf32, #tpu.memory_space<vmem_shared>>
      %dma_wait3A_63 = tpu.memref_slice %arg16[%add3A_49] : memref<351232xf32, #tpu.memory_space<vmem_shared>> -> memref<3136xf32, #tpu.memory_space<vmem_shared>>
      %dma_wait3A_64 = arith.constant 18816 : i32
      %dma_wait3A_65 = tpu.memref_slice %arg13[%dma_wait3A_64] : memref<21952xf32, #tpu.memory_space<vmem>> -> memref<3136xf32, #tpu.memory_space<vmem>>
      tpu.wait_dma2 semaphore(%run_scoped3A : memref<!tpu.dma_semaphore, #tpu.memory_space<semaphore_mem>>) src(%dma_wait3A_65 : memref<3136xf32, #tpu.memory_space<vmem>>) dst(%dma_wait3A_63 : memref<3136xf32, #tpu.memory_space<vmem_shared>>)
      tpu.yield
    }) : () -> ()
    %barrier3A = arith.constant 0 : index
    tpu.barrier barrier_id(%barrier3A)
    %scan3A_50 = arith.constant 0 : i32
    %scan3A_51 = arith.constant 0 : i32
    %scan3A_52 = arith.constant 5 : i32
    %scan3A_53 = arith.addi %scan3A_51, %scan3A_52 : i32
    %scan3A_54 = arith.constant 1 : i32
    scf.for %scan3A_56 = %scan3A_51 to %scan3A_53 step %scan3A_54  : i32 {
      %mul3A_57 = arith.constant 25000 : i32
      %mul3A_58 = arith.muli %add3A, %mul3A_57 : i32
      %mul3A_59 = arith.constant 5000 : i32
      %mul3A_60 = arith.muli %scan3A_56, %mul3A_59 : i32
      %add3A_61 = arith.addi %mul3A_58, %mul3A_60 : i32
      "tpu.region"() ({
        %run_scoped3A = tpu.sem_alloc : memref<!tpu.dma_semaphore, #tpu.memory_space<semaphore_mem>>
        %dma_start3A_256 = tpu.memref_slice %arg3[%add3A_61] : memref<800000xi32, #tpu.memory_space<hbm>> -> memref<5000xi32, #tpu.memory_space<hbm>>
        %dma_start3A_257 = tpu.memref_slice %arg3[%add3A_61] : memref<800000xi32, #tpu.memory_space<hbm>> -> memref<5000xi32, #tpu.memory_space<hbm>>
        tpu.enqueue_dma source(%dma_start3A_257 : memref<5000xi32, #tpu.memory_space<hbm>>) target(%arg14 : memref<5000xi32, #tpu.memory_space<vmem>>) target_semaphore(%run_scoped3A : memref<!tpu.dma_semaphore, #tpu.memory_space<semaphore_mem>>)
        %dma_wait3A_258 = tpu.memref_slice %arg3[%add3A_61] : memref<800000xi32, #tpu.memory_space<hbm>> -> memref<5000xi32, #tpu.memory_space<hbm>>
        %dma_wait3A_259 = tpu.memref_slice %arg3[%add3A_61] : memref<800000xi32, #tpu.memory_space<hbm>> -> memref<5000xi32, #tpu.memory_space<hbm>>
        tpu.wait_dma2 semaphore(%run_scoped3A : memref<!tpu.dma_semaphore, #tpu.memory_space<semaphore_mem>>) src(%dma_wait3A_259 : memref<5000xi32, #tpu.memory_space<hbm>>) dst(%arg14 : memref<5000xi32, #tpu.memory_space<vmem>>)
        tpu.yield
      }) : () -> ()
      %dma_start3A = arith.constant 0 : i32
      %dma_start3A_62 = tpu.memref_slice %arg15[%dma_start3A] : memref<35000xf32, #tpu.memory_space<vmem>> -> memref<5000xf32, #tpu.memory_space<vmem>>
      %dma_start3A_63 = arith.constant 0 : i32
      %dma_start3A_64 = tpu.memref_slice %arg14[%dma_start3A_63] : memref<5000xi32, #tpu.memory_space<vmem>> -> memref<5000xi32, #tpu.memory_space<vmem>>
      %dma_start3A_65 = arith.constant 0 : i32
      %dma_start3A_66 = tpu.memref_slice %arg16[%dma_start3A_65] : memref<351232xf32, #tpu.memory_space<vmem_shared>> -> memref<50176xf32, #tpu.memory_space<vmem_shared>>
      %dma_start3A_67 = arith.constant 0 : i32
      %dma_start3A_68 = tpu.memref_slice %dma_start3A_66[%dma_start3A_67] : memref<50176xf32, #tpu.memory_space<vmem_shared>> -> memref<50176xf32, #tpu.memory_space<vmem_shared>>
      tpu.enqueue_indirect_dma source(%dma_start3A_68 : memref<50176xf32, #tpu.memory_space<vmem_shared>>) target(%dma_start3A_62 : memref<5000xf32, #tpu.memory_space<vmem>>) offsets(%dma_start3A_64 : memref<5000xi32, #tpu.memory_space<vmem>>) semaphore(%arg17 : memref<!tpu.dma_semaphore, #tpu.memory_space<semaphore_mem>>)
      %dma_start3A_69 = arith.constant 5000 : i32
      %dma_start3A_70 = tpu.memref_slice %arg15[%dma_start3A_69] : memref<35000xf32, #tpu.memory_space<vmem>> -> memref<5000xf32, #tpu.memory_space<vmem>>
      %dma_start3A_71 = arith.constant 0 : i32
      %dma_start3A_72 = tpu.memref_slice %arg14[%dma_start3A_71] : memref<5000xi32, #tpu.memory_space<vmem>> -> memref<5000xi32, #tpu.memory_space<vmem>>
      %dma_start3A_73 = arith.constant 50176 : i32
      %dma_start3A_74 = tpu.memref_slice %arg16[%dma_start3A_73] : memref<351232xf32, #tpu.memory_space<vmem_shared>> -> memref<50176xf32, #tpu.memory_space<vmem_shared>>
      %dma_start3A_75 = arith.constant 0 : i32
      %dma_start3A_76 = tpu.memref_slice %dma_start3A_74[%dma_start3A_75] : memref<50176xf32, #tpu.memory_space<vmem_shared>> -> memref<50176xf32, #tpu.memory_space<vmem_shared>>
      tpu.enqueue_indirect_dma source(%dma_start3A_76 : memref<50176xf32, #tpu.memory_space<vmem_shared>>) target(%dma_start3A_70 : memref<5000xf32, #tpu.memory_space<vmem>>) offsets(%dma_start3A_72 : memref<5000xi32, #tpu.memory_space<vmem>>) semaphore(%arg17 : memref<!tpu.dma_semaphore, #tpu.memory_space<semaphore_mem>>)
      %dma_start3A_77 = arith.constant 10000 : i32
      %dma_start3A_78 = tpu.memref_slice %arg15[%dma_start3A_77] : memref<35000xf32, #tpu.memory_space<vmem>> -> memref<5000xf32, #tpu.memory_space<vmem>>
      %dma_start3A_79 = arith.constant 0 : i32
      %dma_start3A_80 = tpu.memref_slice %arg14[%dma_start3A_79] : memref<5000xi32, #tpu.memory_space<vmem>> -> memref<5000xi32, #tpu.memory_space<vmem>>
      %dma_start3A_81 = arith.constant 100352 : i32
      %dma_start3A_82 = tpu.memref_slice %arg16[%dma_start3A_81] : memref<351232xf32, #tpu.memory_space<vmem_shared>> -> memref<50176xf32, #tpu.memory_space<vmem_shared>>
      %dma_start3A_83 = arith.constant 0 : i32
      %dma_start3A_84 = tpu.memref_slice %dma_start3A_82[%dma_start3A_83] : memref<50176xf32, #tpu.memory_space<vmem_shared>> -> memref<50176xf32, #tpu.memory_space<vmem_shared>>
      tpu.enqueue_indirect_dma source(%dma_start3A_84 : memref<50176xf32, #tpu.memory_space<vmem_shared>>) target(%dma_start3A_78 : memref<5000xf32, #tpu.memory_space<vmem>>) offsets(%dma_start3A_80 : memref<5000xi32, #tpu.memory_space<vmem>>) semaphore(%arg17 : memref<!tpu.dma_semaphore, #tpu.memory_space<semaphore_mem>>)
      %dma_start3A_85 = arith.constant 15000 : i32
      %dma_start3A_86 = tpu.memref_slice %arg15[%dma_start3A_85] : memref<35000xf32, #tpu.memory_space<vmem>> -> memref<5000xf32, #tpu.memory_space<vmem>>
      %dma_start3A_87 = arith.constant 0 : i32
      %dma_start3A_88 = tpu.memref_slice %arg14[%dma_start3A_87] : memref<5000xi32, #tpu.memory_space<vmem>> -> memref<5000xi32, #tpu.memory_space<vmem>>
      %dma_start3A_89 = arith.constant 150528 : i32
      %dma_start3A_90 = tpu.memref_slice %arg16[%dma_start3A_89] : memref<351232xf32, #tpu.memory_space<vmem_shared>> -> memref<50176xf32, #tpu.memory_space<vmem_shared>>
      %dma_start3A_91 = arith.constant 0 : i32
      %dma_start3A_92 = tpu.memref_slice %dma_start3A_90[%dma_start3A_91] : memref<50176xf32, #tpu.memory_space<vmem_shared>> -> memref<50176xf32, #tpu.memory_space<vmem_shared>>
      tpu.enqueue_indirect_dma source(%dma_start3A_92 : memref<50176xf32, #tpu.memory_space<vmem_shared>>) target(%dma_start3A_86 : memref<5000xf32, #tpu.memory_space<vmem>>) offsets(%dma_start3A_88 : memref<5000xi32, #tpu.memory_space<vmem>>) semaphore(%arg17 : memref<!tpu.dma_semaphore, #tpu.memory_space<semaphore_mem>>)
      %dma_start3A_93 = arith.constant 20000 : i32
      %dma_start3A_94 = tpu.memref_slice %arg15[%dma_start3A_93] : memref<35000xf32, #tpu.memory_space<vmem>> -> memref<5000xf32, #tpu.memory_space<vmem>>
      %dma_start3A_95 = arith.constant 0 : i32
      %dma_start3A_96 = tpu.memref_slice %arg14[%dma_start3A_95] : memref<5000xi32, #tpu.memory_space<vmem>> -> memref<5000xi32, #tpu.memory_space<vmem>>
      %dma_start3A_97 = arith.constant 200704 : i32
      %dma_start3A_98 = tpu.memref_slice %arg16[%dma_start3A_97] : memref<351232xf32, #tpu.memory_space<vmem_shared>> -> memref<50176xf32, #tpu.memory_space<vmem_shared>>
      %dma_start3A_99 = arith.constant 0 : i32
      %dma_start3A_100 = tpu.memref_slice %dma_start3A_98[%dma_start3A_99] : memref<50176xf32, #tpu.memory_space<vmem_shared>> -> memref<50176xf32, #tpu.memory_space<vmem_shared>>
      tpu.enqueue_indirect_dma source(%dma_start3A_100 : memref<50176xf32, #tpu.memory_space<vmem_shared>>) target(%dma_start3A_94 : memref<5000xf32, #tpu.memory_space<vmem>>) offsets(%dma_start3A_96 : memref<5000xi32, #tpu.memory_space<vmem>>) semaphore(%arg17 : memref<!tpu.dma_semaphore, #tpu.memory_space<semaphore_mem>>)
      %dma_start3A_101 = arith.constant 25000 : i32
      %dma_start3A_102 = tpu.memref_slice %arg15[%dma_start3A_101] : memref<35000xf32, #tpu.memory_space<vmem>> -> memref<5000xf32, #tpu.memory_space<vmem>>
      %dma_start3A_103 = arith.constant 0 : i32
      %dma_start3A_104 = tpu.memref_slice %arg14[%dma_start3A_103] : memref<5000xi32, #tpu.memory_space<vmem>> -> memref<5000xi32, #tpu.memory_space<vmem>>
      %dma_start3A_105 = arith.constant 250880 : i32
      %dma_start3A_106 = tpu.memref_slice %arg16[%dma_start3A_105] : memref<351232xf32, #tpu.memory_space<vmem_shared>> -> memref<50176xf32, #tpu.memory_space<vmem_shared>>
      %dma_start3A_107 = arith.constant 0 : i32
      %dma_start3A_108 = tpu.memref_slice %dma_start3A_106[%dma_start3A_107] : memref<50176xf32, #tpu.memory_space<vmem_shared>> -> memref<50176xf32, #tpu.memory_space<vmem_shared>>
      tpu.enqueue_indirect_dma source(%dma_start3A_108 : memref<50176xf32, #tpu.memory_space<vmem_shared>>) target(%dma_start3A_102 : memref<5000xf32, #tpu.memory_space<vmem>>) offsets(%dma_start3A_104 : memref<5000xi32, #tpu.memory_space<vmem>>) semaphore(%arg17 : memref<!tpu.dma_semaphore, #tpu.memory_space<semaphore_mem>>)
      %dma_start3A_109 = arith.constant 30000 : i32
      %dma_start3A_110 = tpu.memref_slice %arg15[%dma_start3A_109] : memref<35000xf32, #tpu.memory_space<vmem>> -> memref<5000xf32, #tpu.memory_space<vmem>>
      %dma_start3A_111 = arith.constant 0 : i32
      %dma_start3A_112 = tpu.memref_slice %arg14[%dma_start3A_111] : memref<5000xi32, #tpu.memory_space<vmem>> -> memref<5000xi32, #tpu.memory_space<vmem>>
      %dma_start3A_113 = arith.constant 301056 : i32
      %dma_start3A_114 = tpu.memref_slice %arg16[%dma_start3A_113] : memref<351232xf32, #tpu.memory_space<vmem_shared>> -> memref<50176xf32, #tpu.memory_space<vmem_shared>>
      %dma_start3A_115 = arith.constant 0 : i32
      %dma_start3A_116 = tpu.memref_slice %dma_start3A_114[%dma_start3A_115] : memref<50176xf32, #tpu.memory_space<vmem_shared>> -> memref<50176xf32, #tpu.memory_space<vmem_shared>>
      tpu.enqueue_indirect_dma source(%dma_start3A_116 : memref<50176xf32, #tpu.memory_space<vmem_shared>>) target(%dma_start3A_110 : memref<5000xf32, #tpu.memory_space<vmem>>) offsets(%dma_start3A_112 : memref<5000xi32, #tpu.memory_space<vmem>>) semaphore(%arg17 : memref<!tpu.dma_semaphore, #tpu.memory_space<semaphore_mem>>)
      %dma_wait3A = arith.constant 0 : i32
      %dma_wait3A_117 = tpu.memref_slice %arg15[%dma_wait3A] : memref<35000xf32, #tpu.memory_space<vmem>> -> memref<5000xf32, #tpu.memory_space<vmem>>
      %dma_wait3A_118 = arith.constant 0 : i32
      %dma_wait3A_119 = tpu.memref_slice %arg14[%dma_wait3A_118] : memref<5000xi32, #tpu.memory_space<vmem>> -> memref<5000xi32, #tpu.memory_space<vmem>>
      %dma_wait3A_120 = arith.constant 0 : i32
      %dma_wait3A_121 = tpu.memref_slice %arg16[%dma_wait3A_120] : memref<351232xf32, #tpu.memory_space<vmem_shared>> -> memref<50176xf32, #tpu.memory_space<vmem_shared>>
      %dma_wait3A_122 = arith.constant 0 : i32
      %dma_wait3A_123 = tpu.memref_slice %dma_wait3A_121[%dma_wait3A_122] : memref<50176xf32, #tpu.memory_space<vmem_shared>> -> memref<50176xf32, #tpu.memory_space<vmem_shared>>
      tpu.wait_indirect_dma semaphore(%arg17 : memref<!tpu.dma_semaphore, #tpu.memory_space<semaphore_mem>>) src(%dma_wait3A_123 : memref<50176xf32, #tpu.memory_space<vmem_shared>>) dst(%dma_wait3A_117 : memref<5000xf32, #tpu.memory_space<vmem>>)
      %dma_wait3A_124 = arith.constant 5000 : i32
      %dma_wait3A_125 = tpu.memref_slice %arg15[%dma_wait3A_124] : memref<35000xf32, #tpu.memory_space<vmem>> -> memref<5000xf32, #tpu.memory_space<vmem>>
      %dma_wait3A_126 = arith.constant 0 : i32
      %dma_wait3A_127 = tpu.memref_slice %arg14[%dma_wait3A_126] : memref<5000xi32, #tpu.memory_space<vmem>> -> memref<5000xi32, #tpu.memory_space<vmem>>
      %dma_wait3A_128 = arith.constant 50176 : i32
      %dma_wait3A_129 = tpu.memref_slice %arg16[%dma_wait3A_128] : memref<351232xf32, #tpu.memory_space<vmem_shared>> -> memref<50176xf32, #tpu.memory_space<vmem_shared>>
      %dma_wait3A_130 = arith.constant 0 : i32
      %dma_wait3A_131 = tpu.memref_slice %dma_wait3A_129[%dma_wait3A_130] : memref<50176xf32, #tpu.memory_space<vmem_shared>> -> memref<50176xf32, #tpu.memory_space<vmem_shared>>
      tpu.wait_indirect_dma semaphore(%arg17 : memref<!tpu.dma_semaphore, #tpu.memory_space<semaphore_mem>>) src(%dma_wait3A_131 : memref<50176xf32, #tpu.memory_space<vmem_shared>>) dst(%dma_wait3A_125 : memref<5000xf32, #tpu.memory_space<vmem>>)
      %dma_wait3A_132 = arith.constant 10000 : i32
      %dma_wait3A_133 = tpu.memref_slice %arg15[%dma_wait3A_132] : memref<35000xf32, #tpu.memory_space<vmem>> -> memref<5000xf32, #tpu.memory_space<vmem>>
      %dma_wait3A_134 = arith.constant 0 : i32
      %dma_wait3A_135 = tpu.memref_slice %arg14[%dma_wait3A_134] : memref<5000xi32, #tpu.memory_space<vmem>> -> memref<5000xi32, #tpu.memory_space<vmem>>
      %dma_wait3A_136 = arith.constant 100352 : i32
      %dma_wait3A_137 = tpu.memref_slice %arg16[%dma_wait3A_136] : memref<351232xf32, #tpu.memory_space<vmem_shared>> -> memref<50176xf32, #tpu.memory_space<vmem_shared>>
      %dma_wait3A_138 = arith.constant 0 : i32
      %dma_wait3A_139 = tpu.memref_slice %dma_wait3A_137[%dma_wait3A_138] : memref<50176xf32, #tpu.memory_space<vmem_shared>> -> memref<50176xf32, #tpu.memory_space<vmem_shared>>
      tpu.wait_indirect_dma semaphore(%arg17 : memref<!tpu.dma_semaphore, #tpu.memory_space<semaphore_mem>>) src(%dma_wait3A_139 : memref<50176xf32, #tpu.memory_space<vmem_shared>>) dst(%dma_wait3A_133 : memref<5000xf32, #tpu.memory_space<vmem>>)
      %dma_wait3A_140 = arith.constant 15000 : i32
      %dma_wait3A_141 = tpu.memref_slice %arg15[%dma_wait3A_140] : memref<35000xf32, #tpu.memory_space<vmem>> -> memref<5000xf32, #tpu.memory_space<vmem>>
      %dma_wait3A_142 = arith.constant 0 : i32
      %dma_wait3A_143 = tpu.memref_slice %arg14[%dma_wait3A_142] : memref<5000xi32, #tpu.memory_space<vmem>> -> memref<5000xi32, #tpu.memory_space<vmem>>
      %dma_wait3A_144 = arith.constant 150528 : i32
      %dma_wait3A_145 = tpu.memref_slice %arg16[%dma_wait3A_144] : memref<351232xf32, #tpu.memory_space<vmem_shared>> -> memref<50176xf32, #tpu.memory_space<vmem_shared>>
      %dma_wait3A_146 = arith.constant 0 : i32
      %dma_wait3A_147 = tpu.memref_slice %dma_wait3A_145[%dma_wait3A_146] : memref<50176xf32, #tpu.memory_space<vmem_shared>> -> memref<50176xf32, #tpu.memory_space<vmem_shared>>
      tpu.wait_indirect_dma semaphore(%arg17 : memref<!tpu.dma_semaphore, #tpu.memory_space<semaphore_mem>>) src(%dma_wait3A_147 : memref<50176xf32, #tpu.memory_space<vmem_shared>>) dst(%dma_wait3A_141 : memref<5000xf32, #tpu.memory_space<vmem>>)
      %dma_wait3A_148 = arith.constant 20000 : i32
      %dma_wait3A_149 = tpu.memref_slice %arg15[%dma_wait3A_148] : memref<35000xf32, #tpu.memory_space<vmem>> -> memref<5000xf32, #tpu.memory_space<vmem>>
      %dma_wait3A_150 = arith.constant 0 : i32
      %dma_wait3A_151 = tpu.memref_slice %arg14[%dma_wait3A_150] : memref<5000xi32, #tpu.memory_space<vmem>> -> memref<5000xi32, #tpu.memory_space<vmem>>
      %dma_wait3A_152 = arith.constant 200704 : i32
      %dma_wait3A_153 = tpu.memref_slice %arg16[%dma_wait3A_152] : memref<351232xf32, #tpu.memory_space<vmem_shared>> -> memref<50176xf32, #tpu.memory_space<vmem_shared>>
      %dma_wait3A_154 = arith.constant 0 : i32
      %dma_wait3A_155 = tpu.memref_slice %dma_wait3A_153[%dma_wait3A_154] : memref<50176xf32, #tpu.memory_space<vmem_shared>> -> memref<50176xf32, #tpu.memory_space<vmem_shared>>
      tpu.wait_indirect_dma semaphore(%arg17 : memref<!tpu.dma_semaphore, #tpu.memory_space<semaphore_mem>>) src(%dma_wait3A_155 : memref<50176xf32, #tpu.memory_space<vmem_shared>>) dst(%dma_wait3A_149 : memref<5000xf32, #tpu.memory_space<vmem>>)
      %dma_wait3A_156 = arith.constant 25000 : i32
      %dma_wait3A_157 = tpu.memref_slice %arg15[%dma_wait3A_156] : memref<35000xf32, #tpu.memory_space<vmem>> -> memref<5000xf32, #tpu.memory_space<vmem>>
      %dma_wait3A_158 = arith.constant 0 : i32
      %dma_wait3A_159 = tpu.memref_slice %arg14[%dma_wait3A_158] : memref<5000xi32, #tpu.memory_space<vmem>> -> memref<5000xi32, #tpu.memory_space<vmem>>
      %dma_wait3A_160 = arith.constant 250880 : i32
      %dma_wait3A_161 = tpu.memref_slice %arg16[%dma_wait3A_160] : memref<351232xf32, #tpu.memory_space<vmem_shared>> -> memref<50176xf32, #tpu.memory_space<vmem_shared>>
      %dma_wait3A_162 = arith.constant 0 : i32
      %dma_wait3A_163 = tpu.memref_slice %dma_wait3A_161[%dma_wait3A_162] : memref<50176xf32, #tpu.memory_space<vmem_shared>> -> memref<50176xf32, #tpu.memory_space<vmem_shared>>
      tpu.wait_indirect_dma semaphore(%arg17 : memref<!tpu.dma_semaphore, #tpu.memory_space<semaphore_mem>>) src(%dma_wait3A_163 : memref<50176xf32, #tpu.memory_space<vmem_shared>>) dst(%dma_wait3A_157 : memref<5000xf32, #tpu.memory_space<vmem>>)
      %dma_wait3A_164 = arith.constant 30000 : i32
      %dma_wait3A_165 = tpu.memref_slice %arg15[%dma_wait3A_164] : memref<35000xf32, #tpu.memory_space<vmem>> -> memref<5000xf32, #tpu.memory_space<vmem>>
      %dma_wait3A_166 = arith.constant 0 : i32
      %dma_wait3A_167 = tpu.memref_slice %arg14[%dma_wait3A_166] : memref<5000xi32, #tpu.memory_space<vmem>> -> memref<5000xi32, #tpu.memory_space<vmem>>
      %dma_wait3A_168 = arith.constant 301056 : i32
      %dma_wait3A_169 = tpu.memref_slice %arg16[%dma_wait3A_168] : memref<351232xf32, #tpu.memory_space<vmem_shared>> -> memref<50176xf32, #tpu.memory_space<vmem_shared>>
      %dma_wait3A_170 = arith.constant 0 : i32
      %dma_wait3A_171 = tpu.memref_slice %dma_wait3A_169[%dma_wait3A_170] : memref<50176xf32, #tpu.memory_space<vmem_shared>> -> memref<50176xf32, #tpu.memory_space<vmem_shared>>
      tpu.wait_indirect_dma semaphore(%arg17 : memref<!tpu.dma_semaphore, #tpu.memory_space<semaphore_mem>>) src(%dma_wait3A_171 : memref<50176xf32, #tpu.memory_space<vmem_shared>>) dst(%dma_wait3A_165 : memref<5000xf32, #tpu.memory_space<vmem>>)
      %dma_start3A_172 = arith.constant 0 : i32
      %dma_start3A_173 = tpu.memref_slice %arg15[%dma_start3A_172] : memref<35000xf32, #tpu.memory_space<vmem>> -> memref<5000xf32, #tpu.memory_space<vmem>>
      %dma_start3A_174 = tpu.memref_slice %arg4[%add3A_61] : memref<800000xf32, #tpu.memory_space<hbm>> -> memref<5000xf32, #tpu.memory_space<hbm>>
      %dma_start3A_175 = tpu.memref_slice %arg4[%add3A_61] : memref<800000xf32, #tpu.memory_space<hbm>> -> memref<5000xf32, #tpu.memory_space<hbm>>
      %dma_start3A_176 = arith.constant 0 : i32
      %dma_start3A_177 = tpu.memref_slice %arg15[%dma_start3A_176] : memref<35000xf32, #tpu.memory_space<vmem>> -> memref<5000xf32, #tpu.memory_space<vmem>>
      tpu.enqueue_dma source(%dma_start3A_177 : memref<5000xf32, #tpu.memory_space<vmem>>) target(%dma_start3A_175 : memref<5000xf32, #tpu.memory_space<hbm>>) target_semaphore(%arg17 : memref<!tpu.dma_semaphore, #tpu.memory_space<semaphore_mem>>)
      %dma_start3A_178 = arith.constant 5000 : i32
      %dma_start3A_179 = tpu.memref_slice %arg15[%dma_start3A_178] : memref<35000xf32, #tpu.memory_space<vmem>> -> memref<5000xf32, #tpu.memory_space<vmem>>
      %dma_start3A_180 = tpu.memref_slice %arg5[%add3A_61] : memref<800000xf32, #tpu.memory_space<hbm>> -> memref<5000xf32, #tpu.memory_space<hbm>>
      %dma_start3A_181 = tpu.memref_slice %arg5[%add3A_61] : memref<800000xf32, #tpu.memory_space<hbm>> -> memref<5000xf32, #tpu.memory_space<hbm>>
      %dma_start3A_182 = arith.constant 5000 : i32
      %dma_start3A_183 = tpu.memref_slice %arg15[%dma_start3A_182] : memref<35000xf32, #tpu.memory_space<vmem>> -> memref<5000xf32, #tpu.memory_space<vmem>>
      tpu.enqueue_dma source(%dma_start3A_183 : memref<5000xf32, #tpu.memory_space<vmem>>) target(%dma_start3A_181 : memref<5000xf32, #tpu.memory_space<hbm>>) target_semaphore(%arg17 : memref<!tpu.dma_semaphore, #tpu.memory_space<semaphore_mem>>)
      %dma_start3A_184 = arith.constant 10000 : i32
      %dma_start3A_185 = tpu.memref_slice %arg15[%dma_start3A_184] : memref<35000xf32, #tpu.memory_space<vmem>> -> memref<5000xf32, #tpu.memory_space<vmem>>
      %dma_start3A_186 = tpu.memref_slice %arg6[%add3A_61] : memref<800000xf32, #tpu.memory_space<hbm>> -> memref<5000xf32, #tpu.memory_space<hbm>>
      %dma_start3A_187 = tpu.memref_slice %arg6[%add3A_61] : memref<800000xf32, #tpu.memory_space<hbm>> -> memref<5000xf32, #tpu.memory_space<hbm>>
      %dma_start3A_188 = arith.constant 10000 : i32
      %dma_start3A_189 = tpu.memref_slice %arg15[%dma_start3A_188] : memref<35000xf32, #tpu.memory_space<vmem>> -> memref<5000xf32, #tpu.memory_space<vmem>>
      tpu.enqueue_dma source(%dma_start3A_189 : memref<5000xf32, #tpu.memory_space<vmem>>) target(%dma_start3A_187 : memref<5000xf32, #tpu.memory_space<hbm>>) target_semaphore(%arg17 : memref<!tpu.dma_semaphore, #tpu.memory_space<semaphore_mem>>)
      %dma_start3A_190 = arith.constant 15000 : i32
      %dma_start3A_191 = tpu.memref_slice %arg15[%dma_start3A_190] : memref<35000xf32, #tpu.memory_space<vmem>> -> memref<5000xf32, #tpu.memory_space<vmem>>
      %dma_start3A_192 = tpu.memref_slice %arg7[%add3A_61] : memref<800000xf32, #tpu.memory_space<hbm>> -> memref<5000xf32, #tpu.memory_space<hbm>>
      %dma_start3A_193 = tpu.memref_slice %arg7[%add3A_61] : memref<800000xf32, #tpu.memory_space<hbm>> -> memref<5000xf32, #tpu.memory_space<hbm>>
      %dma_start3A_194 = arith.constant 15000 : i32
      %dma_start3A_195 = tpu.memref_slice %arg15[%dma_start3A_194] : memref<35000xf32, #tpu.memory_space<vmem>> -> memref<5000xf32, #tpu.memory_space<vmem>>
      tpu.enqueue_dma source(%dma_start3A_195 : memref<5000xf32, #tpu.memory_space<vmem>>) target(%dma_start3A_193 : memref<5000xf32, #tpu.memory_space<hbm>>) target_semaphore(%arg17 : memref<!tpu.dma_semaphore, #tpu.memory_space<semaphore_mem>>)
      %dma_start3A_196 = arith.constant 20000 : i32
      %dma_start3A_197 = tpu.memref_slice %arg15[%dma_start3A_196] : memref<35000xf32, #tpu.memory_space<vmem>> -> memref<5000xf32, #tpu.memory_space<vmem>>
      %dma_start3A_198 = tpu.memref_slice %arg8[%add3A_61] : memref<800000xf32, #tpu.memory_space<hbm>> -> memref<5000xf32, #tpu.memory_space<hbm>>
      %dma_start3A_199 = tpu.memref_slice %arg8[%add3A_61] : memref<800000xf32, #tpu.memory_space<hbm>> -> memref<5000xf32, #tpu.memory_space<hbm>>
      %dma_start3A_200 = arith.constant 20000 : i32
      %dma_start3A_201 = tpu.memref_slice %arg15[%dma_start3A_200] : memref<35000xf32, #tpu.memory_space<vmem>> -> memref<5000xf32, #tpu.memory_space<vmem>>
      tpu.enqueue_dma source(%dma_start3A_201 : memref<5000xf32, #tpu.memory_space<vmem>>) target(%dma_start3A_199 : memref<5000xf32, #tpu.memory_space<hbm>>) target_semaphore(%arg17 : memref<!tpu.dma_semaphore, #tpu.memory_space<semaphore_mem>>)
      %dma_start3A_202 = arith.constant 25000 : i32
      %dma_start3A_203 = tpu.memref_slice %arg15[%dma_start3A_202] : memref<35000xf32, #tpu.memory_space<vmem>> -> memref<5000xf32, #tpu.memory_space<vmem>>
      %dma_start3A_204 = tpu.memref_slice %arg9[%add3A_61] : memref<800000xf32, #tpu.memory_space<hbm>> -> memref<5000xf32, #tpu.memory_space<hbm>>
      %dma_start3A_205 = tpu.memref_slice %arg9[%add3A_61] : memref<800000xf32, #tpu.memory_space<hbm>> -> memref<5000xf32, #tpu.memory_space<hbm>>
      %dma_start3A_206 = arith.constant 25000 : i32
      %dma_start3A_207 = tpu.memref_slice %arg15[%dma_start3A_206] : memref<35000xf32, #tpu.memory_space<vmem>> -> memref<5000xf32, #tpu.memory_space<vmem>>
      tpu.enqueue_dma source(%dma_start3A_207 : memref<5000xf32, #tpu.memory_space<vmem>>) target(%dma_start3A_205 : memref<5000xf32, #tpu.memory_space<hbm>>) target_semaphore(%arg17 : memref<!tpu.dma_semaphore, #tpu.memory_space<semaphore_mem>>)
      %dma_start3A_208 = arith.constant 30000 : i32
      %dma_start3A_209 = tpu.memref_slice %arg15[%dma_start3A_208] : memref<35000xf32, #tpu.memory_space<vmem>> -> memref<5000xf32, #tpu.memory_space<vmem>>
      %dma_start3A_210 = tpu.memref_slice %arg10[%add3A_61] : memref<800000xf32, #tpu.memory_space<hbm>> -> memref<5000xf32, #tpu.memory_space<hbm>>
      %dma_start3A_211 = tpu.memref_slice %arg10[%add3A_61] : memref<800000xf32, #tpu.memory_space<hbm>> -> memref<5000xf32, #tpu.memory_space<hbm>>
      %dma_start3A_212 = arith.constant 30000 : i32
      %dma_start3A_213 = tpu.memref_slice %arg15[%dma_start3A_212] : memref<35000xf32, #tpu.memory_space<vmem>> -> memref<5000xf32, #tpu.memory_space<vmem>>
      tpu.enqueue_dma source(%dma_start3A_213 : memref<5000xf32, #tpu.memory_space<vmem>>) target(%dma_start3A_211 : memref<5000xf32, #tpu.memory_space<hbm>>) target_semaphore(%arg17 : memref<!tpu.dma_semaphore, #tpu.memory_space<semaphore_mem>>)
      %dma_wait3A_214 = arith.constant 0 : i32
      %dma_wait3A_215 = tpu.memref_slice %arg15[%dma_wait3A_214] : memref<35000xf32, #tpu.memory_space<vmem>> -> memref<5000xf32, #tpu.memory_space<vmem>>
      %dma_wait3A_216 = tpu.memref_slice %arg4[%add3A_61] : memref<800000xf32, #tpu.memory_space<hbm>> -> memref<5000xf32, #tpu.memory_space<hbm>>
      %dma_wait3A_217 = tpu.memref_slice %arg4[%add3A_61] : memref<800000xf32, #tpu.memory_space<hbm>> -> memref<5000xf32, #tpu.memory_space<hbm>>
      %dma_wait3A_218 = arith.constant 0 : i32
      %dma_wait3A_219 = tpu.memref_slice %arg15[%dma_wait3A_218] : memref<35000xf32, #tpu.memory_space<vmem>> -> memref<5000xf32, #tpu.memory_space<vmem>>
      tpu.wait_dma2 semaphore(%arg17 : memref<!tpu.dma_semaphore, #tpu.memory_space<semaphore_mem>>) src(%dma_wait3A_219 : memref<5000xf32, #tpu.memory_space<vmem>>) dst(%dma_wait3A_217 : memref<5000xf32, #tpu.memory_space<hbm>>)
      %dma_wait3A_220 = arith.constant 5000 : i32
      %dma_wait3A_221 = tpu.memref_slice %arg15[%dma_wait3A_220] : memref<35000xf32, #tpu.memory_space<vmem>> -> memref<5000xf32, #tpu.memory_space<vmem>>
      %dma_wait3A_222 = tpu.memref_slice %arg5[%add3A_61] : memref<800000xf32, #tpu.memory_space<hbm>> -> memref<5000xf32, #tpu.memory_space<hbm>>
      %dma_wait3A_223 = tpu.memref_slice %arg5[%add3A_61] : memref<800000xf32, #tpu.memory_space<hbm>> -> memref<5000xf32, #tpu.memory_space<hbm>>
      %dma_wait3A_224 = arith.constant 5000 : i32
      %dma_wait3A_225 = tpu.memref_slice %arg15[%dma_wait3A_224] : memref<35000xf32, #tpu.memory_space<vmem>> -> memref<5000xf32, #tpu.memory_space<vmem>>
      tpu.wait_dma2 semaphore(%arg17 : memref<!tpu.dma_semaphore, #tpu.memory_space<semaphore_mem>>) src(%dma_wait3A_225 : memref<5000xf32, #tpu.memory_space<vmem>>) dst(%dma_wait3A_223 : memref<5000xf32, #tpu.memory_space<hbm>>)
      %dma_wait3A_226 = arith.constant 10000 : i32
      %dma_wait3A_227 = tpu.memref_slice %arg15[%dma_wait3A_226] : memref<35000xf32, #tpu.memory_space<vmem>> -> memref<5000xf32, #tpu.memory_space<vmem>>
      %dma_wait3A_228 = tpu.memref_slice %arg6[%add3A_61] : memref<800000xf32, #tpu.memory_space<hbm>> -> memref<5000xf32, #tpu.memory_space<hbm>>
      %dma_wait3A_229 = tpu.memref_slice %arg6[%add3A_61] : memref<800000xf32, #tpu.memory_space<hbm>> -> memref<5000xf32, #tpu.memory_space<hbm>>
      %dma_wait3A_230 = arith.constant 10000 : i32
      %dma_wait3A_231 = tpu.memref_slice %arg15[%dma_wait3A_230] : memref<35000xf32, #tpu.memory_space<vmem>> -> memref<5000xf32, #tpu.memory_space<vmem>>
      tpu.wait_dma2 semaphore(%arg17 : memref<!tpu.dma_semaphore, #tpu.memory_space<semaphore_mem>>) src(%dma_wait3A_231 : memref<5000xf32, #tpu.memory_space<vmem>>) dst(%dma_wait3A_229 : memref<5000xf32, #tpu.memory_space<hbm>>)
      %dma_wait3A_232 = arith.constant 15000 : i32
      %dma_wait3A_233 = tpu.memref_slice %arg15[%dma_wait3A_232] : memref<35000xf32, #tpu.memory_space<vmem>> -> memref<5000xf32, #tpu.memory_space<vmem>>
      %dma_wait3A_234 = tpu.memref_slice %arg7[%add3A_61] : memref<800000xf32, #tpu.memory_space<hbm>> -> memref<5000xf32, #tpu.memory_space<hbm>>
      %dma_wait3A_235 = tpu.memref_slice %arg7[%add3A_61] : memref<800000xf32, #tpu.memory_space<hbm>> -> memref<5000xf32, #tpu.memory_space<hbm>>
      %dma_wait3A_236 = arith.constant 15000 : i32
      %dma_wait3A_237 = tpu.memref_slice %arg15[%dma_wait3A_236] : memref<35000xf32, #tpu.memory_space<vmem>> -> memref<5000xf32, #tpu.memory_space<vmem>>
      tpu.wait_dma2 semaphore(%arg17 : memref<!tpu.dma_semaphore, #tpu.memory_space<semaphore_mem>>) src(%dma_wait3A_237 : memref<5000xf32, #tpu.memory_space<vmem>>) dst(%dma_wait3A_235 : memref<5000xf32, #tpu.memory_space<hbm>>)
      %dma_wait3A_238 = arith.constant 20000 : i32
      %dma_wait3A_239 = tpu.memref_slice %arg15[%dma_wait3A_238] : memref<35000xf32, #tpu.memory_space<vmem>> -> memref<5000xf32, #tpu.memory_space<vmem>>
      %dma_wait3A_240 = tpu.memref_slice %arg8[%add3A_61] : memref<800000xf32, #tpu.memory_space<hbm>> -> memref<5000xf32, #tpu.memory_space<hbm>>
      %dma_wait3A_241 = tpu.memref_slice %arg8[%add3A_61] : memref<800000xf32, #tpu.memory_space<hbm>> -> memref<5000xf32, #tpu.memory_space<hbm>>
      %dma_wait3A_242 = arith.constant 20000 : i32
      %dma_wait3A_243 = tpu.memref_slice %arg15[%dma_wait3A_242] : memref<35000xf32, #tpu.memory_space<vmem>> -> memref<5000xf32, #tpu.memory_space<vmem>>
      tpu.wait_dma2 semaphore(%arg17 : memref<!tpu.dma_semaphore, #tpu.memory_space<semaphore_mem>>) src(%dma_wait3A_243 : memref<5000xf32, #tpu.memory_space<vmem>>) dst(%dma_wait3A_241 : memref<5000xf32, #tpu.memory_space<hbm>>)
      %dma_wait3A_244 = arith.constant 25000 : i32
      %dma_wait3A_245 = tpu.memref_slice %arg15[%dma_wait3A_244] : memref<35000xf32, #tpu.memory_space<vmem>> -> memref<5000xf32, #tpu.memory_space<vmem>>
      %dma_wait3A_246 = tpu.memref_slice %arg9[%add3A_61] : memref<800000xf32, #tpu.memory_space<hbm>> -> memref<5000xf32, #tpu.memory_space<hbm>>
      %dma_wait3A_247 = tpu.memref_slice %arg9[%add3A_61] : memref<800000xf32, #tpu.memory_space<hbm>> -> memref<5000xf32, #tpu.memory_space<hbm>>
      %dma_wait3A_248 = arith.constant 25000 : i32
      %dma_wait3A_249 = tpu.memref_slice %arg15[%dma_wait3A_248] : memref<35000xf32, #tpu.memory_space<vmem>> -> memref<5000xf32, #tpu.memory_space<vmem>>
      tpu.wait_dma2 semaphore(%arg17 : memref<!tpu.dma_semaphore, #tpu.memory_space<semaphore_mem>>) src(%dma_wait3A_249 : memref<5000xf32, #tpu.memory_space<vmem>>) dst(%dma_wait3A_247 : memref<5000xf32, #tpu.memory_space<hbm>>)
      %dma_wait3A_250 = arith.constant 30000 : i32
      %dma_wait3A_251 = tpu.memref_slice %arg15[%dma_wait3A_250] : memref<35000xf32, #tpu.memory_space<vmem>> -> memref<5000xf32, #tpu.memory_space<vmem>>
      %dma_wait3A_252 = tpu.memref_slice %arg10[%add3A_61] : memref<800000xf32, #tpu.memory_space<hbm>> -> memref<5000xf32, #tpu.memory_space<hbm>>
      %dma_wait3A_253 = tpu.memref_slice %arg10[%add3A_61] : memref<800000xf32, #tpu.memory_space<hbm>> -> memref<5000xf32, #tpu.memory_space<hbm>>
      %dma_wait3A_254 = arith.constant 30000 : i32
      %dma_wait3A_255 = tpu.memref_slice %arg15[%dma_wait3A_254] : memref<35000xf32, #tpu.memory_space<vmem>> -> memref<5000xf32, #tpu.memory_space<vmem>>
      tpu.wait_dma2 semaphore(%arg17 : memref<!tpu.dma_semaphore, #tpu.memory_space<semaphore_mem>>) src(%dma_wait3A_255 : memref<5000xf32, #tpu.memory_space<vmem>>) dst(%dma_wait3A_253 : memref<5000xf32, #tpu.memory_space<hbm>>)
    }
    %scan3A_55 = arith.constant 5 : i32
    return
  }
}

module attributes {stable_mosaic.version = 14 : i64} {
  func.func @_dense_body(%arg0: i32, %arg1: memref<19x16384xf32, #tpu.memory_space<vmem>>, %arg2: memref<3x16384xf32, #tpu.memory_space<vmem>>, %arg3: memref<16x16384xf32, #tpu.memory_space<vmem>>, %arg4: memref<16384xf32, #tpu.memory_space<vmem>>, %arg5: memref<16384xf32, #tpu.memory_space<vmem>>, %arg6: memref<16384xf32, #tpu.memory_space<vmem>>, %arg7: memref<16384xf32, #tpu.memory_space<vmem>>, %arg8: memref<16384xf32, #tpu.memory_space<vmem>>, %arg9: memref<16384xf32, #tpu.memory_space<vmem>>, %arg10: memref<16384xf32, #tpu.memory_space<vmem>>, %arg11: memref<64x19xf32, #tpu.memory_space<vmem>>, %arg12: memref<3x64xf32, #tpu.memory_space<vmem>>, %arg13: memref<16384xf32, #tpu.memory_space<vmem>>, %arg14: memref<1x1xf32, #tpu.memory_space<vmem>>) attributes {dimension_semantics = [#tpu.dimension_semantics<arbitrary>], iteration_bounds = array<i64: 49>, scalar_prefetch = 0 : i64, scratch_operands = 0 : i64, tpu.core_type = #tpu.core_type<tc>, window_params = [{transform_indices = @transform_0, window_bounds = array<i64: 19, 16384>}, {transform_indices = @transform_1, window_bounds = array<i64: 3, 16384>}, {transform_indices = @transform_2, window_bounds = array<i64: 16, 16384>}, {transform_indices = @transform_3, window_bounds = array<i64: 16384>}, {transform_indices = @transform_4, window_bounds = array<i64: 16384>}, {transform_indices = @transform_5, window_bounds = array<i64: 16384>}, {transform_indices = @transform_6, window_bounds = array<i64: 16384>}, {transform_indices = @transform_7, window_bounds = array<i64: 16384>}, {transform_indices = @transform_8, window_bounds = array<i64: 16384>}, {transform_indices = @transform_9, window_bounds = array<i64: 16384>}, {pipeline_mode = #tpu.pipeline_mode<synchronous>, transform_indices = @transform_10, window_bounds = array<i64: 64, 19>}, {pipeline_mode = #tpu.pipeline_mode<synchronous>, transform_indices = @transform_11, window_bounds = array<i64: 3, 64>}, {transform_indices = @transform_12, window_bounds = array<i64: 16384>}, {pipeline_mode = #tpu.pipeline_mode<synchronous>, transform_indices = @transform_13, window_bounds = array<i64: 1, 1>}]} {
    %get3A = arith.constant 0 : index
    %get3A_0 = arith.constant 0 : index
    %get3A_1 = vector.load %arg1[%get3A, %get3A_0] : memref<19x16384xf32, #tpu.memory_space<vmem>>, vector<3x16384xf32>
    %get3A_2 = arith.constant 3 : index
    %get3A_3 = arith.constant 0 : index
    %get3A_4 = vector.load %arg1[%get3A_2, %get3A_3] : memref<19x16384xf32, #tpu.memory_space<vmem>>, vector<16x16384xf32>
    %get3A_5 = arith.constant 0 : index
    %get3A_6 = vector.load %arg4[%get3A_5] : memref<16384xf32, #tpu.memory_space<vmem>>, vector<16384xf32>
    %get3A_7 = arith.constant 0 : index
    %get3A_8 = vector.load %arg5[%get3A_7] : memref<16384xf32, #tpu.memory_space<vmem>>, vector<16384xf32>
    %get3A_9 = arith.constant 0 : index
    %get3A_10 = vector.load %arg6[%get3A_9] : memref<16384xf32, #tpu.memory_space<vmem>>, vector<16384xf32>
    %stack3A = vector.shape_cast %get3A_6 : vector<16384xf32> to vector<1x16384xf32>
    %stack3A_11 = vector.shape_cast %get3A_8 : vector<16384xf32> to vector<1x16384xf32>
    %stack3A_12 = vector.shape_cast %get3A_10 : vector<16384xf32> to vector<1x16384xf32>
    %stack3A_13 = tpu.concatenate %stack3A, %stack3A_11, %stack3A_12 in 0 : vector<1x16384xf32>, vector<1x16384xf32>, vector<1x16384xf32> -> vector<3x16384xf32>
    %get3A_14 = arith.constant 0 : index
    %get3A_15 = vector.load %arg7[%get3A_14] : memref<16384xf32, #tpu.memory_space<vmem>>, vector<16384xf32>
    %get3A_16 = arith.constant 0 : index
    %get3A_17 = vector.load %arg8[%get3A_16] : memref<16384xf32, #tpu.memory_space<vmem>>, vector<16384xf32>
    %get3A_18 = arith.constant 0 : index
    %get3A_19 = vector.load %arg9[%get3A_18] : memref<16384xf32, #tpu.memory_space<vmem>>, vector<16384xf32>
    %stack3A_20 = vector.shape_cast %get3A_15 : vector<16384xf32> to vector<1x16384xf32>
    %stack3A_21 = vector.shape_cast %get3A_17 : vector<16384xf32> to vector<1x16384xf32>
    %stack3A_22 = vector.shape_cast %get3A_19 : vector<16384xf32> to vector<1x16384xf32>
    %stack3A_23 = tpu.concatenate %stack3A_20, %stack3A_21, %stack3A_22 in 0 : vector<1x16384xf32>, vector<1x16384xf32>, vector<1x16384xf32> -> vector<3x16384xf32>
    %get3A_24 = arith.constant 0 : index
    %get3A_25 = vector.load %arg10[%get3A_24] : memref<16384xf32, #tpu.memory_space<vmem>>, vector<16384xf32>
    %get3A_26 = arith.constant 0 : index
    %get3A_27 = arith.constant 0 : index
    %get3A_28 = vector.load %arg2[%get3A_26, %get3A_27] : memref<3x16384xf32, #tpu.memory_space<vmem>>, vector<3x16384xf32>
    %sub3A = arith.subf %get3A_1, %stack3A_13 : vector<3x16384xf32>
    %mul3A = arith.constant 9.900000e-01 : f32
    %mul3A_29 = vector.broadcast %mul3A : f32 to vector<3x16384xf32>
    %mul3A_30 = arith.mulf %mul3A_29, %sub3A : vector<3x16384xf32>
    %mul3A_31 = arith.constant 0.141067237 : f32
    %mul3A_32 = vector.broadcast %mul3A_31 : f32 to vector<3x16384xf32>
    %mul3A_33 = arith.mulf %mul3A_32, %get3A_28 : vector<3x16384xf32>
    %add3A = arith.addf %mul3A_30, %mul3A_33 : vector<3x16384xf32>
    %sub3A_34 = arith.subf %add3A, %stack3A_23 : vector<3x16384xf32>
    %mul3A_35 = arith.constant 2.475000e-01 : f32
    %mul3A_36 = vector.broadcast %mul3A_35 : f32 to vector<16x16384xf32>
    %mul3A_37 = arith.mulf %mul3A_36, %get3A_4 : vector<16x16384xf32>
    %get3A_38 = arith.constant 0 : index
    %get3A_39 = arith.constant 0 : index
    %get3A_40 = vector.load %arg3[%get3A_38, %get3A_39] : memref<16x16384xf32, #tpu.memory_space<vmem>>, vector<16x16384xf32>
    %mul3A_41 = arith.constant 0.141067237 : f32
    %mul3A_42 = vector.broadcast %mul3A_41 : f32 to vector<16x16384xf32>
    %mul3A_43 = arith.mulf %mul3A_42, %get3A_40 : vector<16x16384xf32>
    %add3A_44 = arith.addf %mul3A_37, %mul3A_43 : vector<16x16384xf32>
    %concatenate3A = tpu.concatenate %sub3A_34, %add3A_44 in 0 : vector<3x16384xf32>, vector<16x16384xf32> -> vector<19x16384xf32>
    %get3A_45 = arith.constant 0 : index
    %get3A_46 = arith.constant 0 : index
    %get3A_47 = vector.load %arg11[%get3A_45, %get3A_46] : memref<64x19xf32, #tpu.memory_space<vmem>>, vector<64x19xf32>
    %dot_general3A = arith.constant dense<0.000000e+00> : vector<64x16384xf32>
    %dot_general3A_48 = tpu.matmul %get3A_47, %concatenate3A, %dot_general3A {dimension_numbers = #tpu.dot_dimension_numbers<[1], [0], [0], [1], [0, 0, 1, 1], [], []>, transpose_lhs_hint = false} : vector<64x19xf32>, vector<19x16384xf32>, vector<64x16384xf32> -> vector<64x16384xf32>
    %max3A = arith.constant 0.000000e+00 : f32
    %max3A_49 = vector.broadcast %max3A : f32 to vector<64x16384xf32>
    %max3A_50 = arith.maximumf %dot_general3A_48, %max3A_49 : vector<64x16384xf32>
    %get3A_51 = arith.constant 0 : index
    %get3A_52 = arith.constant 0 : index
    %get3A_53 = vector.load %arg12[%get3A_51, %get3A_52] : memref<3x64xf32, #tpu.memory_space<vmem>>, vector<3x64xf32>
    %dot_general3A_54 = arith.constant dense<0.000000e+00> : vector<3x16384xf32>
    %dot_general3A_55 = tpu.matmul %get3A_53, %max3A_50, %dot_general3A_54 {dimension_numbers = #tpu.dot_dimension_numbers<[1], [0], [0], [1], [0, 0, 1, 1], [], []>, transpose_lhs_hint = false} : vector<3x64xf32>, vector<64x16384xf32>, vector<3x16384xf32> -> vector<3x16384xf32>
    %mul3A_56 = arith.constant 1.01010096 : f32
    %mul3A_57 = vector.broadcast %mul3A_56 : f32 to vector<3x16384xf32>
    %mul3A_58 = arith.mulf %mul3A_57, %sub3A_34 : vector<3x16384xf32>
    %mul3A_59 = arith.constant 0.14249216 : f32
    %mul3A_60 = vector.broadcast %mul3A_59 : f32 to vector<3x16384xf32>
    %mul3A_61 = arith.mulf %mul3A_60, %dot_general3A_55 : vector<3x16384xf32>
    %sub3A_62 = arith.subf %mul3A_58, %mul3A_61 : vector<3x16384xf32>
    %sub3A_63 = arith.subf %sub3A, %sub3A_62 : vector<3x16384xf32>
    %mul3A_64 = arith.mulf %sub3A_63, %sub3A_63 : vector<3x16384xf32>
    %reduce_sum3A = arith.constant dense<0.000000e+00> : vector<16384xf32>
    %reduce_sum3A_65 = vector.multi_reduction <add>, %mul3A_64, %reduce_sum3A [0] : vector<3x16384xf32> to vector<16384xf32>
    %mul3A_66 = arith.constant 0.333333343 : f32
    %mul3A_67 = vector.broadcast %mul3A_66 : f32 to vector<16384xf32>
    %mul3A_68 = arith.mulf %get3A_25, %mul3A_67 : vector<16384xf32>
    %mul3A_69 = arith.mulf %reduce_sum3A_65, %mul3A_68 : vector<16384xf32>
    %sub3A_70 = arith.subf %get3A_28, %dot_general3A_55 : vector<3x16384xf32>
    %mul3A_71 = arith.mulf %sub3A_70, %sub3A_70 : vector<3x16384xf32>
    %reduce_sum3A_72 = arith.constant dense<0.000000e+00> : vector<16384xf32>
    %reduce_sum3A_73 = vector.multi_reduction <add>, %mul3A_71, %reduce_sum3A_72 [0] : vector<3x16384xf32> to vector<16384xf32>
    %mul3A_74 = arith.mulf %reduce_sum3A_73, %get3A_25 : vector<16384xf32>
    %mul3A_75 = arith.constant 16384 : i32
    %mul3A_76 = arith.muli %arg0, %mul3A_75 : i32
    %iota3A = tpu.iota {dimensions = array<i32: 1>} : vector<1x16384xi32>
    %iota3A_77 = vector.shape_cast %iota3A : vector<1x16384xi32> to vector<16384xi32>
    %add3A_78 = vector.broadcast %mul3A_76 : i32 to vector<16384xi32>
    %add3A_79 = arith.addi %add3A_78, %iota3A_77 : vector<16384xi32>
    %lt3A = arith.constant 800000 : i32
    %lt3A_80 = vector.broadcast %lt3A : i32 to vector<16384xi32>
    %lt3A_81 = arith.cmpi slt, %add3A_79, %lt3A_80 : vector<16384xi32>
    %jit3A = arith.constant 0.000000e+00 : f32
    %broadcast_in_dim3A = vector.broadcast %jit3A : f32 to vector<16384xf32>
    %select_n3A = arith.select %lt3A_81, %mul3A_69, %broadcast_in_dim3A : vector<16384xi1>, vector<16384xf32>
    %swap3A = arith.constant 0 : index
    %swap3A_82 = vector.load %arg13[%swap3A] : memref<16384xf32, #tpu.memory_space<vmem>>, vector<16384xf32>
    tpu.vector_store %arg13[%swap3A], %select_n3A {strides = array<i32>} : memref<16384xf32, #tpu.memory_space<vmem>>, vector<16384xf32>,
    %jit3A_83 = arith.constant 0.000000e+00 : f32
    %broadcast_in_dim3A_84 = vector.broadcast %jit3A_83 : f32 to vector<16384xf32>
    %select_n3A_85 = arith.select %lt3A_81, %mul3A_74, %broadcast_in_dim3A_84 : vector<16384xi1>, vector<16384xf32>
    %eq3A = arith.constant 0 : i32
    %eq3A_86 = arith.cmpi eq, %arg0, %eq3A : i32
    %convert_element_type3A = arith.extui %eq3A_86 : i1 to i32
    %cond3A = arith.constant 0 : i32
    %cond3A_87 = arith.cmpi ne, %convert_element_type3A, %cond3A : i32
    scf.if %cond3A_87 {
      %broadcast_in_dim3A_101 = arith.constant 0.000000e+00 : f32
      %broadcast_in_dim3A_102 = vector.broadcast %broadcast_in_dim3A_101 : f32 to vector<1x1xf32>
      %swap3A_103 = arith.constant 0 : index
      %swap3A_104 = arith.constant 0 : index
      %swap3A_105 = vector.load %arg14[%swap3A_103, %swap3A_104] : memref<1x1xf32, #tpu.memory_space<vmem>>, vector<1x1xf32>
      tpu.vector_store %arg14[%swap3A_103, %swap3A_104], %broadcast_in_dim3A_102 {strides = array<i32>} : memref<1x1xf32, #tpu.memory_space<vmem>>, vector<1x1xf32>,
    } else {
    }
    %get3A_88 = arith.constant 0 : index
    %get3A_89 = arith.constant 0 : index
    %get3A_90 = vector.load %arg14[%get3A_88, %get3A_89] : memref<1x1xf32, #tpu.memory_space<vmem>>, vector<1x1xf32>
    %reduce_sum3A_91 = vector.shape_cast %select_n3A_85 : vector<16384xf32> to vector<1x16384xf32>
    %reduce_sum3A_92 = arith.constant dense<0.000000e+00> : vector<1xf32>
    %reduce_sum3A_93 = vector.multi_reduction <add>, %reduce_sum3A_91, %reduce_sum3A_92 [1] : vector<1x16384xf32> to vector<1xf32>
    %reduce_sum3A_94 = vector.shape_cast %reduce_sum3A_93 : vector<1xf32> to vector<1x1xf32>
    %reduce_sum3A_95 = vector.extract %reduce_sum3A_94[0, 0] : f32 from vector<1x1xf32>
    %broadcast_in_dim3A_96 = vector.broadcast %reduce_sum3A_95 : f32 to vector<1x1xf32>
    %add3A_97 = arith.addf %get3A_90, %broadcast_in_dim3A_96 : vector<1x1xf32>
    %swap3A_98 = arith.constant 0 : index
    %swap3A_99 = arith.constant 0 : index
    %swap3A_100 = vector.load %arg14[%swap3A_98, %swap3A_99] : memref<1x1xf32, #tpu.memory_space<vmem>>, vector<1x1xf32>
    tpu.vector_store %arg14[%swap3A_98, %swap3A_99], %add3A_97 {strides = array<i32>} : memref<1x1xf32, #tpu.memory_space<vmem>>, vector<1x1xf32>,
    return
  }
  func.func @transform_0(%arg0: i32) -> (i32, i32) {
    %c0_i32 = arith.constant 0 : i32
    %c0_i32_0 = arith.constant 0 : i32
    return %c0_i32, %arg0 : i32, i32
  }
  func.func @transform_1(%arg0: i32) -> (i32, i32) {
    %c0_i32 = arith.constant 0 : i32
    %c0_i32_0 = arith.constant 0 : i32
    return %c0_i32, %arg0 : i32, i32
  }
  func.func @transform_2(%arg0: i32) -> (i32, i32) {
    %c0_i32 = arith.constant 0 : i32
    %c0_i32_0 = arith.constant 0 : i32
    return %c0_i32, %arg0 : i32, i32
  }
  func.func @transform_3(%arg0: i32) -> i32 {
    %c0_i32 = arith.constant 0 : i32
    return %arg0 : i32
  }
  func.func @transform_4(%arg0: i32) -> i32 {
    %c0_i32 = arith.constant 0 : i32
    return %arg0 : i32
  }
  func.func @transform_5(%arg0: i32) -> i32 {
    %c0_i32 = arith.constant 0 : i32
    return %arg0 : i32
  }
  func.func @transform_6(%arg0: i32) -> i32 {
    %c0_i32 = arith.constant 0 : i32
    return %arg0 : i32
  }
  func.func @transform_7(%arg0: i32) -> i32 {
    %c0_i32 = arith.constant 0 : i32
    return %arg0 : i32
  }
  func.func @transform_8(%arg0: i32) -> i32 {
    %c0_i32 = arith.constant 0 : i32
    return %arg0 : i32
  }
  func.func @transform_9(%arg0: i32) -> i32 {
    %c0_i32 = arith.constant 0 : i32
    return %arg0 : i32
  }
  func.func @transform_10(%arg0: i32) -> (i32, i32) {
    %c0_i32 = arith.constant 0 : i32
    %c0_i32_0 = arith.constant 0 : i32
    %c0_i32_1 = arith.constant 0 : i32
    return %c0_i32, %c0_i32_0 : i32, i32
  }
  func.func @transform_11(%arg0: i32) -> (i32, i32) {
    %c0_i32 = arith.constant 0 : i32
    %c0_i32_0 = arith.constant 0 : i32
    %c0_i32_1 = arith.constant 0 : i32
    return %c0_i32, %c0_i32_0 : i32, i32
  }
  func.func @transform_12(%arg0: i32) -> i32 {
    %c0_i32 = arith.constant 0 : i32
    return %arg0 : i32
  }
  func.func @transform_13(%arg0: i32) -> (i32, i32) {
    %c0_i32 = arith.constant 0 : i32
    %c0_i32_0 = arith.constant 0 : i32
    %c0_i32_1 = arith.constant 0 : i32
    return %c0_i32, %c0_i32_0 : i32, i32
  }
}

module attributes {stable_mosaic.version = 14 : i64} {
  func.func @_final_body(%arg0: memref<100352xf32, #tpu.memory_space<vmem>>, %arg1: memref<1x1xf32, #tpu.memory_space<vmem>>, %arg2: memref<1x1xf32, #tpu.memory_space<vmem>>, %arg3: memref<1x1xf32, #tpu.memory_space<vmem>>) attributes {dimension_semantics = [], scalar_prefetch = 0 : i64, scratch_operands = 0 : i64, tpu.core_type = #tpu.core_type<tc>} {
    %get3A = arith.constant 0 : index
    %get3A_0 = vector.load %arg0[%get3A] : memref<100352xf32, #tpu.memory_space<vmem>>, vector<50176xf32>
    %get3A_1 = arith.constant 50176 : index
    %get3A_2 = vector.load %arg0[%get3A_1] : memref<100352xf32, #tpu.memory_space<vmem>>, vector<50176xf32>
    %add3A = arith.addf %get3A_0, %get3A_2 : vector<50176xf32>
    %sqrt3A = math.sqrt %add3A : vector<50176xf32>
    %reduce_sum3A = vector.shape_cast %sqrt3A : vector<50176xf32> to vector<1x50176xf32>
    %reduce_sum3A_3 = arith.constant dense<0.000000e+00> : vector<1xf32>
    %reduce_sum3A_4 = vector.multi_reduction <add>, %reduce_sum3A, %reduce_sum3A_3 [1] : vector<1x50176xf32> to vector<1xf32>
    %reduce_sum3A_5 = vector.shape_cast %reduce_sum3A_4 : vector<1xf32> to vector<1x1xf32>
    %reduce_sum3A_6 = vector.extract %reduce_sum3A_5[0, 0] : f32 from vector<1x1xf32>
    %mul3A = arith.constant 2.000000e-05 : f32
    %mul3A_7 = arith.mulf %reduce_sum3A_6, %mul3A : f32
    %broadcast_in_dim3A = vector.broadcast %mul3A_7 : f32 to vector<1x1xf32>
    %swap3A = arith.constant 0 : index
    %swap3A_8 = arith.constant 0 : index
    %swap3A_9 = vector.load %arg3[%swap3A, %swap3A_8] : memref<1x1xf32, #tpu.memory_space<vmem>>, vector<1x1xf32>
    tpu.vector_store %arg3[%swap3A, %swap3A_8], %broadcast_in_dim3A {strides = array<i32>} : memref<1x1xf32, #tpu.memory_space<vmem>>, vector<1x1xf32>,
    %get3A_10 = arith.constant 0 : index
    %get3A_11 = arith.constant 0 : index
    %get3A_12 = vector.load %arg1[%get3A_10, %get3A_11] : memref<1x1xf32, #tpu.memory_space<vmem>>, vector<1x1xf32>
    %mul3A_13 = arith.constant 3.33333332E-6 : f32
    %mul3A_14 = vector.broadcast %mul3A_13 : f32 to vector<1x1xf32>
    %mul3A_15 = arith.mulf %get3A_12, %mul3A_14 : vector<1x1xf32>
    %swap3A_16 = arith.constant 0 : index
    %swap3A_17 = arith.constant 0 : index
    %swap3A_18 = vector.load %arg2[%swap3A_16, %swap3A_17] : memref<1x1xf32, #tpu.memory_space<vmem>>, vector<1x1xf32>
    tpu.vector_store %arg2[%swap3A_16, %swap3A_17], %mul3A_15 {strides = array<i32>} : memref<1x1xf32, #tpu.memory_space<vmem>>, vector<1x1xf32>,
    return
  }
}

</mosaic_0001>

<sc_bundles>
// kernel: kernel.10.cloned.1.call-start
scs
__scs_entry_jumppad:
0x0: {  	(pc) =	sbr.rel $0x88, $3  }
0x1: {  	(tag) =	ssettag $0x0;
	lr =	simm.s32 $0x1  }
0x2: {  	[smem:$0x3F9B] =	sst lr;
	_ =	strace $0xD0000000  }
0x3: {  	_ = 	snop  }
0x4: {  	_ = 	snop  }
0x5: {  	_ = 	snop  }
0x6: {  	_ = 	snop  }
0x7: {  	_ = 	snop  }
__scs_overlays_trampoline_lowered:
0x8: {  	[smem:$0x3FAA] =	sst s0  }
0x9: {  	[smem:$0x3FAB] =	sst s1  }
0xa: {  	[smem:$0x3FAC] =	sst s2  }
0xb: {  	[smem:$0x3FAD] =	sst s3  }
0xc: {  	[smem:$0x3FAE] =	sst s4  }
0xd: {  	[smem:$0x3FAF] =	sst s5  }
0xe: {  	[smem:$0x3FB0] =	sst s6  }
0xf: {  	[smem:$0x3FB1] =	sst s7  }
0x10: {  	[smem:$0x3FB2] =	sst s8  }
0x11: {  	[smem:$0x3FB3] =	sst s9;
	s0 =	simm.s32 @!p0 $0x0  }
0x12: {  	s1 =	sld [smem:$0x3F99];
	s0 =	simm.s32 @p0 $0x1  }
0x13: {  	[smem:$0x3FB4] =	sst s0;
	s0 =	simm.s32 @!p1 $0x0  }
0x14: {  	s2 =	sld [smem:$0x3F98];
	s0 =	simm.s32 @p1 $0x1  }
0x15: {  	[smem:$0x3FB5] =	sst s0;
	s0 =	simm.s32 @!p2 $0x0  }
0x16: {  	s3 =	sld [smem:$0x3FDB];
	s0 =	simm.s32 @p2 $0x1  }
0x17: {  	s4 =	simm.s32 $0x1BF5;
	[smem:$0x3FB7] =	sst s0  }
0x18: {  	s0 =	sld [smem:$0x3F9A];
	_ =	swait.ge [sflag:s4], $0x0  }
0x19: {  	s7 =	sld [smem:$0x3F9B]  }
0x1a: {  	s8 =	sadd.s32 $0xFFFFE003, lr  }
0x1b: {  	s9 =	sadd.s32 $0xFFFFFEF7, lr;
	s5 =	simm.s32 $0xFFFFFFFF;
	p2 =	slt.u32 s8, $0xFFFFF086  }
0x1c: {  	p1 =	slt.u32 s9, $0xF7A;
	s5 =	simm.s32 @!p2 $0x0  }
0x1d: {  	s5 =	simm.s32 @p1 $0x1;
	p0 =	seq.s32 s7, s2  }
0x1e: {  	s7 =	smul.u32 @!p0 $0xF7A, s2;
	p2 =	seq.s32 @!p0 s5, $0x0  }
0x1f: {  	s9 =	smul.u32 $0xF7A, s1;
	s8 =	simm.s32 @!p0 $0x1BF5;
	p2 =	por !p2, p0  }
0x20: {  	[sflag:s8] =	ssyncset.s32 @!p0 $0xFFFFF086;
	s6 =	sadd.s32 @!p0 s3, s7;
	s7 =	simm.s32 @!p0 $0x108  }
0x21: {  	s3 =	sadd.s32 s3, s9;
	s6 =	sadd.s32 @!p0 $0x88, s6;
	s7 =	simm.s32 @p2 $0x1082  }
0x22: {  	[simem:s7], [sflag:s8] =	dma.local @!p0 [hbm:s6], $0xF7A  }
0x23: {  	s9 =	sor.u32 $0xD0000000, s2;
	s6 =	simm.s32 $0x108;
	_ =	swait.ge @!p0 [sflag:s8], $0x0  }
0x24: {  	s3 =	sadd.s32 $0x88, s3;
	s6 =	simm.s32 @!p1 $0x1082;
	[sflag:s4] =	ssyncset.s32 $0xFFFFF086  }
0x25: {  	[simem:s6], [sflag:s4] =	dma.local [hbm:s3], $0xF7A  }
0x26: {  	[smem:$0x3F9B] =	sst s1;
	(tag) =	ssettag s2;
	_ =	strace s9  }
0x27: {  	s1 =	sld [smem:$0x3FAB]  }
0x28: {  	s2 =	sld [smem:$0x3FAC]  }
0x29: {  	s4 =	sld [smem:$0x3FAE]  }
0x2a: {  	p0 =	seq.s32 s5, $0x0;
	s5 =	sld [smem:$0x3FAF]  }
0x2b: {  	s6 =	sld [smem:$0x3FB0]  }
0x2c: {  	s7 =	sld [smem:$0x3FB1]  }
0x2d: {  	s3 =	simm.s32 $0x108;
	s8 =	sld [smem:$0x3FB2]  }
0x2e: {  	s3 =	simm.s32 @!p0 $0x1082;
	s9 =	sld [smem:$0x3FB3]  }
0x2f: {  	lr =	sadd.s32 s0, s3;
	s0 =	sld [smem:$0x3FAA]  }
0x30: {  	s3 =	sld [smem:$0x3FAD]  }
0x31: {  	[smem:$0x3FB6] =	sst s10  }
0x32: {  	s10 =	sld [smem:$0x3FB4];
	_ =	sdelay $0x3  }
0x33: {  	p0 =	seq.s32 s10, $0x1;
	s10 =	sld [smem:$0x3FB6];
	_ =	sdelay $0x3  }
0x34: {  	[smem:$0x3FB6] =	sst s10  }
0x35: {  	s10 =	sld [smem:$0x3FB5];
	_ =	sdelay $0x3  }
0x36: {  	p1 =	seq.s32 s10, $0x1;
	s10 =	sld [smem:$0x3FB6];
	_ =	sdelay $0x3  }
0x37: {  	[smem:$0x3FB6] =	sst s10  }
0x38: {  	s10 =	sld [smem:$0x3FB7]  }
0x39: {  	_ = 	snop;
	(pc) =	sbr.ind lr, $3  }
0x3a: {  	_ = 	snop  }
0x3b: {  	_ = 	snop  }
0x3c: {  	p2 =	seq.s32 s10, $0x1;
	s10 =	sld [smem:$0x3FB6]  }
0x3d: {  	_ =	shalt  }
0x3e: {  	_ =	shalt  }
0x3f: {  	_ =	shalt  }
0x40: {  	_ =	shalt  }
0x41: {  	_ =	shalt  }
0x42: {  	_ =	shalt  }
0x43: {  	_ =	shalt  }
0x44: {  	_ =	shalt  }
0x45: {  	_ =	shalt  }
0x46: {  	_ =	shalt  }
0x47: {  	_ =	shalt  }
0x48: {  	_ =	shalt  }
0x49: {  	_ =	shalt  }
0x4a: {  	_ =	shalt  }
0x4b: {  	_ =	shalt  }
0x4c: {  	_ =	shalt  }
0x4d: {  	_ =	shalt  }
0x4e: {  	_ =	shalt  }
0x4f: {  	_ =	shalt  }
0x50: {  	_ =	shalt  }
0x51: {  	_ =	shalt  }
0x52: {  	_ =	shalt  }
0x53: {  	_ =	shalt  }
0x54: {  	_ =	shalt  }
0x55: {  	_ =	shalt  }
0x56: {  	_ =	shalt  }
0x57: {  	_ =	shalt  }
0x58: {  	_ =	shalt  }
0x59: {  	_ =	shalt  }
0x5a: {  	_ =	shalt  }
0x5b: {  	_ =	shalt  }
0x5c: {  	_ =	shalt  }
0x5d: {  	_ =	shalt  }
0x5e: {  	_ =	shalt  }
0x5f: {  	_ =	shalt  }
0x60: {  	_ =	shalt  }
0x61: {  	_ =	shalt  }
0x62: {  	_ =	shalt  }
0x63: {  	_ =	shalt  }
0x64: {  	_ =	shalt  }
0x65: {  	_ =	shalt  }
0x66: {  	_ =	shalt  }
0x67: {  	_ =	shalt  }
0x68: {  	_ =	shalt  }
0x69: {  	_ =	shalt  }
0x6a: {  	_ =	shalt  }
0x6b: {  	_ =	shalt  }
0x6c: {  	_ =	shalt  }
0x6d: {  	_ =	shalt  }
0x6e: {  	_ =	shalt  }
0x6f: {  	_ =	shalt  }
0x70: {  	_ =	shalt  }
0x71: {  	_ =	shalt  }
0x72: {  	_ =	shalt  }
0x73: {  	_ =	shalt  }
0x74: {  	_ =	shalt  }
0x75: {  	_ =	shalt  }
0x76: {  	_ =	shalt  }
0x77: {  	_ =	shalt  }
0x78: {  	_ =	shalt  }
0x79: {  	_ =	shalt  }
0x7a: {  	_ =	shalt  }
0x7b: {  	_ =	shalt  }
0x7c: {  	_ =	shalt  }
0x7d: {  	_ =	shalt  }
0x7e: {  	_ =	shalt  }
0x7f: {  	_ =	shalt  }
0x80: {  	_ =	shalt  }
0x81: {  	_ =	shalt  }
0x82: {  	_ =	shalt  }
0x83: {  	_ =	shalt  }
0x84: {  	_ =	shalt  }
0x85: {  	_ =	shalt  }
0x86: {  	_ =	shalt  }
0x87: {  	_ =	shalt  }
.Lfunc_end0:
.L_simem_size_0:
called_computation.1_lowered:
.L_overlay_start_0:
0x88: {  	s2 =	sld [smem:$0x3FD9]  }
0x89: {  	s3 =	sld [smem:$0x3FFE];
	_ =	sdelay $0x1  }
0x8a: {  	s1 =	srdreg.scid  }
0x8b: {  	s0 =	sand.u32 $0x1, s1  }
0x8c: {  	s17 =	sshll.u32 s0, $0xA;
	s2 =	sadd.s32 s3, s2  }
0x8d: {  	s2 =	sadd.s32 s2, s17  }
0x8e: {  	[smem:$0x3FC2] =	sst s2  }
0x8f: {  	_ = 	snop  }
0x90: {  	s2 =	sld [smem:$0x3FC8];
	(tm) =	ssettm $0x1  }
0x91: {  	s18 =	sld [smem:$0x3FFB];
	_ =	sdelay $0x3  }
0x92: {  	_ =	strace s18  }
0x93: {  	s3 =	sld [smem:$0x3FFC];
	_ =	sdelay $0x3  }
0x94: {  	_ =	strace s3  }
0x95: {  	s3 =	sld [smem:$0x3FFD];
	_ =	sdelay $0x3  }
0x96: {  	_ =	strace s3  }
0x97: {  	_ =	strace $0x8FFFFFFF  }
0x98: {  	s19 =	sld [smem:$0x3FDB];
	_ =	sdelay $0x1  }
0x99: {  	s4 =	simm.s32 $_scs_section_size  }
0x9a: {  	s5 =	simm.s32 $_size__tile_overlayer_lowered;
	s6 =	simm.s32 $_tile_overlayer_lowered  }
0x9b: {  	s22 =	simm.s32 $0x1BFF;
	s21 =	sshll.u32 s6, $0x1;
	s3 =	sadd.s32 s4, s19  }
0x9c: {  	s7 =	simm.s32 $0x0;
	s20 =	sshll.u32 s5, $0x1;
	s5 =	sadd.s32 s21, s3  }
0x9d: {  	[timem:s7], [sflag:s22] =	dma.local [hbm:s5], s20  }
0x9e: {  	_ =	swait.ge [sflag:s22], s20  }
0x9f: {  	s4 =	ssub.s32 $0x0, s20;
	[sflag:s22] =	ssyncset.done $0x0  }
0xa0: {  	[sflag:s22] =	ssyncadd.s32 s4;
	_ =	sdelay $0x1  }
0xa1: {  	s23 =	simm.s32 $0x1B8B  }
0xa2: {  	_ =	swait.ge [sflag:s23], $0x1  }
0xa3: {  	[sflag:s23] =	ssyncset.done $0x0  }
0xa4: {  	s25 =	simm.s32 $0x1B8E;
	s24 =	sld [smem:$0x3FFE];
	[sflag:s23] =	ssyncadd.s32 $0xFFFFFFFF  }
0xa5: {  	s26 =	simm.s32 $execute0_lowered;
	[smem:$0x3FD2] =	sst s25  }
0xa6: {  	s5 =	sshll.u32 s26, $0x1;
	_ =	strace $0x80000049;
	[dreg:$0x1] =	wrdreg $0xFFFFFFFF  }
0xa7: {  	s28 =	simm.s32 $_size_execute0_lowered;
	s3 =	sadd.s32 s3, s5;
	[dreg:$0x0] =	wrdreg $0x0  }
0xa8: {  	s5 =	sshll.u32 s28, $0x1;
	[dreg:$0x2] =	wrdreg s3  }
0xa9: {  	[dreg:$0x3] =	wrdreg s5  }
0xaa: {  	[dreg:$0x4] =	wrdreg $0xC0  }
0xab: {  	_ =	task [dreg:s7], $0x5FFFF  }
0xac: {  	[dreg:$0x1] =	wrdreg $0xFFFFFFFF  }
0xad: {  	[dreg:$0x0] =	wrdreg $0x60  }
0xae: {  	[dreg:$0x2] =	wrdreg s24  }
0xaf: {  	[dreg:$0x3] =	wrdreg s2  }
0xb0: {  	[dreg:$0x4] =	wrdreg $0x19D800  }
0xb1: {  	[dreg:$0x5] =	wrdreg $0x9  }
0xb2: {  	_ =	task.clear_ibuf [dreg:s7], $0x6FFFF;
	_ =	strace $0x90000049  }
0xb3: {  	s29 =	simm.s32 $0x9;
	_ =	strace $0x8000004B  }
0xb4: {  	_ =	swait.ge [sflag:s29], $0x1  }
0xb5: {  	[sflag:s29] =	ssyncadd.s32 $0xFFFFFFFF  }
0xb6: {  	_ =	strace $0x9000004B  }
0xb7: {  	_ =	sfence  }
0xb8: {  	s30 =	sld [smem:$0x0];
	_ =	sdelay $0x2  }
0xb9: {  	s31 =	sshll.u32 s1, $0xD;
	s1 =	sshrl.u32 s1, $0x2  }
0xba: {  	s3 =	sand.u32 $0x4000, s31;
	s1 =	sadd.s32 s1, s30  }
0xbb: {  	s0 =	sor.u32 s3, s0;
	s1 =	sshll.u32 s1, $0x11  }
0xbc: {  	s0 =	sor.u32 s1, s0  }
0xbd: {  	s0 =	sadd.s32 $0x8F2B, s0  }
0xbe: {  	[sflag:s0] =	ssyncadd.remote.s32 $0x1  }
0xbf: {  	_ =	sfence.sel $0xFFFF  }
0xc0: {  	[dreg:$0x0] =	wrdreg $0xFFFFFFFF;
	(pc) =	sbr.abs _section_cstart, $3  }
0xc1: {  	[dreg:$0x1] =	wrdreg $0xFFFFFFFF  }
0xc2: {  	_ =	task.clear_ibuf [dreg:s7], $0x2FFFF;
	_ =	strace $0x9FFFFFFF  }
0xc3: {  	(tm) =	ssettm $0x7FFFFFFF  }
tec
execute0_lowered:
.L_overlay_start_1:
0x0: {  	(tag) =	ssettag $0x1  }
0x1: {  	s0 =	rddreg [dreg:$0x0]  }
0x2: {  	s1 =	rddreg [dreg:$0x1]  }
0x3: {  	s2 =	rddreg [dreg:$0x2];
	s7 =	stileid.u32  }
0x4: {  	s4 =	srdreg.scid;
	s3 =	simm.s32 $0x0;
	s5 =	smul.u32 $0xC350, s7  }
0x5: {  	s4 =	sand.u32 $0x1, s4;
	[smem:$0x7FF] =	sst s3;
	s7 =	smul.u32 $0xC40, s7  }
0x6: {  	s29 =	sadd.s32 $0xC400, s2;
	s31 =	sadd.s32 $0x18800, s2;
	s6 =	smul.u32 $0x61A8, s4  }
0x7: {  	_ =	strace $0x8000004A;
	s4 =	ssub.s32 $0x2, s4;
	[dreg:$0x4] =	wrdreg s29  }
0x8: {  	s8 =	sadd.s32 $0x93A00, s0;
	[dreg:$0x5] =	wrdreg s31;
	s19 =	sshrl.u32 s4, $0x1  }
0x9: {  	s9 =	sshrl.u32 s7, $0x3;
	s20 =	sadd.s32 $0xC400, s7;
	s10 =	sadd.s32 $0x18800, s7  }
0xa: {  	s11 =	sadd.s32 $0x24C00, s7;
	s23 =	sadd.s32 $0x31000, s7;
	s24 =	sadd.s32 $0x3D400, s7  }
0xb: {  	s25 =	sadd.s32 $0x49800, s7;
	s7 =	sadd.s32 s7, s2;
	s5 =	sadd.s32 s6, s5  }
0xc: {  	s6 =	ssub.s32 s4, s19;
	[dreg:$0xf] =	wrdreg s7;
	s28 =	sadd.s32 s20, s2  }
0xd: {  	s4 =	sadd.s32 s8, s9;
	s30 =	sadd.s32 s10, s2;
	[dreg:$0x10] =	wrdreg s28  }
0xe: {  	s12 =	sshrl.u32 s20, $0x3;
	s9 =	sadd.s32 s11, s2;
	[dreg:$0x11] =	wrdreg s30  }
0xf: {  	s14 =	sshrl.u32 s11, $0x3;
	s11 =	sadd.s32 s23, s2;
	[dreg:$0x12] =	wrdreg s9  }
0x10: {  	s13 =	sshrl.u32 s10, $0x3;
	s10 =	sadd.s32 $0x24C00, s2;
	[dreg:$0x13] =	wrdreg s11  }
0x11: {  	s12 =	sadd.s32 s8, s12;
	[dreg:$0x6] =	wrdreg s10  }
0x12: {  	s21 =	sadd.s32 s8, s13;
	[dreg:$0x9] =	wrdreg s12  }
0x13: {  	s15 =	sshrl.u32 s23, $0x3;
	s22 =	sadd.s32 s8, s14;
	[dreg:$0xa] =	wrdreg s21  }
0x14: {  	s16 =	sshrl.u32 s24, $0x3;
	s15 =	sadd.s32 s8, s15;
	[dreg:$0xb] =	wrdreg s22  }
0x15: {  	s17 =	sshrl.u32 s25, $0x3;
	s26 =	sadd.s32 s8, s16;
	[dreg:$0xc] =	wrdreg s15  }
0x16: {  	s7 =	simm.s32 $0x2;
	s8 =	sadd.s32 s8, s17;
	[dreg:$0xd] =	wrdreg s26  }
0x17: {  	s5 =	sshrl.u32 s5, $0x3;
	s17 =	sadd.s32 s25, s2;
	[dreg:$0xe] =	wrdreg s8  }
0x18: {  	s16 =	sadd.s32 $0x3D400, s2;
	s6 =	smax.u32 s6, $0x1;
	[dreg:$0x15] =	wrdreg s17  }
0x19: {  	s18 =	sadd.s32 $0xAB80, s4;
	s28 =	sadd.s32 $0xC400, s4;
	[dreg:$0x8] =	wrdreg s16  }
0x1a: {  	s29 =	sadd.s32 $0xDC80, s4;
	s30 =	sadd.s32 $0xF500, s4;
	[dreg:$0x16] =	wrdreg s6  }
0x1b: {  	s31 =	sadd.s32 $0x10D80, s4;
	s9 =	simm.s32 $0x1388;
	[dreg:$0x17] =	wrdreg s18  }
0x1c: {  	s10 =	simm.s32 $0x114C8;
	s11 =	simm.s32 $0x12850;
	[dreg:$0x18] =	wrdreg s28  }
0x1d: {  	s13 =	simm.s32 $0x14F60;
	s14 =	simm.s32 $0x162E8;
	[dreg:$0x19] =	wrdreg s29  }
0x1e: {  	s0 =	sadd.s32 s5, s0;
	s12 =	sadd.s32 $0x31000, s2;
	[dreg:$0x1a] =	wrdreg s30  }
0x1f: {  	s15 =	sadd.s32 s24, s2;
	s23 =	sadd.s32 s5, s1;
	[dreg:$0x1b] =	wrdreg s31  }
0x20: {  	s1 =	sadd.s32 $0x12600, s4;
	s5 =	sadd.s32 $0x13E80, s4;
	s6 =	sadd.s32 $0x49800, s2  }
0x21: {  	s8 =	simm.s32 $0x10140;
	s16 =	simm.s32 $0x189F8;
	[dreg:$0x14] =	wrdreg s15  }
0x22: {  	s17 =	simm.s32 $0x1;
	s18 =	simm.s32 $0x0;
	[dreg:$0x7] =	wrdreg s12  }
0x23: {  	s19 =	sadd.s32 $0xA9200, s0;
	s20 =	sadd.s32 $0x7B200, s0;
	s21 =	sadd.s32 $0x62A00, s0  }
0x24: {  	s22 =	sadd.s32 $0x4A200, s0;
	s24 =	sadd.s32 $0x31A00, s0;
	s25 =	sadd.s32 $0x19200, s0  }
0x25: {  	s26 =	sadd.s32 $0xA00, s0;
	s12 =	simm.s32 $0x13BD8;
	s15 =	simm.s32 $0x17670  }
.LBB2_1:
0x26: {  	[tilespmem:s3], [sflag:$0x2] =	stream.linear.gather [hbm4b:s4+s3], $0xC40, $0x38;
	[tilespmem:$0x1F340] =	vst v63  }
0x27: {  	_ =	swait.ge [sflag:s7], $0xC40  }
0x28: {  	[sflag:s7] =	ssyncset.done $0x0  }
0x29: {  	s28 =	simm.s32 $0x55C0;
	s0 =	rddreg [dreg:$0x17];
	[sflag:s7] =	ssyncadd.s32 $0xFFFFF3C0  }
0x2a: {  	[tilespmem:s28], [sflag:$0x2] =	stream.linear.gather [hbm4b:s0+s3], $0xC40, $0x38;
	[tilespmem:$0x1F340] =	vst v63  }
0x2b: {  	_ =	swait.ge [sflag:s7], $0xC40  }
0x2c: {  	[sflag:s7] =	ssyncset.done $0x0  }
0x2d: {  	s28 =	simm.s32 $0xC40;
	s31 =	rddreg [dreg:$0x9];
	[sflag:s7] =	ssyncadd.s32 $0xFFFFF3C0  }
0x2e: {  	[tilespmem:s28], [sflag:$0x2] =	stream.linear.gather [hbm4b:s31+s3], $0xC40, $0x38;
	[tilespmem:$0x1F340] =	vst v63  }
0x2f: {  	_ =	swait.ge [sflag:s7], $0xC40  }
0x30: {  	[sflag:s7] =	ssyncset.done $0x0  }
0x31: {  	s28 =	simm.s32 $0x6200;
	s31 =	rddreg [dreg:$0x18];
	[sflag:s7] =	ssyncadd.s32 $0xFFFFF3C0  }
0x32: {  	[tilespmem:s28], [sflag:$0x2] =	stream.linear.gather [hbm4b:s31+s3], $0xC40, $0x38;
	[tilespmem:$0x1F340] =	vst v63  }
0x33: {  	_ =	swait.ge [sflag:s7], $0xC40  }
0x34: {  	[sflag:s7] =	ssyncset.done $0x0  }
0x35: {  	s28 =	simm.s32 $0x1880;
	s31 =	rddreg [dreg:$0xa];
	[sflag:s7] =	ssyncadd.s32 $0xFFFFF3C0  }
0x36: {  	[tilespmem:s28], [sflag:$0x2] =	stream.linear.gather [hbm4b:s31+s3], $0xC40, $0x38;
	[tilespmem:$0x1F340] =	vst v63  }
0x37: {  	_ =	swait.ge [sflag:s7], $0xC40  }
0x38: {  	[sflag:s7] =	ssyncset.done $0x0  }
0x39: {  	s28 =	simm.s32 $0x6E40;
	s31 =	rddreg [dreg:$0x19];
	[sflag:s7] =	ssyncadd.s32 $0xFFFFF3C0  }
0x3a: {  	[tilespmem:s28], [sflag:$0x2] =	stream.linear.gather [hbm4b:s31+s3], $0xC40, $0x38;
	[tilespmem:$0x1F340] =	vst v63  }
0x3b: {  	_ =	swait.ge [sflag:s7], $0xC40  }
0x3c: {  	[sflag:s7] =	ssyncset.done $0x0  }
0x3d: {  	s28 =	simm.s32 $0x24C0;
	s31 =	rddreg [dreg:$0xb];
	[sflag:s7] =	ssyncadd.s32 $0xFFFFF3C0  }
0x3e: {  	[tilespmem:s28], [sflag:$0x2] =	stream.linear.gather [hbm4b:s31+s3], $0xC40, $0x38;
	[tilespmem:$0x1F340] =	vst v63  }
0x3f: {  	_ =	swait.ge [sflag:s7], $0xC40  }
0x40: {  	[sflag:s7] =	ssyncset.done $0x0  }
0x41: {  	s28 =	simm.s32 $0x7A80;
	s31 =	rddreg [dreg:$0x1a];
	[sflag:s7] =	ssyncadd.s32 $0xFFFFF3C0  }
0x42: {  	[tilespmem:s28], [sflag:$0x2] =	stream.linear.gather [hbm4b:s31+s3], $0xC40, $0x38;
	[tilespmem:$0x1F340] =	vst v63  }
0x43: {  	_ =	swait.ge [sflag:s7], $0xC40  }
0x44: {  	[sflag:s7] =	ssyncset.done $0x0  }
0x45: {  	s28 =	simm.s32 $0x3100;
	s31 =	rddreg [dreg:$0xc];
	[sflag:s7] =	ssyncadd.s32 $0xFFFFF3C0  }
0x46: {  	[tilespmem:s28], [sflag:$0x2] =	stream.linear.gather [hbm4b:s31+s3], $0xC40, $0x38;
	[tilespmem:$0x1F340] =	vst v63  }
0x47: {  	_ =	swait.ge [sflag:s7], $0xC40  }
0x48: {  	[sflag:s7] =	ssyncset.done $0x0  }
0x49: {  	s28 =	simm.s32 $0x86C0;
	s31 =	rddreg [dreg:$0x1b];
	[sflag:s7] =	ssyncadd.s32 $0xFFFFF3C0  }
0x4a: {  	[tilespmem:s28], [sflag:$0x2] =	stream.linear.gather [hbm4b:s31+s3], $0xC40, $0x38;
	[tilespmem:$0x1F340] =	vst v63  }
0x4b: {  	_ =	swait.ge [sflag:s7], $0xC40  }
0x4c: {  	[sflag:s7] =	ssyncset.done $0x0  }
0x4d: {  	s28 =	simm.s32 $0x3D40;
	s31 =	rddreg [dreg:$0xd];
	[sflag:s7] =	ssyncadd.s32 $0xFFFFF3C0  }
0x4e: {  	[tilespmem:s28], [sflag:$0x2] =	stream.linear.gather [hbm4b:s31+s3], $0xC40, $0x38;
	[tilespmem:$0x1F340] =	vst v63  }
0x4f: {  	_ =	swait.ge [sflag:s7], $0xC40  }
0x50: {  	[sflag:s7] =	ssyncset.done $0x0  }
0x51: {  	s31 =	simm.s32 $0x9300;
	[sflag:s7] =	ssyncadd.s32 $0xFFFFF3C0  }
0x52: {  	[tilespmem:s31], [sflag:$0x2] =	stream.linear.gather [hbm4b:s1+s3], $0xC40, $0x38;
	[tilespmem:$0x1F340] =	vst v63  }
0x53: {  	_ =	swait.ge [sflag:s7], $0xC40  }
0x54: {  	[sflag:s7] =	ssyncset.done $0x0  }
0x55: {  	s28 =	simm.s32 $0x4980;
	s31 =	rddreg [dreg:$0xe];
	[sflag:s7] =	ssyncadd.s32 $0xFFFFF3C0  }
0x56: {  	[tilespmem:s28], [sflag:$0x2] =	stream.linear.gather [hbm4b:s31+s3], $0xC40, $0x38;
	[tilespmem:$0x1F340] =	vst v63  }
0x57: {  	_ =	swait.ge [sflag:s7], $0xC40  }
0x58: {  	[sflag:s7] =	ssyncset.done $0x0  }
0x59: {  	s31 =	simm.s32 $0x9F40;
	[sflag:s7] =	ssyncadd.s32 $0xFFFFF3C0  }
0x5a: {  	[tilespmem:s31], [sflag:$0x2] =	stream.linear.gather [hbm4b:s5+s3], $0xC40, $0x38;
	[tilespmem:$0x1F340] =	vst v63  }
0x5b: {  	_ =	swait.ge [sflag:s7], $0xC40  }
0x5c: {  	[sflag:s7] =	ssyncset.done $0x0  }
0x5d: {  	s29 =	simm.s32 $0x0;
	[sflag:s7] =	ssyncadd.s32 $0xFFFFF3C0  }
0x5e: {  	v0 =	vld [tilespmem:s29+$0x4980]  }
0x5f: {  	v1 =	vld [tilespmem:s29+$0x9F40]  }
0x60: {  	v2 =	vld [tilespmem:s29+$0x0]  }
0x61: {  	v5 =	vld [tilespmem:s29+$0x55C0]  }
0x62: {  	v7 =	vld [tilespmem:s29+$0xC40]  }
0x63: {  	v8 =	vld [tilespmem:s29+$0x6200]  }
0x64: {  	v9 =	vld [tilespmem:s29+$0x1880];
	v0 =	vadd.f32 v1, v0  }
0x65: {  	v10 =	vld [tilespmem:s29+$0x6E40]  }
0x66: {  	v11 =	vld [tilespmem:s29+$0x24C0];
	v0 =	vmax.f32 v0, $1.000000000e+00  }
0x67: {  	v12 =	vld [tilespmem:s29+$0x7A80];
	(erf) = vrcp.f32 v0  }
0x68: {  	v3 =	vld [tilespmem:s29+$0x3100]  }
0x69: {  	v4 =	vld [tilespmem:s29+$0x86C0]  }
0x6a: {  	v6 =	vld [tilespmem:s29+$0x3D40]  }
0x6b: {  	s28 =	simm.s32 $0x10;
	v2 =	vadd.f32 v5, v2;
	v1 =	vadd.f32 v8, v7;
	v8 =	vld [tilespmem:s29+$0x9300]  }
0x6c: {  	s30 =	simm.s32 $0x80;
	v7 =	vld [tilespmem:s28+$0x4980];
	v5 =	vadd.f32 v12, v11;
	v0 =	vadd.f32 v10, v9  }
.LBB2_2:
0x6d: {  	p0 =	sne.s32 s30, $0x30C0;
	v9 =	vld [tilespmem:s28+$0x9F40]  }
0x6e: {  	v10 =	vld [tilespmem:s28+$0x0];
	v3 =	vadd.f32 v4, v3  }
0x6f: {  	v4 =	vld [tilespmem:s28+$0x55C0]  }
0x70: {  	v11 =	vld [tilespmem:s28+$0xC40];
	v12 =	vpop (erf)  }
0x71: {  	v6 =	vadd.f32 v8, v6;
	v13 =	vld [tilespmem:s28+$0x6200];
	v2 =	vmul.f32 v12, v2;
	v14 =	vmul.f32 $1.410672370e-01, v12;
	[tilespmem:s29+$0xF500] =	vst v12  }
0x72: {  	v1 =	vmul.f32 v1, v12;
	v7 =	vadd.f32 v9, v7;
	v8 =	vld [tilespmem:s28+$0x1880];
	v9 =	vmul.f32 v0, v12  }
0x73: {  	v0 =	vld [tilespmem:s28+$0x6E40];
	[tilespmem:s29+$0xAB80] =	vst v2;
	v5 =	vmul.f32 v5, v14;
	v6 =	vmul.f32 v6, v14  }
0x74: {  	v12 =	vmul.f32 v3, v14;
	v7 =	vmax.f32 v7, $1.000000000e+00;
	v2 =	vadd.f32 v4, v10;
	v10 =	vld [tilespmem:s28+$0x24C0];
	[tilespmem:s29+$0xB7C0] =	vst v1  }
0x75: {  	v14 =	vld [tilespmem:s28+$0x7A80];
	(erf) = vrcp.f32 v7;
	[tilespmem:s29+$0xE8C0] =	vst v6  }
.Ltmp0:
0x76: {  	v1 =	vadd.f32 v13, v11;
	v3 =	vld [tilespmem:s28+$0x3100];
	[tilespmem:s29+$0xD040] =	vst v5;
	(pc) =	sbr.rel @p0 .LBB2_2-.Ltmp0, $4  }
0x77: {  	v4 =	vld [tilespmem:s28+$0x86C0];
	[tilespmem:s29+$0xDC80] =	vst v12  }
0x78: {  	v0 =	vadd.f32 v0, v8;
	v6 =	vld [tilespmem:s28+$0x3D40];
	[tilespmem:s29+$0xC400] =	vst v9;
	s29 =	smov.u32 s28  }
0x79: {  	s28 =	sshra.s32 s30, $0x2;
	v8 =	vld [tilespmem:s29+$0x9300]  }
0x7a: {  	s30 =	sadd.s32 $0x40, s30;
	v7 =	vld [tilespmem:s28+$0x4980];
	v5 =	vadd.f32 v14, v10  }
0x7b: {  	v9 =	vld [tilespmem:s28+$0x9F40];
	_ =	sdelay $0x2  }
0x7c: {  	v10 =	vld [tilespmem:s28+$0x0]  }
0x7d: {  	v11 =	vld [tilespmem:s28+$0x55C0]  }
0x7e: {  	v12 =	vld [tilespmem:s28+$0xC40];
	v13 =	vpop (erf);
	v51 =	vadd.f32 v9, v7  }
0x7f: {  	v14 =	vld [tilespmem:s28+$0x6200];
	v6 =	vadd.f32 v8, v6;
	[tilespmem:s29+$0xF500] =	vst v13;
	v2 =	vmul.f32 v13, v2;
	v49 =	vmul.f32 $1.410672370e-01, v13  }
0x80: {  	v1 =	vmul.f32 v1, v13;
	v15 =	vld [tilespmem:s28+$0x1880];
	v54 =	vmax.f32 v51, $1.000000000e+00  }
0x81: {  	v3 =	vadd.f32 v4, v3;
	v16 =	vld [tilespmem:s28+$0x6E40];
	[tilespmem:s29+$0xAB80] =	vst v2;
	v50 =	vmul.f32 v6, v49;
	(erf) = vrcp.f32 v54  }
0x82: {  	v53 =	vmul.f32 v5, v49;
	v2 =	vld [tilespmem:s28+$0x24C0];
	[tilespmem:s29+$0xB7C0] =	vst v1  }
0x83: {  	v3 =	vmul.f32 v3, v49;
	v52 =	vld [tilespmem:s28+$0x7A80];
	[tilespmem:s29+$0xE8C0] =	vst v50  }
0x84: {  	v0 =	vmul.f32 v0, v13;
	v55 =	vld [tilespmem:s28+$0x3100];
	[tilespmem:s29+$0xD040] =	vst v53  }
0x85: {  	v56 =	vld [tilespmem:s28+$0x86C0];
	[tilespmem:s29+$0xDC80] =	vst v3  }
0x86: {  	v3 =	vld [tilespmem:s28+$0x3D40];
	[tilespmem:s29+$0xC400] =	vst v0  }
0x87: {  	v0 =	vld [tilespmem:s28+$0x9300];
	_ =	sdelay $0x1  }
0x88: {  	v57 =	vadd.f32 v11, v10  }
0x89: {  	v58 =	vadd.f32 v14, v12;
	v59 =	vpop (erf)  }
0x8a: {  	v62 =	vadd.f32 v16, v15;
	v4 =	vmul.f32 v59, v57  }
0x8b: {  	v0 =	vadd.f32 v0, v3;
	v60 =	vmul.f32 $1.410672370e-01, v59;
	[tilespmem:s28+$0xF500] =	vst v59;
	v61 =	vmul.f32 v58, v59  }
0x8c: {  	v2 =	vadd.f32 v52, v2;
	v63 =	vmul.f32 v62, v59;
	[tilespmem:s28+$0xAB80] =	vst v4  }
0x8d: {  	v1 =	vadd.f32 v56, v55;
	v0 =	vmul.f32 v0, v60;
	[tilespmem:s28+$0xB7C0] =	vst v61  }
0x8e: {  	v2 =	vmul.f32 v2, v60;
	[tilespmem:s28+$0xC400] =	vst v63  }
0x8f: {  	v1 =	vmul.f32 v1, v60;
	[tilespmem:s28+$0xE8C0] =	vst v0  }
0x90: {  	[tilespmem:s28+$0xD040] =	vst v2  }
0x91: {  	s0 =	rddreg [dreg:$0xf];
	[tilespmem:s28+$0xDC80] =	vst v1;
	s28 =	simm.s32 $0xAB80  }
0x92: {  	[spmem:s0] =	stream.linear.scatter [tilespmem:s28], [sflag:$0x2], $0xC40, $0x38;
	[tilespmem:$0x1F340] =	vst v63  }
0x93: {  	_ =	swait.ge [sflag:s7], $0xC40  }
0x94: {  	[sflag:s7] =	ssyncset.done $0x0  }
0x95: {  	s28 =	simm.s32 $0xB7C0;
	s30 =	rddreg [dreg:$0x10];
	[sflag:s7] =	ssyncadd.s32 $0xFFFFF3C0  }
0x96: {  	[spmem:s30] =	stream.linear.scatter [tilespmem:s28], [sflag:$0x2], $0xC40, $0x38;
	[tilespmem:$0x1F340] =	vst v63  }
0x97: {  	_ =	swait.ge [sflag:s7], $0xC40  }
0x98: {  	[sflag:s7] =	ssyncset.done $0x0  }
0x99: {  	s28 =	simm.s32 $0xC400;
	s31 =	rddreg [dreg:$0x11];
	[sflag:s7] =	ssyncadd.s32 $0xFFFFF3C0  }
0x9a: {  	[spmem:s31] =	stream.linear.scatter [tilespmem:s28], [sflag:$0x2], $0xC40, $0x38;
	[tilespmem:$0x1F340] =	vst v63  }
0x9b: {  	_ =	swait.ge [sflag:s7], $0xC40  }
0x9c: {  	[sflag:s7] =	ssyncset.done $0x0  }
0x9d: {  	s28 =	simm.s32 $0xD040;
	s30 =	rddreg [dreg:$0x12];
	[sflag:s7] =	ssyncadd.s32 $0xFFFFF3C0  }
0x9e: {  	[spmem:s30] =	stream.linear.scatter [tilespmem:s28], [sflag:$0x2], $0xC40, $0x38;
	[tilespmem:$0x1F340] =	vst v63  }
0x9f: {  	_ =	swait.ge [sflag:s7], $0xC40  }
0xa0: {  	[sflag:s7] =	ssyncset.done $0x0  }
0xa1: {  	s28 =	simm.s32 $0xDC80;
	s31 =	rddreg [dreg:$0x13];
	[sflag:s7] =	ssyncadd.s32 $0xFFFFF3C0  }
0xa2: {  	[spmem:s31] =	stream.linear.scatter [tilespmem:s28], [sflag:$0x2], $0xC40, $0x38;
	[tilespmem:$0x1F340] =	vst v63  }
0xa3: {  	_ =	swait.ge [sflag:s7], $0xC40  }
0xa4: {  	[sflag:s7] =	ssyncset.done $0x0  }
0xa5: {  	s28 =	simm.s32 $0xE8C0;
	s30 =	rddreg [dreg:$0x14];
	[sflag:s7] =	ssyncadd.s32 $0xFFFFF3C0  }
0xa6: {  	[spmem:s30] =	stream.linear.scatter [tilespmem:s28], [sflag:$0x2], $0xC40, $0x38;
	[tilespmem:$0x1F340] =	vst v63  }
0xa7: {  	_ =	swait.ge [sflag:s7], $0xC40  }
0xa8: {  	[sflag:s7] =	ssyncset.done $0x0  }
0xa9: {  	s28 =	simm.s32 $0xF500;
	s31 =	rddreg [dreg:$0x15];
	[sflag:s7] =	ssyncadd.s32 $0xFFFFF3C0  }
0xaa: {  	[spmem:s31] =	stream.linear.scatter [tilespmem:s28], [sflag:$0x2], $0xC40, $0x38;
	[tilespmem:$0x1F340] =	vst v63  }
0xab: {  	_ =	swait.ge [sflag:s7], $0xC40  }
0xac: {  	[sflag:s7] =	ssyncset.done $0x0  }
0xad: {  	[sflag:s7] =	ssyncadd.s32 $0xFFFFF3C0  }
0xae: {  	s28 =	sadd.s32 $0x0, s23;
	[bflag:$0x0] =	sbarrier.arrive $0xFFFF  }
0xaf: {  	[tilespmem:s8], [sflag:$0x2] =	stream.linear.gather [hbm4b:s28+s3], $0x1388, $0x38;
	[tilespmem:$0x1F340] =	vst v63  }
0xb0: {  	_ =	swait.ge [sflag:s7], $0x1388  }
0xb1: {  	[sflag:s7] =	ssyncset.done $0x0  }
0xb2: {  	[sflag:s7] =	ssyncadd.s32 $0xFFFFEC78  }
0xb3: {  	[tilespmem:s10], [sflag:$0x1] =	stream.indirect.gather [spmem:s2], $0x1, s8, s9, $0xb8;
	[tilespmem:$0x1F340] =	vst v63  }
0xb4: {  	s28 =	rddreg [dreg:$0x4]  }
0xb5: {  	[tilespmem:s11], [sflag:$0x1] =	stream.indirect.gather [spmem:s28], $0x1, s8, s9, $0xb8;
	[tilespmem:$0x1F340] =	vst v63  }
0xb6: {  	s29 =	rddreg [dreg:$0x5]  }
0xb7: {  	[tilespmem:s12], [sflag:$0x1] =	stream.indirect.gather [spmem:s29], $0x1, s8, s9, $0xb8;
	[tilespmem:$0x1F340] =	vst v63  }
0xb8: {  	s28 =	rddreg [dreg:$0x6]  }
0xb9: {  	[tilespmem:s13], [sflag:$0x1] =	stream.indirect.gather [spmem:s28], $0x1, s8, s9, $0xb8;
	[tilespmem:$0x1F340] =	vst v63  }
0xba: {  	s29 =	rddreg [dreg:$0x7]  }
0xbb: {  	[tilespmem:s14], [sflag:$0x1] =	stream.indirect.gather [spmem:s29], $0x1, s8, s9, $0xb8;
	[tilespmem:$0x1F340] =	vst v63  }
0xbc: {  	s28 =	rddreg [dreg:$0x8]  }
0xbd: {  	[tilespmem:s15], [sflag:$0x1] =	stream.indirect.gather [spmem:s28], $0x1, s8, s9, $0xb8;
	[tilespmem:$0x1F340] =	vst v63  }
0xbe: {  	_ = 	snop  }
0xbf: {  	[tilespmem:s16], [sflag:$0x1] =	stream.indirect.gather [spmem:s6], $0x1, s8, s9, $0xb8;
	[tilespmem:$0x1F340] =	vst v63  }
0xc0: {  	_ =	swait.ge [sflag:s17], $0x1388  }
0xc1: {  	[sflag:s17] =	ssyncset.done $0x0  }
0xc2: {  	[sflag:s17] =	ssyncadd.s32 $0xFFFFEC78  }
0xc3: {  	_ =	swait.ge [sflag:s17], $0x1388  }
0xc4: {  	[sflag:s17] =	ssyncset.done $0x0  }
0xc5: {  	[sflag:s17] =	ssyncadd.s32 $0xFFFFEC78  }
0xc6: {  	_ =	swait.ge [sflag:s17], $0x1388  }
0xc7: {  	[sflag:s17] =	ssyncset.done $0x0  }
0xc8: {  	[sflag:s17] =	ssyncadd.s32 $0xFFFFEC78  }
0xc9: {  	_ =	swait.ge [sflag:s17], $0x1388  }
0xca: {  	[sflag:s17] =	ssyncset.done $0x0  }
0xcb: {  	[sflag:s17] =	ssyncadd.s32 $0xFFFFEC78  }
0xcc: {  	_ =	swait.ge [sflag:s17], $0x1388  }
0xcd: {  	[sflag:s17] =	ssyncset.done $0x0  }
0xce: {  	[sflag:s17] =	ssyncadd.s32 $0xFFFFEC78  }
0xcf: {  	_ =	swait.ge [sflag:s17], $0x1388  }
0xd0: {  	[sflag:s17] =	ssyncset.done $0x0  }
0xd1: {  	[sflag:s17] =	ssyncadd.s32 $0xFFFFEC78  }
0xd2: {  	_ =	swait.ge [sflag:s17], $0x1388  }
0xd3: {  	[sflag:s17] =	ssyncset.done $0x0  }
0xd4: {  	s28 =	sadd.s32 $0x0, s26;
	[sflag:s17] =	ssyncadd.s32 $0xFFFFEC78  }
0xd5: {  	[hbm4b:s28+s3] =	stream.linear.scatter [tilespmem:s10], [sflag:$0x1], $0x1388, $0x38;
	[tilespmem:$0x1F340] =	vst v63  }
0xd6: {  	s28 =	sadd.s32 $0x0, s25  }
0xd7: {  	[hbm4b:s28+s3] =	stream.linear.scatter [tilespmem:s11], [sflag:$0x1], $0x1388, $0x38;
	[tilespmem:$0x1F340] =	vst v63  }
0xd8: {  	s28 =	sadd.s32 $0x0, s24  }
0xd9: {  	[hbm4b:s28+s3] =	stream.linear.scatter [tilespmem:s12], [sflag:$0x1], $0x1388, $0x38;
	[tilespmem:$0x1F340] =	vst v63  }
0xda: {  	s28 =	sadd.s32 $0x0, s22  }
0xdb: {  	[hbm4b:s28+s3] =	stream.linear.scatter [tilespmem:s13], [sflag:$0x1], $0x1388, $0x38;
	[tilespmem:$0x1F340] =	vst v63  }
0xdc: {  	s28 =	sadd.s32 $0x0, s21  }
0xdd: {  	[hbm4b:s28+s3] =	stream.linear.scatter [tilespmem:s14], [sflag:$0x1], $0x1388, $0x38;
	[tilespmem:$0x1F340] =	vst v63  }
0xde: {  	s28 =	sadd.s32 $0x0, s20  }
0xdf: {  	[hbm4b:s28+s3] =	stream.linear.scatter [tilespmem:s15], [sflag:$0x1], $0x1388, $0x38;
	[tilespmem:$0x1F340] =	vst v63  }
0xe0: {  	s28 =	sadd.s32 $0x0, s19  }
0xe1: {  	[hbm4b:s28+s3] =	stream.linear.scatter [tilespmem:s16], [sflag:$0x1], $0x1388, $0x38;
	[tilespmem:$0x1F340] =	vst v63  }
0xe2: {  	_ =	swait.ge [sflag:s17], $0x1388  }
0xe3: {  	[sflag:s17] =	ssyncset.done $0x0  }
0xe4: {  	[sflag:s17] =	ssyncadd.s32 $0xFFFFEC78  }
0xe5: {  	_ =	swait.ge [sflag:s17], $0x1388  }
0xe6: {  	[sflag:s17] =	ssyncset.done $0x0  }
0xe7: {  	[sflag:s17] =	ssyncadd.s32 $0xFFFFEC78  }
0xe8: {  	_ =	swait.ge [sflag:s17], $0x1388  }
0xe9: {  	[sflag:s17] =	ssyncset.done $0x0  }
0xea: {  	[sflag:s17] =	ssyncadd.s32 $0xFFFFEC78  }
0xeb: {  	_ =	swait.ge [sflag:s17], $0x1388  }
0xec: {  	[sflag:s17] =	ssyncset.done $0x0  }
0xed: {  	[sflag:s17] =	ssyncadd.s32 $0xFFFFEC78  }
0xee: {  	_ =	swait.ge [sflag:s17], $0x1388  }
0xef: {  	[sflag:s17] =	ssyncset.done $0x0  }
0xf0: {  	[sflag:s17] =	ssyncadd.s32 $0xFFFFEC78  }
0xf1: {  	_ =	swait.ge [sflag:s17], $0x1388  }
0xf2: {  	[sflag:s17] =	ssyncset.done $0x0  }
0xf3: {  	[sflag:s17] =	ssyncadd.s32 $0xFFFFEC78  }
0xf4: {  	_ =	swait.ge [sflag:s17], $0x1388  }
0xf5: {  	s29 =	simm.s32 $0x4E2;
	s28 =	simm.s32 $0x271;
	[sflag:s17] =	ssyncset.done $0x0  }
.LBB2_4:
0xf6: {  	s0 =	sadd.s32 s28, s23;
	[sflag:s17] =	ssyncadd.s32 $0xFFFFEC78  }
0xf7: {  	[tilespmem:s8], [sflag:$0x2] =	stream.linear.gather [hbm4b:s0+s3], $0x1388, $0x38;
	[tilespmem:$0x1F340] =	vst v63  }
0xf8: {  	_ =	swait.ge [sflag:s7], $0x1388  }
0xf9: {  	[sflag:s7] =	ssyncset.done $0x0  }
0xfa: {  	[sflag:s7] =	ssyncadd.s32 $0xFFFFEC78  }
0xfb: {  	[tilespmem:s10], [sflag:$0x1] =	stream.indirect.gather [spmem:s2], $0x1, s8, s9, $0xb8;
	[tilespmem:$0x1F340] =	vst v63  }
0xfc: {  	s30 =	smov.u32 s29;
	s0 =	rddreg [dreg:$0x4]  }
0xfd: {  	[tilespmem:s11], [sflag:$0x1] =	stream.indirect.gather [spmem:s0], $0x1, s8, s9, $0xb8;
	[tilespmem:$0x1F340] =	vst v63  }
0xfe: {  	s31 =	sadd.s32 $0x271, s29;
	p0 =	sne.s32 s29, $0x9C4;
	s29 =	rddreg [dreg:$0x5]  }
0xff: {  	[tilespmem:s12], [sflag:$0x1] =	stream.indirect.gather [spmem:s29], $0x1, s8, s9, $0xb8;
	[tilespmem:$0x1F340] =	vst v63  }
0x100: {  	s0 =	rddreg [dreg:$0x6]  }
0x101: {  	[tilespmem:s13], [sflag:$0x1] =	stream.indirect.gather [spmem:s0], $0x1, s8, s9, $0xb8;
	[tilespmem:$0x1F340] =	vst v63  }
0x102: {  	s29 =	rddreg [dreg:$0x7]  }
0x103: {  	[tilespmem:s14], [sflag:$0x1] =	stream.indirect.gather [spmem:s29], $0x1, s8, s9, $0xb8;
	[tilespmem:$0x1F340] =	vst v63  }
0x104: {  	s0 =	rddreg [dreg:$0x8]  }
0x105: {  	[tilespmem:s15], [sflag:$0x1] =	stream.indirect.gather [spmem:s0], $0x1, s8, s9, $0xb8;
	[tilespmem:$0x1F340] =	vst v63  }
0x106: {  	_ = 	snop  }
0x107: {  	[tilespmem:s16], [sflag:$0x1] =	stream.indirect.gather [spmem:s6], $0x1, s8, s9, $0xb8;
	[tilespmem:$0x1F340] =	vst v63  }
0x108: {  	_ =	swait.ge [sflag:s17], $0x1388  }
0x109: {  	[sflag:s17] =	ssyncset.done $0x0  }
0x10a: {  	[sflag:s17] =	ssyncadd.s32 $0xFFFFEC78  }
0x10b: {  	_ =	swait.ge [sflag:s17], $0x1388  }
0x10c: {  	[sflag:s17] =	ssyncset.done $0x0  }
0x10d: {  	[sflag:s17] =	ssyncadd.s32 $0xFFFFEC78  }
0x10e: {  	_ =	swait.ge [sflag:s17], $0x1388  }
0x10f: {  	[sflag:s17] =	ssyncset.done $0x0  }
0x110: {  	[sflag:s17] =	ssyncadd.s32 $0xFFFFEC78  }
0x111: {  	_ =	swait.ge [sflag:s17], $0x1388  }
0x112: {  	[sflag:s17] =	ssyncset.done $0x0  }
0x113: {  	[sflag:s17] =	ssyncadd.s32 $0xFFFFEC78  }
0x114: {  	_ =	swait.ge [sflag:s17], $0x1388  }
0x115: {  	[sflag:s17] =	ssyncset.done $0x0  }
0x116: {  	[sflag:s17] =	ssyncadd.s32 $0xFFFFEC78  }
0x117: {  	_ =	swait.ge [sflag:s17], $0x1388  }
0x118: {  	[sflag:s17] =	ssyncset.done $0x0  }
0x119: {  	[sflag:s17] =	ssyncadd.s32 $0xFFFFEC78  }
0x11a: {  	_ =	swait.ge [sflag:s17], $0x1388  }
0x11b: {  	[sflag:s17] =	ssyncset.done $0x0  }
0x11c: {  	s0 =	sadd.s32 s28, s26;
	[sflag:s17] =	ssyncadd.s32 $0xFFFFEC78  }
0x11d: {  	[hbm4b:s0+s3] =	stream.linear.scatter [tilespmem:s10], [sflag:$0x1], $0x1388, $0x38;
	[tilespmem:$0x1F340] =	vst v63  }
0x11e: {  	s0 =	sadd.s32 s28, s25  }
0x11f: {  	[hbm4b:s0+s3] =	stream.linear.scatter [tilespmem:s11], [sflag:$0x1], $0x1388, $0x38;
	[tilespmem:$0x1F340] =	vst v63  }
0x120: {  	s0 =	sadd.s32 s28, s24  }
0x121: {  	[hbm4b:s0+s3] =	stream.linear.scatter [tilespmem:s12], [sflag:$0x1], $0x1388, $0x38;
	[tilespmem:$0x1F340] =	vst v63  }
0x122: {  	s0 =	sadd.s32 s28, s22  }
0x123: {  	[hbm4b:s0+s3] =	stream.linear.scatter [tilespmem:s13], [sflag:$0x1], $0x1388, $0x38;
	[tilespmem:$0x1F340] =	vst v63  }
0x124: {  	s0 =	sadd.s32 s28, s21  }
0x125: {  	[hbm4b:s0+s3] =	stream.linear.scatter [tilespmem:s14], [sflag:$0x1], $0x1388, $0x38;
	[tilespmem:$0x1F340] =	vst v63  }
0x126: {  	s0 =	sadd.s32 s28, s20  }
0x127: {  	[hbm4b:s0+s3] =	stream.linear.scatter [tilespmem:s15], [sflag:$0x1], $0x1388, $0x38;
	[tilespmem:$0x1F340] =	vst v63  }
0x128: {  	s0 =	sadd.s32 s28, s19  }
0x129: {  	[hbm4b:s0+s3] =	stream.linear.scatter [tilespmem:s16], [sflag:$0x1], $0x1388, $0x38;
	[tilespmem:$0x1F340] =	vst v63  }
0x12a: {  	_ =	swait.ge [sflag:s17], $0x1388  }
0x12b: {  	[sflag:s17] =	ssyncset.done $0x0  }
0x12c: {  	[sflag:s17] =	ssyncadd.s32 $0xFFFFEC78  }
0x12d: {  	_ =	swait.ge [sflag:s17], $0x1388  }
0x12e: {  	[sflag:s17] =	ssyncset.done $0x0  }
0x12f: {  	[sflag:s17] =	ssyncadd.s32 $0xFFFFEC78  }
0x130: {  	_ =	swait.ge [sflag:s17], $0x1388  }
0x131: {  	[sflag:s17] =	ssyncset.done $0x0  }
0x132: {  	[sflag:s17] =	ssyncadd.s32 $0xFFFFEC78  }
0x133: {  	_ =	swait.ge [sflag:s17], $0x1388  }
0x134: {  	[sflag:s17] =	ssyncset.done $0x0  }
0x135: {  	[sflag:s17] =	ssyncadd.s32 $0xFFFFEC78  }
0x136: {  	_ =	swait.ge [sflag:s17], $0x1388  }
0x137: {  	[sflag:s17] =	ssyncset.done $0x0  }
0x138: {  	[sflag:s17] =	ssyncadd.s32 $0xFFFFEC78  }
.Ltmp1:
0x139: {  	_ =	swait.ge [sflag:s17], $0x1388;
	(pc) =	sbr.rel @p0 .LBB2_4-.Ltmp1, $4  }
0x13a: {  	[sflag:s17] =	ssyncset.done $0x0  }
0x13b: {  	[sflag:s17] =	ssyncadd.s32 $0xFFFFEC78  }
0x13c: {  	_ =	swait.ge [sflag:s17], $0x1388  }
0x13d: {  	s29 =	smov.u32 s31;
	s28 =	smov.u32 s30;
	[sflag:s17] =	ssyncset.done $0x0  }
0x13e: {  	s0 =	sadd.s32 s28, s23;
	[sflag:s17] =	ssyncadd.s32 $0xFFFFEC78  }
0x13f: {  	[tilespmem:s8], [sflag:$0x2] =	stream.linear.gather [hbm4b:s0+s3], $0x1388, $0x38;
	[tilespmem:$0x1F340] =	vst v63  }
0x140: {  	_ =	swait.ge [sflag:s7], $0x1388  }
0x141: {  	[sflag:s7] =	ssyncset.done $0x0  }
0x142: {  	[sflag:s7] =	ssyncadd.s32 $0xFFFFEC78  }
0x143: {  	[tilespmem:s10], [sflag:$0x1] =	stream.indirect.gather [spmem:s2], $0x1, s8, s9, $0xb8;
	[tilespmem:$0x1F340] =	vst v63  }
0x144: {  	s30 =	rddreg [dreg:$0x4]  }
0x145: {  	[tilespmem:s11], [sflag:$0x1] =	stream.indirect.gather [spmem:s30], $0x1, s8, s9, $0xb8;
	[tilespmem:$0x1F340] =	vst v63  }
0x146: {  	s29 =	rddreg [dreg:$0x5]  }
0x147: {  	[tilespmem:s12], [sflag:$0x1] =	stream.indirect.gather [spmem:s29], $0x1, s8, s9, $0xb8;
	[tilespmem:$0x1F340] =	vst v63  }
0x148: {  	s31 =	rddreg [dreg:$0x6]  }
0x149: {  	[tilespmem:s13], [sflag:$0x1] =	stream.indirect.gather [spmem:s31], $0x1, s8, s9, $0xb8;
	[tilespmem:$0x1F340] =	vst v63  }
0x14a: {  	s30 =	rddreg [dreg:$0x7]  }
0x14b: {  	[tilespmem:s14], [sflag:$0x1] =	stream.indirect.gather [spmem:s30], $0x1, s8, s9, $0xb8;
	[tilespmem:$0x1F340] =	vst v63  }
0x14c: {  	s31 =	rddreg [dreg:$0x8]  }
0x14d: {  	[tilespmem:s15], [sflag:$0x1] =	stream.indirect.gather [spmem:s31], $0x1, s8, s9, $0xb8;
	[tilespmem:$0x1F340] =	vst v63  }
0x14e: {  	_ = 	snop  }
0x14f: {  	[tilespmem:s16], [sflag:$0x1] =	stream.indirect.gather [spmem:s6], $0x1, s8, s9, $0xb8;
	[tilespmem:$0x1F340] =	vst v63  }
0x150: {  	_ =	swait.ge [sflag:s17], $0x1388  }
0x151: {  	[sflag:s17] =	ssyncset.done $0x0  }
0x152: {  	[sflag:s17] =	ssyncadd.s32 $0xFFFFEC78  }
0x153: {  	_ =	swait.ge [sflag:s17], $0x1388  }
0x154: {  	[sflag:s17] =	ssyncset.done $0x0  }
0x155: {  	[sflag:s17] =	ssyncadd.s32 $0xFFFFEC78  }
0x156: {  	_ =	swait.ge [sflag:s17], $0x1388  }
0x157: {  	[sflag:s17] =	ssyncset.done $0x0  }
0x158: {  	[sflag:s17] =	ssyncadd.s32 $0xFFFFEC78  }
0x159: {  	_ =	swait.ge [sflag:s17], $0x1388  }
0x15a: {  	[sflag:s17] =	ssyncset.done $0x0  }
0x15b: {  	[sflag:s17] =	ssyncadd.s32 $0xFFFFEC78  }
0x15c: {  	_ =	swait.ge [sflag:s17], $0x1388  }
0x15d: {  	[sflag:s17] =	ssyncset.done $0x0  }
0x15e: {  	[sflag:s17] =	ssyncadd.s32 $0xFFFFEC78  }
0x15f: {  	_ =	swait.ge [sflag:s17], $0x1388  }
0x160: {  	[sflag:s17] =	ssyncset.done $0x0  }
0x161: {  	[sflag:s17] =	ssyncadd.s32 $0xFFFFEC78  }
0x162: {  	_ =	swait.ge [sflag:s17], $0x1388  }
0x163: {  	[sflag:s17] =	ssyncset.done $0x0  }
0x164: {  	s30 =	sadd.s32 s28, s26;
	[sflag:s17] =	ssyncadd.s32 $0xFFFFEC78  }
0x165: {  	[hbm4b:s30+s3] =	stream.linear.scatter [tilespmem:s10], [sflag:$0x1], $0x1388, $0x38;
	[tilespmem:$0x1F340] =	vst v63  }
0x166: {  	s31 =	sadd.s32 s28, s25  }
0x167: {  	[hbm4b:s31+s3] =	stream.linear.scatter [tilespmem:s11], [sflag:$0x1], $0x1388, $0x38;
	[tilespmem:$0x1F340] =	vst v63  }
0x168: {  	s29 =	sadd.s32 s28, s24  }
0x169: {  	[hbm4b:s29+s3] =	stream.linear.scatter [tilespmem:s12], [sflag:$0x1], $0x1388, $0x38;
	[tilespmem:$0x1F340] =	vst v63  }
0x16a: {  	s30 =	sadd.s32 s28, s22  }
0x16b: {  	[hbm4b:s30+s3] =	stream.linear.scatter [tilespmem:s13], [sflag:$0x1], $0x1388, $0x38;
	[tilespmem:$0x1F340] =	vst v63  }
0x16c: {  	s31 =	sadd.s32 s28, s21  }
0x16d: {  	[hbm4b:s31+s3] =	stream.linear.scatter [tilespmem:s14], [sflag:$0x1], $0x1388, $0x38;
	[tilespmem:$0x1F340] =	vst v63  }
0x16e: {  	s29 =	sadd.s32 s28, s20  }
0x16f: {  	[hbm4b:s29+s3] =	stream.linear.scatter [tilespmem:s15], [sflag:$0x1], $0x1388, $0x38;
	[tilespmem:$0x1F340] =	vst v63  }
0x170: {  	s30 =	sadd.s32 s28, s19  }
0x171: {  	[hbm4b:s30+s3] =	stream.linear.scatter [tilespmem:s16], [sflag:$0x1], $0x1388, $0x38;
	[tilespmem:$0x1F340] =	vst v63  }
0x172: {  	_ =	swait.ge [sflag:s17], $0x1388  }
0x173: {  	[sflag:s17] =	ssyncset.done $0x0  }
0x174: {  	[sflag:s17] =	ssyncadd.s32 $0xFFFFEC78  }
0x175: {  	_ =	swait.ge [sflag:s17], $0x1388  }
0x176: {  	[sflag:s17] =	ssyncset.done $0x0  }
0x177: {  	[sflag:s17] =	ssyncadd.s32 $0xFFFFEC78  }
0x178: {  	_ =	swait.ge [sflag:s17], $0x1388  }
0x179: {  	[sflag:s17] =	ssyncset.done $0x0  }
0x17a: {  	[sflag:s17] =	ssyncadd.s32 $0xFFFFEC78  }
0x17b: {  	_ =	swait.ge [sflag:s17], $0x1388  }
0x17c: {  	[sflag:s17] =	ssyncset.done $0x0  }
0x17d: {  	[sflag:s17] =	ssyncadd.s32 $0xFFFFEC78  }
0x17e: {  	_ =	swait.ge [sflag:s17], $0x1388  }
0x17f: {  	[sflag:s17] =	ssyncset.done $0x0  }
0x180: {  	[sflag:s17] =	ssyncadd.s32 $0xFFFFEC78  }
0x181: {  	_ =	swait.ge [sflag:s17], $0x1388  }
0x182: {  	[sflag:s17] =	ssyncset.done $0x0  }
0x183: {  	[sflag:s17] =	ssyncadd.s32 $0xFFFFEC78  }
0x184: {  	_ =	swait.ge [sflag:s17], $0x1388  }
0x185: {  	s18 =	sadd.s32 $0x1, s18;
	s31 =	rddreg [dreg:$0x16]  }
0x186: {  	p0 =	sne.s32 s18, s31  }
.Ltmp2:
0x187: {  	_ = 	snop;
	(pc) =	sbr.rel @p0 .LBB2_1-.Ltmp2, $3  }
0x188: {  	_ =	sdelay $0x1  }
0x189: {  	[sflag:s17] =	ssyncset.done $0x0  }
0x18a: {  	[sflag:s17] =	ssyncadd.s32 $0xFFFFEC78  }
0x18b: {  	_ =	sfence.sel $0x180000  }
0x18c: {  	[bflag:$0x0] =	sbarrier.arrive $0xFFFF  }
0x18d: {  	_ =	strace $0x9000004A  }
0x18e: {  	s0 =	stileid.u32;
	[bflag:$0x2] =	sbarrier.arrive $0xFFFF  }
0x18f: {  	p0 =	sne.s32 s0, $0x0;
	s0 =	rddreg [dreg:$0x3]  }
0x190: {  	s0 =	sadd.s32 @!p0 $0x100000, s0  }
0x191: {  	[sflag:s0] =	ssyncadd.tile.s32 @!p0 $0x1;
	_ =	shalt  }
.Lfunc_end2:
_tile_overlayer_lowered:
.L_overlay_start_2:
0x192: {  	(tag) =	ssettag $0x2  }
0x193: {  	s0 =	rddreg [dreg:$0x0];
	s2 =	stileid.u32  }
0x194: {  	s1 =	rddreg [dreg:$0x1];
	p0 =	sne.s32 s2, $0x0  }
0x195: {  	s3 =	rddreg [dreg:$0x2];
	[bflag:$0x3] =	sbarrier.arrive $0xFFFF;
	s2 =	simm.s32 @!p0 $0x1C02  }
0x196: {  	[timem:s3], [sflag:s2] =	dma.local @!p0 [hbm:s0], s1  }
0x197: {  	s0 =	simm.s32 @!p0 $0x2  }
0x198: {  	_ =	swait.ge @!p0 [sflag:s0], s1  }
0x199: {  	s1 =	ssub.s32 @!p0 $0x0, s1;
	[sflag:s0] =	ssyncset.done @!p0 $0x0  }
0x19a: {  	[sflag:s0] =	ssyncadd.s32 @!p0 s1  }
0x19b: {  	[bflag:$0x3] =	sbarrier.arrive $0xFFFF  }
0x19c: {  	_ =	shalt  }

// kernel: kernel.13.cloned.1.call-start
scs
__scs_entry_jumppad:
0x0: {  	(pc) =	sbr.rel $0x88, $3  }
0x1: {  	(tag) =	ssettag $0x0;
	lr =	simm.s32 $0x1  }
0x2: {  	[smem:$0x3F9B] =	sst lr;
	_ =	strace $0xD0000000  }
0x3: {  	_ = 	snop  }
0x4: {  	_ = 	snop  }
0x5: {  	_ = 	snop  }
0x6: {  	_ = 	snop  }
0x7: {  	_ = 	snop  }
__scs_overlays_trampoline_lowered:
0x8: {  	[smem:$0x3FAA] =	sst s0  }
0x9: {  	[smem:$0x3FAB] =	sst s1  }
0xa: {  	[smem:$0x3FAC] =	sst s2  }
0xb: {  	[smem:$0x3FAD] =	sst s3  }
0xc: {  	[smem:$0x3FAE] =	sst s4  }
0xd: {  	[smem:$0x3FAF] =	sst s5  }
0xe: {  	[smem:$0x3FB0] =	sst s6  }
0xf: {  	[smem:$0x3FB1] =	sst s7  }
0x10: {  	[smem:$0x3FB2] =	sst s8  }
0x11: {  	[smem:$0x3FB3] =	sst s9;
	s0 =	simm.s32 @!p0 $0x0  }
0x12: {  	s1 =	sld [smem:$0x3F99];
	s0 =	simm.s32 @p0 $0x1  }
0x13: {  	[smem:$0x3FB4] =	sst s0;
	s0 =	simm.s32 @!p1 $0x0  }
0x14: {  	s2 =	sld [smem:$0x3F98];
	s0 =	simm.s32 @p1 $0x1  }
0x15: {  	[smem:$0x3FB5] =	sst s0;
	s0 =	simm.s32 @!p2 $0x0  }
0x16: {  	s3 =	sld [smem:$0x3FDB];
	s0 =	simm.s32 @p2 $0x1  }
0x17: {  	s4 =	simm.s32 $0x1BF5;
	[smem:$0x3FB7] =	sst s0  }
0x18: {  	s0 =	sld [smem:$0x3F9A];
	_ =	swait.ge [sflag:s4], $0x0  }
0x19: {  	s7 =	sld [smem:$0x3F9B]  }
0x1a: {  	s8 =	sadd.s32 $0xFFFFE003, lr  }
0x1b: {  	s9 =	sadd.s32 $0xFFFFFEF7, lr;
	s5 =	simm.s32 $0xFFFFFFFF;
	p2 =	slt.u32 s8, $0xFFFFF086  }
0x1c: {  	p1 =	slt.u32 s9, $0xF7A;
	s5 =	simm.s32 @!p2 $0x0  }
0x1d: {  	s5 =	simm.s32 @p1 $0x1;
	p0 =	seq.s32 s7, s2  }
0x1e: {  	s7 =	smul.u32 @!p0 $0xF7A, s2;
	p2 =	seq.s32 @!p0 s5, $0x0  }
0x1f: {  	s9 =	smul.u32 $0xF7A, s1;
	s8 =	simm.s32 @!p0 $0x1BF5;
	p2 =	por !p2, p0  }
0x20: {  	[sflag:s8] =	ssyncset.s32 @!p0 $0xFFFFF086;
	s6 =	sadd.s32 @!p0 s3, s7;
	s7 =	simm.s32 @!p0 $0x108  }
0x21: {  	s3 =	sadd.s32 s3, s9;
	s6 =	sadd.s32 @!p0 $0x88, s6;
	s7 =	simm.s32 @p2 $0x1082  }
0x22: {  	[simem:s7], [sflag:s8] =	dma.local @!p0 [hbm:s6], $0xF7A  }
0x23: {  	s9 =	sor.u32 $0xD0000000, s2;
	s6 =	simm.s32 $0x108;
	_ =	swait.ge @!p0 [sflag:s8], $0x0  }
0x24: {  	s3 =	sadd.s32 $0x88, s3;
	s6 =	simm.s32 @!p1 $0x1082;
	[sflag:s4] =	ssyncset.s32 $0xFFFFF086  }
0x25: {  	[simem:s6], [sflag:s4] =	dma.local [hbm:s3], $0xF7A  }
0x26: {  	[smem:$0x3F9B] =	sst s1;
	(tag) =	ssettag s2;
	_ =	strace s9  }
0x27: {  	s1 =	sld [smem:$0x3FAB]  }
0x28: {  	s2 =	sld [smem:$0x3FAC]  }
0x29: {  	s4 =	sld [smem:$0x3FAE]  }
0x2a: {  	p0 =	seq.s32 s5, $0x0;
	s5 =	sld [smem:$0x3FAF]  }
0x2b: {  	s6 =	sld [smem:$0x3FB0]  }
0x2c: {  	s7 =	sld [smem:$0x3FB1]  }
0x2d: {  	s3 =	simm.s32 $0x108;
	s8 =	sld [smem:$0x3FB2]  }
0x2e: {  	s3 =	simm.s32 @!p0 $0x1082;
	s9 =	sld [smem:$0x3FB3]  }
0x2f: {  	lr =	sadd.s32 s0, s3;
	s0 =	sld [smem:$0x3FAA]  }
0x30: {  	s3 =	sld [smem:$0x3FAD]  }
0x31: {  	[smem:$0x3FB6] =	sst s10  }
0x32: {  	s10 =	sld [smem:$0x3FB4];
	_ =	sdelay $0x3  }
0x33: {  	p0 =	seq.s32 s10, $0x1;
	s10 =	sld [smem:$0x3FB6];
	_ =	sdelay $0x3  }
0x34: {  	[smem:$0x3FB6] =	sst s10  }
0x35: {  	s10 =	sld [smem:$0x3FB5];
	_ =	sdelay $0x3  }
0x36: {  	p1 =	seq.s32 s10, $0x1;
	s10 =	sld [smem:$0x3FB6];
	_ =	sdelay $0x3  }
0x37: {  	[smem:$0x3FB6] =	sst s10  }
0x38: {  	s10 =	sld [smem:$0x3FB7]  }
0x39: {  	_ = 	snop;
	(pc) =	sbr.ind lr, $3  }
0x3a: {  	_ = 	snop  }
0x3b: {  	_ = 	snop  }
0x3c: {  	p2 =	seq.s32 s10, $0x1;
	s10 =	sld [smem:$0x3FB6]  }
0x3d: {  	_ =	shalt  }
0x3e: {  	_ =	shalt  }
0x3f: {  	_ =	shalt  }
0x40: {  	_ =	shalt  }
0x41: {  	_ =	shalt  }
0x42: {  	_ =	shalt  }
0x43: {  	_ =	shalt  }
0x44: {  	_ =	shalt  }
0x45: {  	_ =	shalt  }
0x46: {  	_ =	shalt  }
0x47: {  	_ =	shalt  }
0x48: {  	_ =	shalt  }
0x49: {  	_ =	shalt  }
0x4a: {  	_ =	shalt  }
0x4b: {  	_ =	shalt  }
0x4c: {  	_ =	shalt  }
0x4d: {  	_ =	shalt  }
0x4e: {  	_ =	shalt  }
0x4f: {  	_ =	shalt  }
0x50: {  	_ =	shalt  }
0x51: {  	_ =	shalt  }
0x52: {  	_ =	shalt  }
0x53: {  	_ =	shalt  }
0x54: {  	_ =	shalt  }
0x55: {  	_ =	shalt  }
0x56: {  	_ =	shalt  }
0x57: {  	_ =	shalt  }
0x58: {  	_ =	shalt  }
0x59: {  	_ =	shalt  }
0x5a: {  	_ =	shalt  }
0x5b: {  	_ =	shalt  }
0x5c: {  	_ =	shalt  }
0x5d: {  	_ =	shalt  }
0x5e: {  	_ =	shalt  }
0x5f: {  	_ =	shalt  }
0x60: {  	_ =	shalt  }
0x61: {  	_ =	shalt  }
0x62: {  	_ =	shalt  }
0x63: {  	_ =	shalt  }
0x64: {  	_ =	shalt  }
0x65: {  	_ =	shalt  }
0x66: {  	_ =	shalt  }
0x67: {  	_ =	shalt  }
0x68: {  	_ =	shalt  }
0x69: {  	_ =	shalt  }
0x6a: {  	_ =	shalt  }
0x6b: {  	_ =	shalt  }
0x6c: {  	_ =	shalt  }
0x6d: {  	_ =	shalt  }
0x6e: {  	_ =	shalt  }
0x6f: {  	_ =	shalt  }
0x70: {  	_ =	shalt  }
0x71: {  	_ =	shalt  }
0x72: {  	_ =	shalt  }
0x73: {  	_ =	shalt  }
0x74: {  	_ =	shalt  }
0x75: {  	_ =	shalt  }
0x76: {  	_ =	shalt  }
0x77: {  	_ =	shalt  }
0x78: {  	_ =	shalt  }
0x79: {  	_ =	shalt  }
0x7a: {  	_ =	shalt  }
0x7b: {  	_ =	shalt  }
0x7c: {  	_ =	shalt  }
0x7d: {  	_ =	shalt  }
0x7e: {  	_ =	shalt  }
0x7f: {  	_ =	shalt  }
0x80: {  	_ =	shalt  }
0x81: {  	_ =	shalt  }
0x82: {  	_ =	shalt  }
0x83: {  	_ =	shalt  }
0x84: {  	_ =	shalt  }
0x85: {  	_ =	shalt  }
0x86: {  	_ =	shalt  }
0x87: {  	_ =	shalt  }
.Lfunc_end0:
.L_simem_size_0:
called_computation.2_lowered:
.L_overlay_start_0:
0x88: {  	s2 =	sld [smem:$0x3FD9]  }
0x89: {  	s3 =	sld [smem:$0x3FFE];
	_ =	sdelay $0x1  }
0x8a: {  	s1 =	srdreg.scid  }
0x8b: {  	s0 =	sand.u32 $0x1, s1  }
0x8c: {  	s16 =	sshll.u32 s0, $0xA;
	s2 =	sadd.s32 s3, s2  }
0x8d: {  	s2 =	sadd.s32 s2, s16  }
0x8e: {  	[smem:$0x3FC2] =	sst s2  }
0x8f: {  	_ = 	snop  }
0x90: {  	(tm) =	ssettm $0x1  }
0x91: {  	s17 =	sld [smem:$0x3FFB];
	_ =	sdelay $0x3  }
0x92: {  	_ =	strace s17  }
0x93: {  	s2 =	sld [smem:$0x3FFC];
	_ =	sdelay $0x3  }
0x94: {  	_ =	strace s2  }
0x95: {  	s2 =	sld [smem:$0x3FFD];
	_ =	sdelay $0x3  }
0x96: {  	_ =	strace s2  }
0x97: {  	_ =	strace $0x8FFFFFFF  }
0x98: {  	s18 =	sld [smem:$0x3FDB];
	_ =	sdelay $0x1  }
0x99: {  	s19 =	simm.s32 $_scs_section_size  }
0x9a: {  	s4 =	simm.s32 $_size__tile_overlayer_lowered;
	s5 =	simm.s32 $_tile_overlayer_lowered  }
0x9b: {  	s22 =	simm.s32 $0x1BFF;
	s21 =	sshll.u32 s5, $0x1;
	s2 =	sadd.s32 s19, s18  }
0x9c: {  	s6 =	simm.s32 $0x0;
	s20 =	sshll.u32 s4, $0x1;
	s4 =	sadd.s32 s21, s2  }
0x9d: {  	[timem:s6], [sflag:s22] =	dma.local [hbm:s4], s20  }
0x9e: {  	_ =	swait.ge [sflag:s22], s20  }
0x9f: {  	s3 =	ssub.s32 $0x0, s20;
	[sflag:s22] =	ssyncset.done $0x0  }
0xa0: {  	[sflag:s22] =	ssyncadd.s32 s3;
	_ =	sdelay $0x1  }
0xa1: {  	s23 =	simm.s32 $0x1B8B  }
0xa2: {  	_ =	swait.ge [sflag:s23], $0x1  }
0xa3: {  	[sflag:s23] =	ssyncset.done $0x0  }
0xa4: {  	s25 =	simm.s32 $0x1B8E;
	s24 =	sld [smem:$0x3FFE];
	[sflag:s23] =	ssyncadd.s32 $0xFFFFFFFF  }
0xa5: {  	s26 =	simm.s32 $execute0_lowered;
	[smem:$0x3FD2] =	sst s25  }
0xa6: {  	s4 =	sshll.u32 s26, $0x1;
	_ =	strace $0x8000004C;
	[dreg:$0x1] =	wrdreg $0xFFFFFFFF  }
0xa7: {  	s28 =	simm.s32 $_size_execute0_lowered;
	s2 =	sadd.s32 s2, s4;
	[dreg:$0x0] =	wrdreg $0x0  }
0xa8: {  	s4 =	sshll.u32 s28, $0x1;
	[dreg:$0x2] =	wrdreg s2  }
0xa9: {  	[dreg:$0x3] =	wrdreg s4  }
0xaa: {  	[dreg:$0x4] =	wrdreg $0xC0  }
0xab: {  	_ =	task [dreg:s6], $0x5FFFF  }
0xac: {  	[dreg:$0x1] =	wrdreg $0xFFFFFFFF  }
0xad: {  	[dreg:$0x0] =	wrdreg $0x60  }
0xae: {  	[dreg:$0x2] =	wrdreg s24  }
0xaf: {  	[dreg:$0x3] =	wrdreg $0x18800  }
0xb0: {  	[dreg:$0x4] =	wrdreg $0x9  }
0xb1: {  	_ =	task.clear_ibuf [dreg:s6], $0x5FFFF;
	_ =	strace $0x9000004C  }
0xb2: {  	s29 =	simm.s32 $0x9;
	_ =	strace $0x8000004E  }
0xb3: {  	_ =	swait.ge [sflag:s29], $0x1  }
0xb4: {  	[sflag:s29] =	ssyncadd.s32 $0xFFFFFFFF  }
0xb5: {  	_ =	strace $0x9000004E  }
0xb6: {  	_ =	sfence  }
0xb7: {  	s30 =	sld [smem:$0x0];
	_ =	sdelay $0x2  }
0xb8: {  	s31 =	sshll.u32 s1, $0xD;
	s1 =	sshrl.u32 s1, $0x2  }
0xb9: {  	s3 =	sand.u32 $0x4000, s31;
	s1 =	sadd.s32 s1, s30  }
0xba: {  	s0 =	sor.u32 s3, s0;
	s1 =	sshll.u32 s1, $0x11  }
0xbb: {  	s0 =	sor.u32 s1, s0  }
0xbc: {  	s0 =	sadd.s32 $0x8F2B, s0  }
0xbd: {  	[sflag:s0] =	ssyncadd.remote.s32 $0x1  }
0xbe: {  	_ =	sfence.sel $0xFFFF  }
0xbf: {  	[dreg:$0x0] =	wrdreg $0xFFFFFFFF;
	(pc) =	sbr.abs _section_cstart, $3  }
0xc0: {  	[dreg:$0x1] =	wrdreg $0xFFFFFFFF  }
0xc1: {  	_ =	task.clear_ibuf [dreg:s6], $0x2FFFF;
	_ =	strace $0x9FFFFFFF  }
0xc2: {  	(tm) =	ssettm $0x7FFFFFFF  }
0xc3: {  	_ =	shalt  }
tec
execute0_lowered:
.L_overlay_start_1:
0x0: {  	(tag) =	ssettag $0x1  }
0x1: {  	s1 =	srdreg.scid;
	s0 =	stileid.u32  }
0x2: {  	s4 =	rddreg [dreg:$0x0];
	s6 =	smul.u32 $0xC400, s0  }
0x3: {  	s2 =	rddreg [dreg:$0x1];
	s5 =	sand.u32 $0x1, s1;
	s8 =	smul.u32 $0xC40, s0  }
0x4: {  	s3 =	simm.s32 $0x0;
	s11 =	simm.s32 $0x620;
	s7 =	smul.u32 $0x6200, s5  }
0x5: {  	s12 =	simm.s32 $0x0;
	[smem:$0x7FF] =	sst s3;
	s9 =	smul.u32 $0xC400, s5  }
0x6: {  	s1 =	rddreg [dreg:$0x2];
	_ =	strace $0x8000004D;
	s5 =	ssub.s32 $0x2, s5  }
0x7: {  	s29 =	sshrl.u32 s5, $0x1;
	s6 =	sadd.s32 s7, s6;
	s28 =	sadd.s32 s8, s9  }
0x8: {  	s31 =	ssub.s32 s5, s29;
	s6 =	sshrl.u32 s6, $0x3;
	s7 =	sshrl.u32 s28, $0x3  }
0x9: {  	s9 =	simm.s32 $0xC40;
	s10 =	sadd.s32 s6, s4;
	s30 =	sadd.s32 s7, s4  }
0xa: {  	s4 =	sadd.s32 s8, s2;
	s6 =	smax.u32 s31, $0x1;
	s5 =	sadd.s32 $0x19400, s30  }
0xb: {  	v0 =	vimm.f32 $0.0e+00;
	s7 =	sadd.s32 $0xC1A00, s10;
	s8 =	sadd.s32 $0xA00, s10;
	s10 =	simm.s32 $0x1  }
.LBB2_1:
0xc: {  	s13 =	simm.s32 $0x40;
	s14 =	simm.s32 $0x0  }
.LBB2_2:
0xd: {  	p0 =	sne.s32 s13, $0x30C0;
	[tilespmem:s14+$0xC40] =	vst v0;
	s14 =	smov.u32 s13;
	s13 =	sadd.s32 $0x40, s13  }
.Ltmp0:
0xe: {  	(pc) =	sbr.rel @p0 .LBB2_2-.Ltmp0, $2  }
0xf: {  	_ =	sdelay $0x2  }
0x10: {  	s14 =	sshra.s32 s14, $0x2  }
0x11: {  	[tilespmem:s14+$0xC40] =	vst v0  }
0x12: {  	[spmem:s4] =	stream.linear.scatter [tilespmem:s9], [sflag:$0x1], $0xC40, $0x38;
	[tilespmem:$0x24C0] =	vst v63  }
0x13: {  	_ =	swait.ge [sflag:s10], $0xC40  }
0x14: {  	[sflag:s10] =	ssyncset.done $0x0  }
0x15: {  	[sflag:s10] =	ssyncadd.s32 $0xFFFFF3C0  }
0x16: {  	s13 =	sadd.s32 $0x0, s8;
	[bflag:$0x0] =	sbarrier.arrive $0xFFFF  }
0x17: {  	[tilespmem:s3], [sflag:$0x1] =	stream.linear.gather [hbm4b:s13+s3], $0x620, $0x38;
	[tilespmem:$0x24C0] =	vst v63  }
0x18: {  	_ =	swait.ge [sflag:s10], $0x620  }
0x19: {  	[sflag:s10] =	ssyncset.done $0x0  }
0x1a: {  	s31 =	sadd.s32 $0x0, s7;
	[sflag:s10] =	ssyncadd.s32 $0xFFFFF9E0  }
0x1b: {  	[tilespmem:s11], [sflag:$0x1] =	stream.linear.gather [hbm4b:s31+s3], $0x620, $0x38;
	[tilespmem:$0x24C0] =	vst v63  }
0x1c: {  	_ =	swait.ge [sflag:s10], $0x620  }
0x1d: {  	[sflag:s10] =	ssyncset.done $0x0  }
0x1e: {  	[sflag:s10] =	ssyncadd.s32 $0xFFFFF9E0  }
0x1f: {  	[spmem:s2] =	stream.indirect.scatter.add.f32 [tilespmem:s3], [sflag:$0x1], $0x1, s11, s11, $0xb8;
	[tilespmem:$0x24C0] =	vst v63  }
0x20: {  	_ =	swait.ge [sflag:s10], $0x620  }
0x21: {  	s14 =	simm.s32 $0x188;
	s13 =	simm.s32 $0xC4;
	[sflag:s10] =	ssyncset.done $0x0  }
.LBB2_4:
0x22: {  	s15 =	sadd.s32 s13, s8  }
0x23: {  	[sflag:s10] =	ssyncadd.s32 $0xFFFFF9E0;
	s16 =	smov.u32 s14;
	s17 =	sadd.s32 $0xC4, s14  }
0x24: {  	[tilespmem:s3], [sflag:$0x1] =	stream.linear.gather [hbm4b:s15+s3], $0x620, $0x38;
	[tilespmem:$0x24C0] =	vst v63  }
0x25: {  	p0 =	sne.s32 s14, $0xB7C;
	_ =	swait.ge [sflag:s10], $0x620  }
0x26: {  	[sflag:s10] =	ssyncset.done $0x0  }
0x27: {  	s14 =	sadd.s32 s13, s7;
	s13 =	smov.u32 s16;
	[sflag:s10] =	ssyncadd.s32 $0xFFFFF9E0  }
0x28: {  	[tilespmem:s11], [sflag:$0x1] =	stream.linear.gather [hbm4b:s14+s3], $0x620, $0x38;
	[tilespmem:$0x24C0] =	vst v63  }
0x29: {  	_ =	swait.ge [sflag:s10], $0x620  }
.Ltmp1:
0x2a: {  	[sflag:s10] =	ssyncset.done $0x0;
	(pc) =	sbr.rel @p0 .LBB2_4-.Ltmp1, $4  }
0x2b: {  	[sflag:s10] =	ssyncadd.s32 $0xFFFFF9E0  }
0x2c: {  	[spmem:s2] =	stream.indirect.scatter.add.f32 [tilespmem:s3], [sflag:$0x1], $0x1, s11, s11, $0xb8;
	[tilespmem:$0x24C0] =	vst v63  }
0x2d: {  	_ =	swait.ge [sflag:s10], $0x620  }
0x2e: {  	s14 =	smov.u32 s17;
	[sflag:s10] =	ssyncset.done $0x0  }
0x2f: {  	s14 =	sadd.s32 s13, s8;
	[sflag:s10] =	ssyncadd.s32 $0xFFFFF9E0  }
0x30: {  	[tilespmem:s3], [sflag:$0x1] =	stream.linear.gather [hbm4b:s14+s3], $0x620, $0x38;
	[tilespmem:$0x24C0] =	vst v63  }
0x31: {  	_ =	swait.ge [sflag:s10], $0x620  }
0x32: {  	[sflag:s10] =	ssyncset.done $0x0  }
0x33: {  	s31 =	sadd.s32 s13, s7;
	[sflag:s10] =	ssyncadd.s32 $0xFFFFF9E0  }
0x34: {  	[tilespmem:s11], [sflag:$0x1] =	stream.linear.gather [hbm4b:s31+s3], $0x620, $0x38;
	[tilespmem:$0x24C0] =	vst v63  }
0x35: {  	_ =	swait.ge [sflag:s10], $0x620  }
0x36: {  	[sflag:s10] =	ssyncset.done $0x0  }
0x37: {  	[sflag:s10] =	ssyncadd.s32 $0xFFFFF9E0  }
0x38: {  	[spmem:s2] =	stream.indirect.scatter.add.f32 [tilespmem:s3], [sflag:$0x1], $0x1, s11, s11, $0xb8;
	[tilespmem:$0x24C0] =	vst v63  }
0x39: {  	_ =	swait.ge [sflag:s10], $0x620  }
0x3a: {  	[sflag:s10] =	ssyncset.done $0x0  }
0x3b: {  	[sflag:s10] =	ssyncadd.s32 $0xFFFFF9E0  }
0x3c: {  	[bflag:$0x0] =	sbarrier.arrive $0xFFFF  }
0x3d: {  	[tilespmem:s9], [sflag:$0x1] =	stream.linear.gather [spmem:s4], $0xC40, $0x38;
	[tilespmem:$0x24C0] =	vst v63  }
0x3e: {  	s12 =	sadd.s32 $0x1, s12;
	_ =	swait.ge [sflag:s10], $0xC40  }
0x3f: {  	p0 =	sne.s32 s12, s6;
	[sflag:s10] =	ssyncset.done $0x0  }
.Ltmp2:
0x40: {  	[sflag:s10] =	ssyncadd.s32 $0xFFFFF3C0;
	(pc) =	sbr.rel @p0 .LBB2_1-.Ltmp2, $4  }
0x41: {  	[hbm4b:s5+s3] =	stream.linear.scatter [tilespmem:s9], [sflag:$0x1], $0xC40, $0x38;
	[tilespmem:$0x24C0] =	vst v63  }
0x42: {  	_ =	swait.ge [sflag:s10], $0xC40  }
0x43: {  	[sflag:s10] =	ssyncset.done $0x0  }
0x44: {  	[sflag:s10] =	ssyncadd.s32 $0xFFFFF3C0  }
0x45: {  	_ =	sfence.sel $0x180000  }
0x46: {  	[bflag:$0x0] =	sbarrier.arrive $0xFFFF  }
0x47: {  	p0 =	sne.s32 s0, $0x0;
	_ =	strace $0x9000004D  }
0x48: {  	s0 =	sadd.s32 @!p0 $0x100000, s1;
	[bflag:$0x2] =	sbarrier.arrive $0xFFFF  }
0x49: {  	[sflag:s0] =	ssyncadd.tile.s32 @!p0 $0x1;
	_ =	shalt  }
.Lfunc_end2:
_tile_overlayer_lowered:
.L_overlay_start_2:
0x4a: {  	(tag) =	ssettag $0x2  }
0x4b: {  	s0 =	rddreg [dreg:$0x0];
	s2 =	stileid.u32  }
0x4c: {  	s1 =	rddreg [dreg:$0x1];
	p0 =	sne.s32 s2, $0x0  }
0x4d: {  	s3 =	rddreg [dreg:$0x2];
	[bflag:$0x3] =	sbarrier.arrive $0xFFFF;
	s2 =	simm.s32 @!p0 $0x1C01  }
0x4e: {  	[timem:s3], [sflag:s2] =	dma.local @!p0 [hbm:s0], s1  }
0x4f: {  	s0 =	simm.s32 @!p0 $0x1  }
0x50: {  	_ =	swait.ge @!p0 [sflag:s0], s1  }
0x51: {  	s1 =	ssub.s32 @!p0 $0x0, s1;
	[sflag:s0] =	ssyncset.done @!p0 $0x0  }
0x52: {  	[sflag:s0] =	ssyncadd.s32 @!p0 s1  }
0x53: {  	[bflag:$0x3] =	sbarrier.arrive $0xFFFF  }
0x54: {  	_ =	shalt  }

// kernel: kernel.7.cloned.1.call-start
scs
__scs_entry_jumppad:
0x0: {  	(pc) =	sbr.rel $0x88, $3  }
0x1: {  	(tag) =	ssettag $0x0;
	lr =	simm.s32 $0x1  }
0x2: {  	[smem:$0x3F9B] =	sst lr;
	_ =	strace $0xD0000000  }
0x3: {  	_ = 	snop  }
0x4: {  	_ = 	snop  }
0x5: {  	_ = 	snop  }
0x6: {  	_ = 	snop  }
0x7: {  	_ = 	snop  }
__scs_overlays_trampoline_lowered:
0x8: {  	[smem:$0x3FAA] =	sst s0  }
0x9: {  	[smem:$0x3FAB] =	sst s1  }
0xa: {  	[smem:$0x3FAC] =	sst s2  }
0xb: {  	[smem:$0x3FAD] =	sst s3  }
0xc: {  	[smem:$0x3FAE] =	sst s4  }
0xd: {  	[smem:$0x3FAF] =	sst s5  }
0xe: {  	[smem:$0x3FB0] =	sst s6  }
0xf: {  	[smem:$0x3FB1] =	sst s7  }
0x10: {  	[smem:$0x3FB2] =	sst s8  }
0x11: {  	[smem:$0x3FB3] =	sst s9;
	s0 =	simm.s32 @!p0 $0x0  }
0x12: {  	s1 =	sld [smem:$0x3F99];
	s0 =	simm.s32 @p0 $0x1  }
0x13: {  	[smem:$0x3FB4] =	sst s0;
	s0 =	simm.s32 @!p1 $0x0  }
0x14: {  	s2 =	sld [smem:$0x3F98];
	s0 =	simm.s32 @p1 $0x1  }
0x15: {  	[smem:$0x3FB5] =	sst s0;
	s0 =	simm.s32 @!p2 $0x0  }
0x16: {  	s3 =	sld [smem:$0x3FDB];
	s0 =	simm.s32 @p2 $0x1  }
0x17: {  	s4 =	simm.s32 $0x1BF5;
	[smem:$0x3FB7] =	sst s0  }
0x18: {  	s0 =	sld [smem:$0x3F9A];
	_ =	swait.ge [sflag:s4], $0x0  }
0x19: {  	s7 =	sld [smem:$0x3F9B]  }
0x1a: {  	s8 =	sadd.s32 $0xFFFFE003, lr  }
0x1b: {  	s9 =	sadd.s32 $0xFFFFFEF7, lr;
	s5 =	simm.s32 $0xFFFFFFFF;
	p2 =	slt.u32 s8, $0xFFFFF086  }
0x1c: {  	p1 =	slt.u32 s9, $0xF7A;
	s5 =	simm.s32 @!p2 $0x0  }
0x1d: {  	s5 =	simm.s32 @p1 $0x1;
	p0 =	seq.s32 s7, s2  }
0x1e: {  	s7 =	smul.u32 @!p0 $0xF7A, s2;
	p2 =	seq.s32 @!p0 s5, $0x0  }
0x1f: {  	s9 =	smul.u32 $0xF7A, s1;
	s8 =	simm.s32 @!p0 $0x1BF5;
	p2 =	por !p2, p0  }
0x20: {  	[sflag:s8] =	ssyncset.s32 @!p0 $0xFFFFF086;
	s6 =	sadd.s32 @!p0 s3, s7;
	s7 =	simm.s32 @!p0 $0x108  }
0x21: {  	s3 =	sadd.s32 s3, s9;
	s6 =	sadd.s32 @!p0 $0x88, s6;
	s7 =	simm.s32 @p2 $0x1082  }
0x22: {  	[simem:s7], [sflag:s8] =	dma.local @!p0 [hbm:s6], $0xF7A  }
0x23: {  	s9 =	sor.u32 $0xD0000000, s2;
	s6 =	simm.s32 $0x108;
	_ =	swait.ge @!p0 [sflag:s8], $0x0  }
0x24: {  	s3 =	sadd.s32 $0x88, s3;
	s6 =	simm.s32 @!p1 $0x1082;
	[sflag:s4] =	ssyncset.s32 $0xFFFFF086  }
0x25: {  	[simem:s6], [sflag:s4] =	dma.local [hbm:s3], $0xF7A  }
0x26: {  	[smem:$0x3F9B] =	sst s1;
	(tag) =	ssettag s2;
	_ =	strace s9  }
0x27: {  	s1 =	sld [smem:$0x3FAB]  }
0x28: {  	s2 =	sld [smem:$0x3FAC]  }
0x29: {  	s4 =	sld [smem:$0x3FAE]  }
0x2a: {  	p0 =	seq.s32 s5, $0x0;
	s5 =	sld [smem:$0x3FAF]  }
0x2b: {  	s6 =	sld [smem:$0x3FB0]  }
0x2c: {  	s7 =	sld [smem:$0x3FB1]  }
0x2d: {  	s3 =	simm.s32 $0x108;
	s8 =	sld [smem:$0x3FB2]  }
0x2e: {  	s3 =	simm.s32 @!p0 $0x1082;
	s9 =	sld [smem:$0x3FB3]  }
0x2f: {  	lr =	sadd.s32 s0, s3;
	s0 =	sld [smem:$0x3FAA]  }
0x30: {  	s3 =	sld [smem:$0x3FAD]  }
0x31: {  	[smem:$0x3FB6] =	sst s10  }
0x32: {  	s10 =	sld [smem:$0x3FB4];
	_ =	sdelay $0x3  }
0x33: {  	p0 =	seq.s32 s10, $0x1;
	s10 =	sld [smem:$0x3FB6];
	_ =	sdelay $0x3  }
0x34: {  	[smem:$0x3FB6] =	sst s10  }
0x35: {  	s10 =	sld [smem:$0x3FB5];
	_ =	sdelay $0x3  }
0x36: {  	p1 =	seq.s32 s10, $0x1;
	s10 =	sld [smem:$0x3FB6];
	_ =	sdelay $0x3  }
0x37: {  	[smem:$0x3FB6] =	sst s10  }
0x38: {  	s10 =	sld [smem:$0x3FB7]  }
0x39: {  	_ = 	snop;
	(pc) =	sbr.ind lr, $3  }
0x3a: {  	_ = 	snop  }
0x3b: {  	_ = 	snop  }
0x3c: {  	p2 =	seq.s32 s10, $0x1;
	s10 =	sld [smem:$0x3FB6]  }
0x3d: {  	_ =	shalt  }
0x3e: {  	_ =	shalt  }
0x3f: {  	_ =	shalt  }
0x40: {  	_ =	shalt  }
0x41: {  	_ =	shalt  }
0x42: {  	_ =	shalt  }
0x43: {  	_ =	shalt  }
0x44: {  	_ =	shalt  }
0x45: {  	_ =	shalt  }
0x46: {  	_ =	shalt  }
0x47: {  	_ =	shalt  }
0x48: {  	_ =	shalt  }
0x49: {  	_ =	shalt  }
0x4a: {  	_ =	shalt  }
0x4b: {  	_ =	shalt  }
0x4c: {  	_ =	shalt  }
0x4d: {  	_ =	shalt  }
0x4e: {  	_ =	shalt  }
0x4f: {  	_ =	shalt  }
0x50: {  	_ =	shalt  }
0x51: {  	_ =	shalt  }
0x52: {  	_ =	shalt  }
0x53: {  	_ =	shalt  }
0x54: {  	_ =	shalt  }
0x55: {  	_ =	shalt  }
0x56: {  	_ =	shalt  }
0x57: {  	_ =	shalt  }
0x58: {  	_ =	shalt  }
0x59: {  	_ =	shalt  }
0x5a: {  	_ =	shalt  }
0x5b: {  	_ =	shalt  }
0x5c: {  	_ =	shalt  }
0x5d: {  	_ =	shalt  }
0x5e: {  	_ =	shalt  }
0x5f: {  	_ =	shalt  }
0x60: {  	_ =	shalt  }
0x61: {  	_ =	shalt  }
0x62: {  	_ =	shalt  }
0x63: {  	_ =	shalt  }
0x64: {  	_ =	shalt  }
0x65: {  	_ =	shalt  }
0x66: {  	_ =	shalt  }
0x67: {  	_ =	shalt  }
0x68: {  	_ =	shalt  }
0x69: {  	_ =	shalt  }
0x6a: {  	_ =	shalt  }
0x6b: {  	_ =	shalt  }
0x6c: {  	_ =	shalt  }
0x6d: {  	_ =	shalt  }
0x6e: {  	_ =	shalt  }
0x6f: {  	_ =	shalt  }
0x70: {  	_ =	shalt  }
0x71: {  	_ =	shalt  }
0x72: {  	_ =	shalt  }
0x73: {  	_ =	shalt  }
0x74: {  	_ =	shalt  }
0x75: {  	_ =	shalt  }
0x76: {  	_ =	shalt  }
0x77: {  	_ =	shalt  }
0x78: {  	_ =	shalt  }
0x79: {  	_ =	shalt  }
0x7a: {  	_ =	shalt  }
0x7b: {  	_ =	shalt  }
0x7c: {  	_ =	shalt  }
0x7d: {  	_ =	shalt  }
0x7e: {  	_ =	shalt  }
0x7f: {  	_ =	shalt  }
0x80: {  	_ =	shalt  }
0x81: {  	_ =	shalt  }
0x82: {  	_ =	shalt  }
0x83: {  	_ =	shalt  }
0x84: {  	_ =	shalt  }
0x85: {  	_ =	shalt  }
0x86: {  	_ =	shalt  }
0x87: {  	_ =	shalt  }
.Lfunc_end0:
.L_simem_size_0:
called_computation_lowered:
.L_overlay_start_0:
0x88: {  	s2 =	sld [smem:$0x3FD9]  }
0x89: {  	s3 =	sld [smem:$0x3FFE];
	_ =	sdelay $0x1  }
0x8a: {  	s1 =	srdreg.scid  }
0x8b: {  	s0 =	sand.u32 $0x1, s1  }
0x8c: {  	s17 =	sshll.u32 s0, $0xA;
	s2 =	sadd.s32 s3, s2  }
0x8d: {  	s2 =	sadd.s32 s2, s17  }
0x8e: {  	[smem:$0x3FC2] =	sst s2  }
0x8f: {  	_ = 	snop  }
0x90: {  	s2 =	sld [smem:$0x3FC8];
	(tm) =	ssettm $0x1  }
0x91: {  	s18 =	sld [smem:$0x3FFB];
	_ =	sdelay $0x3  }
0x92: {  	_ =	strace s18  }
0x93: {  	s3 =	sld [smem:$0x3FFC];
	_ =	sdelay $0x3  }
0x94: {  	_ =	strace s3  }
0x95: {  	s3 =	sld [smem:$0x3FFD];
	_ =	sdelay $0x3  }
0x96: {  	_ =	strace s3  }
0x97: {  	_ =	strace $0x8FFFFFFF  }
0x98: {  	s19 =	sld [smem:$0x3FDB];
	_ =	sdelay $0x1  }
0x99: {  	s4 =	simm.s32 $_scs_section_size  }
0x9a: {  	s5 =	simm.s32 $_size__tile_overlayer_lowered;
	s6 =	simm.s32 $_tile_overlayer_lowered  }
0x9b: {  	s22 =	simm.s32 $0x1BFF;
	s21 =	sshll.u32 s6, $0x1;
	s3 =	sadd.s32 s4, s19  }
0x9c: {  	s7 =	simm.s32 $0x0;
	s20 =	sshll.u32 s5, $0x1;
	s5 =	sadd.s32 s21, s3  }
0x9d: {  	[timem:s7], [sflag:s22] =	dma.local [hbm:s5], s20  }
0x9e: {  	_ =	swait.ge [sflag:s22], s20  }
0x9f: {  	s4 =	ssub.s32 $0x0, s20;
	[sflag:s22] =	ssyncset.done $0x0  }
0xa0: {  	[sflag:s22] =	ssyncadd.s32 s4;
	_ =	sdelay $0x1  }
0xa1: {  	s23 =	simm.s32 $0x1B8B  }
0xa2: {  	_ =	swait.ge [sflag:s23], $0x1  }
0xa3: {  	[sflag:s23] =	ssyncset.done $0x0  }
0xa4: {  	s25 =	simm.s32 $0x1B8E;
	s24 =	sld [smem:$0x3FFE];
	[sflag:s23] =	ssyncadd.s32 $0xFFFFFFFF  }
0xa5: {  	s26 =	simm.s32 $execute0_lowered;
	[smem:$0x3FD2] =	sst s25  }
0xa6: {  	s5 =	sshll.u32 s26, $0x1;
	_ =	strace $0x80000046;
	[dreg:$0x1] =	wrdreg $0xFFFFFFFF  }
0xa7: {  	s28 =	simm.s32 $_size_execute0_lowered;
	s3 =	sadd.s32 s3, s5;
	[dreg:$0x0] =	wrdreg $0x0  }
0xa8: {  	s5 =	sshll.u32 s28, $0x1;
	[dreg:$0x2] =	wrdreg s3  }
0xa9: {  	[dreg:$0x3] =	wrdreg s5  }
0xaa: {  	[dreg:$0x4] =	wrdreg $0xC0  }
0xab: {  	_ =	task [dreg:s7], $0x5FFFF  }
0xac: {  	[dreg:$0x1] =	wrdreg $0xFFFFFFFF  }
0xad: {  	[dreg:$0x0] =	wrdreg $0x60  }
0xae: {  	[dreg:$0x2] =	wrdreg s24  }
0xaf: {  	[dreg:$0x3] =	wrdreg s2  }
0xb0: {  	[dreg:$0x4] =	wrdreg $0xF2000  }
0xb1: {  	[dreg:$0x5] =	wrdreg $0x9  }
0xb2: {  	_ =	task.clear_ibuf [dreg:s7], $0x6FFFF;
	_ =	strace $0x90000046  }
0xb3: {  	s29 =	simm.s32 $0x9;
	_ =	strace $0x80000048  }
0xb4: {  	_ =	swait.ge [sflag:s29], $0x1  }
0xb5: {  	[sflag:s29] =	ssyncadd.s32 $0xFFFFFFFF  }
0xb6: {  	_ =	strace $0x90000048  }
0xb7: {  	_ =	sfence  }
0xb8: {  	s30 =	sld [smem:$0x0];
	_ =	sdelay $0x2  }
0xb9: {  	s31 =	sshll.u32 s1, $0xD;
	s1 =	sshrl.u32 s1, $0x2  }
0xba: {  	s3 =	sand.u32 $0x4000, s31;
	s1 =	sadd.s32 s1, s30  }
0xbb: {  	s0 =	sor.u32 s3, s0;
	s1 =	sshll.u32 s1, $0x11  }
0xbc: {  	s0 =	sor.u32 s1, s0  }
0xbd: {  	s0 =	sadd.s32 $0x8F2B, s0  }
0xbe: {  	[sflag:s0] =	ssyncadd.remote.s32 $0x1  }
0xbf: {  	_ =	sfence.sel $0xFFFF  }
0xc0: {  	[dreg:$0x0] =	wrdreg $0xFFFFFFFF;
	(pc) =	sbr.abs _section_cstart, $3  }
0xc1: {  	[dreg:$0x1] =	wrdreg $0xFFFFFFFF  }
0xc2: {  	_ =	task.clear_ibuf [dreg:s7], $0x2FFFF;
	_ =	strace $0x9FFFFFFF  }
0xc3: {  	(tm) =	ssettm $0x7FFFFFFF  }
tec
execute0_lowered:
.L_overlay_start_1:
0x0: {  	(tag) =	ssettag $0x1  }
0x1: {  	s0 =	rddreg [dreg:$0x0];
	s1 =	srdreg.scid  }
0x2: {  	s6 =	stileid.u32;
	s12 =	rddreg [dreg:$0x1]  }
0x3: {  	s2 =	rddreg [dreg:$0x2];
	s3 =	simm.s32 $0x0;
	s19 =	simm.s32 $0x9C40  }
0x4: {  	s20 =	simm.s32 $0x2;
	s21 =	simm.s32 $0x1388;
	s22 =	simm.s32 $0x2710  }
0x5: {  	s23 =	simm.s32 $0x3A98;
	s28 =	simm.s32 $0x1;
	s29 =	simm.s32 $0x88B8  }
0x6: {  	s30 =	simm.s32 $0x0;
	s1 =	sand.u32 $0x1, s1;
	s4 =	smul.u32 $0xC350, s6  }
0x7: {  	s6 =	smul.u32 $0x55C0, s6;
	[smem:$0x7FF] =	sst s3;
	s26 =	sadd.s32 $0xC400, s2  }
0x8: {  	s8 =	sadd.s32 $0x3D400, s2;
	s9 =	sadd.s32 $0x49800, s2;
	s5 =	smul.u32 $0x61A8, s1  }
0x9: {  	s7 =	smul.u32 $0x55C00, s1;
	_ =	strace $0x80000047;
	s1 =	ssub.s32 $0x2, s1  }
0xa: {  	[dreg:$0x4] =	wrdreg s26;
	s26 =	simm.s32 $0x7530;
	s25 =	sshrl.u32 s1, $0x1  }
0xb: {  	s4 =	sadd.s32 s5, s4;
	s24 =	sadd.s32 s6, s7;
	s1 =	ssub.s32 s1, s25  }
0xc: {  	s5 =	sadd.s32 $0x18800, s2;
	s7 =	sadd.s32 $0x31000, s2;
	s25 =	simm.s32 $0x61A8  }
0xd: {  	s13 =	sshrl.u32 s4, $0x3;
	s4 =	sshrl.u32 s24, $0x3;
	s31 =	smax.u32 s1, $0x1  }
0xe: {  	s24 =	simm.s32 $0x4E20;
	s18 =	sadd.s32 s13, s0;
	s0 =	sadd.s32 s4, s0  }
0xf: {  	s4 =	sadd.s32 s6, s2;
	s6 =	sadd.s32 $0x24C00, s2;
	[dreg:$0x6] =	wrdreg s31  }
0x10: {  	s12 =	sadd.s32 s13, s12;
	s0 =	sadd.s32 $0x93A00, s0;
	s13 =	sadd.s32 $0xA00, s18  }
0x11: {  	s14 =	sadd.s32 $0x19200, s18;
	s15 =	sadd.s32 $0x31A00, s18;
	s16 =	sadd.s32 $0x4A200, s18  }
0x12: {  	v0 =	vimm.f32 $1.000000000e+00;
	v1 =	vimm.f32 $0.0e+00;
	s17 =	sadd.s32 $0x62A00, s18;
	s18 =	sadd.s32 $0x7B200, s18;
	[dreg:$0x5] =	wrdreg s0  }
.LBB2_1:
0x13: {  	s0 =	simm.s32 $0x0  }
.LBB2_2:
0x14: {  	p0 =	sne.s32 s0, $0x4E00  }
.Ltmp0:
0x15: {  	_ = 	snop;
	(pc) =	sbr.rel @p0 .LBB2_2-.Ltmp0, $3  }
0x16: {  	_ =	sdelay $0x1  }
0x17: {  	s1 =	sshra.s32 s0, $0x2  }
0x18: {  	s0 =	sadd.s32 $0x40, s0;
	[tilespmem:s1+$0x88B8] =	vst v0  }
0x19: {  	s1 =	simm.s32 $0x40;
	s0 =	simm.s32 $0x0  }
.LBB2_4:
0x1a: {  	p0 =	sne.s32 s1, $0x156C0;
	[tilespmem:s0+$0x9C40] =	vst v1;
	s0 =	smov.u32 s1;
	s1 =	sadd.s32 $0x40, s1  }
.Ltmp1:
0x1b: {  	(pc) =	sbr.rel @p0 .LBB2_4-.Ltmp1, $2  }
0x1c: {  	_ =	sdelay $0x2  }
0x1d: {  	s0 =	sshra.s32 s0, $0x2  }
0x1e: {  	[tilespmem:s0+$0x9C40] =	vst v1  }
0x1f: {  	[spmem:s4] =	stream.linear.scatter [tilespmem:s19], [sflag:$0x2], $0x55C0, $0x38;
	[tilespmem:$0x147C0] =	vst v63  }
0x20: {  	_ =	swait.ge [sflag:s20], $0x55C0  }
0x21: {  	[sflag:s20] =	ssyncset.done $0x0  }
0x22: {  	[sflag:s20] =	ssyncadd.s32 $0xFFFFAA40  }
0x23: {  	s10 =	sadd.s32 $0x0, s18;
	[bflag:$0x0] =	sbarrier.arrive $0xFFFF  }
0x24: {  	[tilespmem:s3], [sflag:$0x1] =	stream.linear.gather [hbm4b:s10+s3], $0x1388, $0x38;
	[tilespmem:$0x147C0] =	vst v63  }
0x25: {  	s11 =	sadd.s32 $0x0, s17  }
0x26: {  	[tilespmem:s21], [sflag:$0x1] =	stream.linear.gather [hbm4b:s11+s3], $0x1388, $0x38;
	[tilespmem:$0x147C0] =	vst v63  }
0x27: {  	s1 =	sadd.s32 $0x0, s16  }
0x28: {  	[tilespmem:s22], [sflag:$0x1] =	stream.linear.gather [hbm4b:s1+s3], $0x1388, $0x38;
	[tilespmem:$0x147C0] =	vst v63  }
0x29: {  	s10 =	sadd.s32 $0x0, s15  }
0x2a: {  	[tilespmem:s23], [sflag:$0x1] =	stream.linear.gather [hbm4b:s10+s3], $0x1388, $0x38;
	[tilespmem:$0x147C0] =	vst v63  }
0x2b: {  	s11 =	sadd.s32 $0x0, s14  }
0x2c: {  	[tilespmem:s24], [sflag:$0x1] =	stream.linear.gather [hbm4b:s11+s3], $0x1388, $0x38;
	[tilespmem:$0x147C0] =	vst v63  }
0x2d: {  	s1 =	sadd.s32 $0x0, s13  }
0x2e: {  	[tilespmem:s25], [sflag:$0x1] =	stream.linear.gather [hbm4b:s1+s3], $0x1388, $0x38;
	[tilespmem:$0x147C0] =	vst v63  }
0x2f: {  	s10 =	sadd.s32 $0x0, s12  }
0x30: {  	[tilespmem:s26], [sflag:$0x2] =	stream.linear.gather [hbm4b:s10+s3], $0x1388, $0x38;
	[tilespmem:$0x147C0] =	vst v63  }
0x31: {  	_ =	swait.ge [sflag:s20], $0x1388  }
0x32: {  	[sflag:s20] =	ssyncset.done $0x0  }
0x33: {  	[sflag:s20] =	ssyncadd.s32 $0xFFFFEC78  }
0x34: {  	_ =	swait.ge [sflag:s28], $0x1388  }
0x35: {  	[sflag:s28] =	ssyncset.done $0x0  }
0x36: {  	[sflag:s28] =	ssyncadd.s32 $0xFFFFEC78  }
0x37: {  	_ =	swait.ge [sflag:s28], $0x1388  }
0x38: {  	[sflag:s28] =	ssyncset.done $0x0  }
0x39: {  	[sflag:s28] =	ssyncadd.s32 $0xFFFFEC78  }
0x3a: {  	_ =	swait.ge [sflag:s28], $0x1388  }
0x3b: {  	[sflag:s28] =	ssyncset.done $0x0  }
0x3c: {  	[sflag:s28] =	ssyncadd.s32 $0xFFFFEC78  }
0x3d: {  	_ =	swait.ge [sflag:s28], $0x1388  }
0x3e: {  	[sflag:s28] =	ssyncset.done $0x0  }
0x3f: {  	[sflag:s28] =	ssyncadd.s32 $0xFFFFEC78  }
0x40: {  	_ =	swait.ge [sflag:s28], $0x1388  }
0x41: {  	[sflag:s28] =	ssyncset.done $0x0  }
0x42: {  	[sflag:s28] =	ssyncadd.s32 $0xFFFFEC78  }
0x43: {  	_ =	swait.ge [sflag:s28], $0x1388  }
0x44: {  	[sflag:s28] =	ssyncset.done $0x0  }
0x45: {  	[sflag:s28] =	ssyncadd.s32 $0xFFFFEC78  }
0x46: {  	[spmem:s2] =	stream.indirect.scatter.add.f32 [tilespmem:s3], [sflag:$0x1], $0x1, s26, s21, $0xb8;
	[tilespmem:$0x147C0] =	vst v63  }
0x47: {  	s11 =	rddreg [dreg:$0x4]  }
0x48: {  	[spmem:s11] =	stream.indirect.scatter.add.f32 [tilespmem:s21], [sflag:$0x1], $0x1, s26, s21, $0xb8;
	[tilespmem:$0x147C0] =	vst v63  }
0x49: {  	_ = 	snop  }
0x4a: {  	[spmem:s5] =	stream.indirect.scatter.add.f32 [tilespmem:s22], [sflag:$0x1], $0x1, s26, s21, $0xb8;
	[tilespmem:$0x147C0] =	vst v63  }
0x4b: {  	_ = 	snop  }
0x4c: {  	[spmem:s6] =	stream.indirect.scatter.add.f32 [tilespmem:s23], [sflag:$0x1], $0x1, s26, s21, $0xb8;
	[tilespmem:$0x147C0] =	vst v63  }
0x4d: {  	_ = 	snop  }
0x4e: {  	[spmem:s7] =	stream.indirect.scatter.add.f32 [tilespmem:s24], [sflag:$0x1], $0x1, s26, s21, $0xb8;
	[tilespmem:$0x147C0] =	vst v63  }
0x4f: {  	_ = 	snop  }
0x50: {  	[spmem:s8] =	stream.indirect.scatter.add.f32 [tilespmem:s25], [sflag:$0x1], $0x1, s26, s21, $0xb8;
	[tilespmem:$0x147C0] =	vst v63  }
0x51: {  	_ = 	snop  }
0x52: {  	[spmem:s9] =	stream.indirect.scatter.add.f32 [tilespmem:s29], [sflag:$0x1], $0x1, s26, s21, $0xb8;
	[tilespmem:$0x147C0] =	vst v63  }
0x53: {  	_ =	swait.ge [sflag:s28], $0x1388  }
0x54: {  	[sflag:s28] =	ssyncset.done $0x0  }
0x55: {  	[sflag:s28] =	ssyncadd.s32 $0xFFFFEC78  }
0x56: {  	_ =	swait.ge [sflag:s28], $0x1388  }
0x57: {  	[sflag:s28] =	ssyncset.done $0x0  }
0x58: {  	[sflag:s28] =	ssyncadd.s32 $0xFFFFEC78  }
0x59: {  	_ =	swait.ge [sflag:s28], $0x1388  }
0x5a: {  	[sflag:s28] =	ssyncset.done $0x0  }
0x5b: {  	[sflag:s28] =	ssyncadd.s32 $0xFFFFEC78  }
0x5c: {  	_ =	swait.ge [sflag:s28], $0x1388  }
0x5d: {  	[sflag:s28] =	ssyncset.done $0x0  }
0x5e: {  	[sflag:s28] =	ssyncadd.s32 $0xFFFFEC78  }
0x5f: {  	_ =	swait.ge [sflag:s28], $0x1388  }
0x60: {  	[sflag:s28] =	ssyncset.done $0x0  }
0x61: {  	[sflag:s28] =	ssyncadd.s32 $0xFFFFEC78  }
0x62: {  	_ =	swait.ge [sflag:s28], $0x1388  }
0x63: {  	[sflag:s28] =	ssyncset.done $0x0  }
0x64: {  	[sflag:s28] =	ssyncadd.s32 $0xFFFFEC78  }
0x65: {  	_ =	swait.ge [sflag:s28], $0x1388  }
0x66: {  	s31 =	simm.s32 $0x271;
	s1 =	simm.s32 $0x4E2;
	[sflag:s28] =	ssyncset.done $0x0  }
.LBB2_6:
0x67: {  	s10 =	sadd.s32 s31, s18;
	[sflag:s28] =	ssyncadd.s32 $0xFFFFEC78  }
0x68: {  	[tilespmem:s3], [sflag:$0x1] =	stream.linear.gather [hbm4b:s10+s3], $0x1388, $0x38;
	[tilespmem:$0x147C0] =	vst v63  }
0x69: {  	s10 =	sadd.s32 s31, s17  }
0x6a: {  	[tilespmem:s21], [sflag:$0x1] =	stream.linear.gather [hbm4b:s10+s3], $0x1388, $0x38;
	[tilespmem:$0x147C0] =	vst v63  }
0x6b: {  	s10 =	sadd.s32 s31, s16  }
0x6c: {  	[tilespmem:s22], [sflag:$0x1] =	stream.linear.gather [hbm4b:s10+s3], $0x1388, $0x38;
	[tilespmem:$0x147C0] =	vst v63  }
0x6d: {  	s10 =	sadd.s32 s31, s15  }
0x6e: {  	[tilespmem:s23], [sflag:$0x1] =	stream.linear.gather [hbm4b:s10+s3], $0x1388, $0x38;
	[tilespmem:$0x147C0] =	vst v63  }
0x6f: {  	s10 =	sadd.s32 s31, s14  }
0x70: {  	[tilespmem:s24], [sflag:$0x1] =	stream.linear.gather [hbm4b:s10+s3], $0x1388, $0x38;
	[tilespmem:$0x147C0] =	vst v63  }
0x71: {  	s10 =	sadd.s32 s31, s13  }
0x72: {  	[tilespmem:s25], [sflag:$0x1] =	stream.linear.gather [hbm4b:s10+s3], $0x1388, $0x38;
	[tilespmem:$0x147C0] =	vst v63  }
0x73: {  	s10 =	sadd.s32 s31, s12  }
0x74: {  	[tilespmem:s26], [sflag:$0x2] =	stream.linear.gather [hbm4b:s10+s3], $0x1388, $0x38;
	[tilespmem:$0x147C0] =	vst v63  }
0x75: {  	_ =	swait.ge [sflag:s20], $0x1388  }
0x76: {  	[sflag:s20] =	ssyncset.done $0x0  }
0x77: {  	[sflag:s20] =	ssyncadd.s32 $0xFFFFEC78  }
0x78: {  	_ =	swait.ge [sflag:s28], $0x1388  }
0x79: {  	[sflag:s28] =	ssyncset.done $0x0  }
0x7a: {  	[sflag:s28] =	ssyncadd.s32 $0xFFFFEC78  }
0x7b: {  	_ =	swait.ge [sflag:s28], $0x1388  }
0x7c: {  	[sflag:s28] =	ssyncset.done $0x0  }
0x7d: {  	[sflag:s28] =	ssyncadd.s32 $0xFFFFEC78  }
0x7e: {  	_ =	swait.ge [sflag:s28], $0x1388  }
0x7f: {  	[sflag:s28] =	ssyncset.done $0x0  }
0x80: {  	[sflag:s28] =	ssyncadd.s32 $0xFFFFEC78  }
0x81: {  	_ =	swait.ge [sflag:s28], $0x1388  }
0x82: {  	[sflag:s28] =	ssyncset.done $0x0  }
0x83: {  	[sflag:s28] =	ssyncadd.s32 $0xFFFFEC78  }
0x84: {  	_ =	swait.ge [sflag:s28], $0x1388  }
0x85: {  	[sflag:s28] =	ssyncset.done $0x0  }
0x86: {  	[sflag:s28] =	ssyncadd.s32 $0xFFFFEC78  }
0x87: {  	_ =	swait.ge [sflag:s28], $0x1388  }
0x88: {  	[sflag:s28] =	ssyncset.done $0x0  }
0x89: {  	s11 =	smov.u32 s1;
	[sflag:s28] =	ssyncadd.s32 $0xFFFFEC78  }
0x8a: {  	[spmem:s2] =	stream.indirect.scatter.add.f32 [tilespmem:s3], [sflag:$0x1], $0x1, s26, s21, $0xb8;
	[tilespmem:$0x147C0] =	vst v63  }
0x8b: {  	s31 =	smov.u32 s11;
	s11 =	rddreg [dreg:$0x4]  }
0x8c: {  	[spmem:s11] =	stream.indirect.scatter.add.f32 [tilespmem:s21], [sflag:$0x1], $0x1, s26, s21, $0xb8;
	[tilespmem:$0x147C0] =	vst v63  }
0x8d: {  	_ = 	snop  }
0x8e: {  	[spmem:s5] =	stream.indirect.scatter.add.f32 [tilespmem:s22], [sflag:$0x1], $0x1, s26, s21, $0xb8;
	[tilespmem:$0x147C0] =	vst v63  }
0x8f: {  	_ = 	snop  }
0x90: {  	[spmem:s6] =	stream.indirect.scatter.add.f32 [tilespmem:s23], [sflag:$0x1], $0x1, s26, s21, $0xb8;
	[tilespmem:$0x147C0] =	vst v63  }
0x91: {  	_ = 	snop  }
0x92: {  	[spmem:s7] =	stream.indirect.scatter.add.f32 [tilespmem:s24], [sflag:$0x1], $0x1, s26, s21, $0xb8;
	[tilespmem:$0x147C0] =	vst v63  }
0x93: {  	_ = 	snop  }
0x94: {  	[spmem:s8] =	stream.indirect.scatter.add.f32 [tilespmem:s25], [sflag:$0x1], $0x1, s26, s21, $0xb8;
	[tilespmem:$0x147C0] =	vst v63  }
0x95: {  	_ = 	snop  }
0x96: {  	[spmem:s9] =	stream.indirect.scatter.add.f32 [tilespmem:s29], [sflag:$0x1], $0x1, s26, s21, $0xb8;
	[tilespmem:$0x147C0] =	vst v63  }
0x97: {  	_ =	swait.ge [sflag:s28], $0x1388  }
0x98: {  	[sflag:s28] =	ssyncset.done $0x0  }
0x99: {  	[sflag:s28] =	ssyncadd.s32 $0xFFFFEC78  }
0x9a: {  	_ =	swait.ge [sflag:s28], $0x1388  }
0x9b: {  	[sflag:s28] =	ssyncset.done $0x0  }
0x9c: {  	[sflag:s28] =	ssyncadd.s32 $0xFFFFEC78  }
0x9d: {  	_ =	swait.ge [sflag:s28], $0x1388  }
0x9e: {  	[sflag:s28] =	ssyncset.done $0x0  }
0x9f: {  	[sflag:s28] =	ssyncadd.s32 $0xFFFFEC78  }
0xa0: {  	_ =	swait.ge [sflag:s28], $0x1388  }
0xa1: {  	[sflag:s28] =	ssyncset.done $0x0  }
0xa2: {  	[sflag:s28] =	ssyncadd.s32 $0xFFFFEC78  }
0xa3: {  	_ =	swait.ge [sflag:s28], $0x1388  }
0xa4: {  	[sflag:s28] =	ssyncset.done $0x0  }
0xa5: {  	p0 =	sne.s32 s1, $0x9C4;
	[sflag:s28] =	ssyncadd.s32 $0xFFFFEC78  }
.Ltmp2:
0xa6: {  	_ =	swait.ge [sflag:s28], $0x1388;
	(pc) =	sbr.rel @p0 .LBB2_6-.Ltmp2, $4  }
0xa7: {  	[sflag:s28] =	ssyncset.done $0x0  }
0xa8: {  	[sflag:s28] =	ssyncadd.s32 $0xFFFFEC78  }
0xa9: {  	s0 =	sadd.s32 $0x271, s1;
	_ =	swait.ge [sflag:s28], $0x1388  }
0xaa: {  	s1 =	smov.u32 s0;
	[sflag:s28] =	ssyncset.done $0x0  }
0xab: {  	s0 =	sadd.s32 s31, s18;
	[sflag:s28] =	ssyncadd.s32 $0xFFFFEC78  }
0xac: {  	[tilespmem:s3], [sflag:$0x1] =	stream.linear.gather [hbm4b:s0+s3], $0x1388, $0x38;
	[tilespmem:$0x147C0] =	vst v63  }
0xad: {  	s10 =	sadd.s32 s31, s17  }
0xae: {  	[tilespmem:s21], [sflag:$0x1] =	stream.linear.gather [hbm4b:s10+s3], $0x1388, $0x38;
	[tilespmem:$0x147C0] =	vst v63  }
0xaf: {  	s11 =	sadd.s32 s31, s16  }
0xb0: {  	[tilespmem:s22], [sflag:$0x1] =	stream.linear.gather [hbm4b:s11+s3], $0x1388, $0x38;
	[tilespmem:$0x147C0] =	vst v63  }
0xb1: {  	s1 =	sadd.s32 s31, s15  }
0xb2: {  	[tilespmem:s23], [sflag:$0x1] =	stream.linear.gather [hbm4b:s1+s3], $0x1388, $0x38;
	[tilespmem:$0x147C0] =	vst v63  }
0xb3: {  	s10 =	sadd.s32 s31, s14  }
0xb4: {  	[tilespmem:s24], [sflag:$0x1] =	stream.linear.gather [hbm4b:s10+s3], $0x1388, $0x38;
	[tilespmem:$0x147C0] =	vst v63  }
0xb5: {  	s11 =	sadd.s32 s31, s13  }
0xb6: {  	[tilespmem:s25], [sflag:$0x1] =	stream.linear.gather [hbm4b:s11+s3], $0x1388, $0x38;
	[tilespmem:$0x147C0] =	vst v63  }
0xb7: {  	s1 =	sadd.s32 s31, s12  }
0xb8: {  	[tilespmem:s26], [sflag:$0x2] =	stream.linear.gather [hbm4b:s1+s3], $0x1388, $0x38;
	[tilespmem:$0x147C0] =	vst v63  }
0xb9: {  	_ =	swait.ge [sflag:s20], $0x1388  }
0xba: {  	[sflag:s20] =	ssyncset.done $0x0  }
0xbb: {  	[sflag:s20] =	ssyncadd.s32 $0xFFFFEC78  }
0xbc: {  	_ =	swait.ge [sflag:s28], $0x1388  }
0xbd: {  	[sflag:s28] =	ssyncset.done $0x0  }
0xbe: {  	[sflag:s28] =	ssyncadd.s32 $0xFFFFEC78  }
0xbf: {  	_ =	swait.ge [sflag:s28], $0x1388  }
0xc0: {  	[sflag:s28] =	ssyncset.done $0x0  }
0xc1: {  	[sflag:s28] =	ssyncadd.s32 $0xFFFFEC78  }
0xc2: {  	_ =	swait.ge [sflag:s28], $0x1388  }
0xc3: {  	[sflag:s28] =	ssyncset.done $0x0  }
0xc4: {  	[sflag:s28] =	ssyncadd.s32 $0xFFFFEC78  }
0xc5: {  	_ =	swait.ge [sflag:s28], $0x1388  }
0xc6: {  	[sflag:s28] =	ssyncset.done $0x0  }
0xc7: {  	[sflag:s28] =	ssyncadd.s32 $0xFFFFEC78  }
0xc8: {  	_ =	swait.ge [sflag:s28], $0x1388  }
0xc9: {  	[sflag:s28] =	ssyncset.done $0x0  }
0xca: {  	[sflag:s28] =	ssyncadd.s32 $0xFFFFEC78  }
0xcb: {  	_ =	swait.ge [sflag:s28], $0x1388  }
0xcc: {  	[sflag:s28] =	ssyncset.done $0x0  }
0xcd: {  	[sflag:s28] =	ssyncadd.s32 $0xFFFFEC78  }
0xce: {  	[spmem:s2] =	stream.indirect.scatter.add.f32 [tilespmem:s3], [sflag:$0x1], $0x1, s26, s21, $0xb8;
	[tilespmem:$0x147C0] =	vst v63  }
0xcf: {  	s10 =	rddreg [dreg:$0x4]  }
0xd0: {  	[spmem:s10] =	stream.indirect.scatter.add.f32 [tilespmem:s21], [sflag:$0x1], $0x1, s26, s21, $0xb8;
	[tilespmem:$0x147C0] =	vst v63  }
0xd1: {  	_ = 	snop  }
0xd2: {  	[spmem:s5] =	stream.indirect.scatter.add.f32 [tilespmem:s22], [sflag:$0x1], $0x1, s26, s21, $0xb8;
	[tilespmem:$0x147C0] =	vst v63  }
0xd3: {  	_ = 	snop  }
0xd4: {  	[spmem:s6] =	stream.indirect.scatter.add.f32 [tilespmem:s23], [sflag:$0x1], $0x1, s26, s21, $0xb8;
	[tilespmem:$0x147C0] =	vst v63  }
0xd5: {  	_ = 	snop  }
0xd6: {  	[spmem:s7] =	stream.indirect.scatter.add.f32 [tilespmem:s24], [sflag:$0x1], $0x1, s26, s21, $0xb8;
	[tilespmem:$0x147C0] =	vst v63  }
0xd7: {  	_ = 	snop  }
0xd8: {  	[spmem:s8] =	stream.indirect.scatter.add.f32 [tilespmem:s25], [sflag:$0x1], $0x1, s26, s21, $0xb8;
	[tilespmem:$0x147C0] =	vst v63  }
0xd9: {  	_ = 	snop  }
0xda: {  	[spmem:s9] =	stream.indirect.scatter.add.f32 [tilespmem:s29], [sflag:$0x1], $0x1, s26, s21, $0xb8;
	[tilespmem:$0x147C0] =	vst v63  }
0xdb: {  	_ =	swait.ge [sflag:s28], $0x1388  }
0xdc: {  	[sflag:s28] =	ssyncset.done $0x0  }
0xdd: {  	[sflag:s28] =	ssyncadd.s32 $0xFFFFEC78  }
0xde: {  	_ =	swait.ge [sflag:s28], $0x1388  }
0xdf: {  	[sflag:s28] =	ssyncset.done $0x0  }
0xe0: {  	[sflag:s28] =	ssyncadd.s32 $0xFFFFEC78  }
0xe1: {  	_ =	swait.ge [sflag:s28], $0x1388  }
0xe2: {  	[sflag:s28] =	ssyncset.done $0x0  }
0xe3: {  	[sflag:s28] =	ssyncadd.s32 $0xFFFFEC78  }
0xe4: {  	_ =	swait.ge [sflag:s28], $0x1388  }
0xe5: {  	[sflag:s28] =	ssyncset.done $0x0  }
0xe6: {  	[sflag:s28] =	ssyncadd.s32 $0xFFFFEC78  }
0xe7: {  	_ =	swait.ge [sflag:s28], $0x1388  }
0xe8: {  	[sflag:s28] =	ssyncset.done $0x0  }
0xe9: {  	[sflag:s28] =	ssyncadd.s32 $0xFFFFEC78  }
0xea: {  	_ =	swait.ge [sflag:s28], $0x1388  }
0xeb: {  	[sflag:s28] =	ssyncset.done $0x0  }
0xec: {  	[sflag:s28] =	ssyncadd.s32 $0xFFFFEC78  }
0xed: {  	_ =	swait.ge [sflag:s28], $0x1388  }
0xee: {  	[sflag:s28] =	ssyncset.done $0x0  }
0xef: {  	[sflag:s28] =	ssyncadd.s32 $0xFFFFEC78  }
0xf0: {  	[bflag:$0x0] =	sbarrier.arrive $0xFFFF  }
0xf1: {  	[tilespmem:s19], [sflag:$0x2] =	stream.linear.gather [spmem:s4], $0x55C0, $0x38;
	[tilespmem:$0x147C0] =	vst v63  }
0xf2: {  	_ =	swait.ge [sflag:s20], $0x55C0  }
0xf3: {  	[sflag:s20] =	ssyncset.done $0x0  }
0xf4: {  	s11 =	rddreg [dreg:$0x5];
	[sflag:s20] =	ssyncadd.s32 $0xFFFFAA40  }
0xf5: {  	[hbm4b:s11+s3] =	stream.linear.scatter [tilespmem:s19], [sflag:$0x2], $0x55C0, $0x38;
	[tilespmem:$0x147C0] =	vst v63  }
0xf6: {  	_ =	swait.ge [sflag:s20], $0x55C0  }
0xf7: {  	s30 =	sadd.s32 $0x1, s30;
	s31 =	rddreg [dreg:$0x6]  }
0xf8: {  	p0 =	sne.s32 s30, s31  }
.Ltmp3:
0xf9: {  	_ = 	snop;
	(pc) =	sbr.rel @p0 .LBB2_1-.Ltmp3, $3  }
0xfa: {  	_ =	sdelay $0x1  }
0xfb: {  	[sflag:s20] =	ssyncset.done $0x0  }
0xfc: {  	[sflag:s20] =	ssyncadd.s32 $0xFFFFAA40  }
0xfd: {  	_ =	sfence.sel $0x180000  }
0xfe: {  	[bflag:$0x0] =	sbarrier.arrive $0xFFFF  }
0xff: {  	_ =	strace $0x90000047  }
0x100: {  	s0 =	stileid.u32;
	[bflag:$0x2] =	sbarrier.arrive $0xFFFF  }
0x101: {  	p0 =	sne.s32 s0, $0x0;
	s0 =	rddreg [dreg:$0x3]  }
0x102: {  	s0 =	sadd.s32 @!p0 $0x100000, s0  }
0x103: {  	[sflag:s0] =	ssyncadd.tile.s32 @!p0 $0x1;
	_ =	shalt  }
.Lfunc_end2:
_tile_overlayer_lowered:
.L_overlay_start_2:
0x104: {  	(tag) =	ssettag $0x2  }
0x105: {  	s0 =	rddreg [dreg:$0x0];
	s2 =	stileid.u32  }
0x106: {  	s1 =	rddreg [dreg:$0x1];
	p0 =	sne.s32 s2, $0x0  }
0x107: {  	s3 =	rddreg [dreg:$0x2];
	[bflag:$0x3] =	sbarrier.arrive $0xFFFF;
	s2 =	simm.s32 @!p0 $0x1C02  }
0x108: {  	[timem:s3], [sflag:s2] =	dma.local @!p0 [hbm:s0], s1  }
0x109: {  	s0 =	simm.s32 @!p0 $0x2  }
0x10a: {  	_ =	swait.ge @!p0 [sflag:s0], s1  }
0x10b: {  	s1 =	ssub.s32 @!p0 $0x0, s1;
	[sflag:s0] =	ssyncset.done @!p0 $0x0  }
0x10c: {  	[sflag:s0] =	ssyncadd.s32 @!p0 s1  }
0x10d: {  	[bflag:$0x3] =	sbarrier.arrive $0xFFFF  }
0x10e: {  	_ =	shalt  }

</sc_bundles>
